<compile_context>
chip_gen: v7x
topology: tpu7x:2x2x1
jax: 0.10.2.dev20260603
libtpu: 0.0.44.dev20260713+nightly
codegen_flags: <defaults>
</compile_context>

<pallas_src>
import functools
import jax
import jax.numpy as jnp
from jax import lax
from jax.experimental import pallas as pl
from jax.experimental.pallas import tpu as pltpu
from jax.experimental.pallas import tpu_sc as plsc

B = 16384
L = 20
V = 1000
NC = 2
NS = 16
NW = NC * NS
COLS_W = B // NW
CHUNK = 128
NCHUNK = COLS_W // CHUNK
KV = CHUNK // 16

_mesh = plsc.VectorSubcoreMesh(core_axis_name="c", subcore_axis_name="s")


@functools.partial(
    pl.kernel,
    mesh=_mesh,
    out_type=jax.ShapeDtypeStruct((V, B), jnp.float32),
    scratch_types=[
        pltpu.VMEM((L, CHUNK), jnp.int32),
        pltpu.VMEM((V, CHUNK), jnp.float32),
    ],
    compiler_params=pltpu.CompilerParams(needs_layout_passes=False),
)
def _sc_multihot_t(names_hbm, out_hbm, names_v, buf):
    wid = lax.axis_index("s") * NC + lax.axis_index("c")
    base_col = wid * COLS_W

    zero16 = jnp.zeros((16,), jnp.float32)
    one16 = jnp.ones((16,), jnp.float32)
    lane = lax.iota(jnp.int32, 16)
    cols = [lane + k * 16 for k in range(KV)]

    def zer(r, _):
        for k in range(KV):
            buf[r, pl.ds(k * 16, 16)] = zero16
        return 0
    lax.fori_loop(0, V, zer, 0)

    def scatter_rows(val16):
        for l in range(L):
            for k in range(KV):
                row = names_v[l, pl.ds(k * 16, 16)]
                plsc.store_scatter(buf, [row, cols[k]], val16)

    def chunk_body(c, _):
        col0 = base_col + c * CHUNK
        pltpu.sync_copy(names_hbm.at[:, pl.ds(col0, CHUNK)], names_v)
        scatter_rows(one16)
        pltpu.sync_copy(buf, out_hbm.at[:, pl.ds(col0, CHUNK)])

        @pl.when(c < NCHUNK - 1)
        def _clear():
            scatter_rows(zero16)

        return 0
    lax.fori_loop(0, NCHUNK, chunk_body, 0)


def kernel(names, vals):
    del vals
    names_t = names.astype(jnp.int32).T
    return _sc_multihot_t(names_t).T

# --- scband reference (transcript-rebuilt; emitter-appended) ---
"""Pipeline reference for scband-multinames-to-multihot-57131654971403 (READ-ONLY COPY).

The authoritative reference and input builder live on the scoring server;
editing this copy changes nothing except your own understanding.
"""

import jax, jax.numpy as jnp
import numpy as np

B = 16384
L = 20
V = 1000

def setup_inputs(seed: int = 0) -> dict:
    key = jax.random.key(seed)
    k1, k2 = jax.random.split(key)
    # names: for each sample, L label indices into the V-sized class vocabulary
    names = jax.random.randint(k1, (B, L), 0, V, dtype=jnp.int64)
    # vals: the scatter source (ones, matching multihot 'present' marker)
    vals = jnp.ones((B, L), dtype=jnp.float32)
    return {"names": names, "vals": vals}

def reference(names, vals):
    # multinames_to_multihot: for each sample b, set multihot[b, idx] = 1 for every
    # idx appearing in names[b]. Duplicates are handled via scatter-max (idempotent),
    # matching set-semantics of the original multihot construction.
    rows = jnp.arange(B, dtype=names.dtype)[:, None]  # [B, 1] broadcast against [B, L]
    multihot = jnp.zeros((B, V), dtype=jnp.float32)
    multihot = multihot.at[rows, names].max(vals)
    return multihot

if __name__ == "__main__":
    import jax
    _d = setup_inputs()
    print(jax.jit(kernel)(*tuple(_d.values())))

</pallas_src>

<mosaic_0001>
#map = affine_map<(d0, d1) -> (0, 0)>
module attributes {stable_mosaic.version = 14 : i64} {
  func.func @_sc_multihot_t(%arg0: i32, %arg1: i32, %arg2: memref<20x16384xi32, #tpu.memory_space<hbm>>, %arg3: memref<1000x16384xf32, #tpu.memory_space<hbm>>, %arg4: memref<20x128xi32, #tpu.memory_space<vmem>>, %arg5: memref<1000x128xf32, #tpu.memory_space<vmem>>) attributes {dimension_semantics = [#tpu.dimension_semantics<core_parallel>, #tpu.dimension_semantics<subcore_parallel>], iteration_bounds = array<i64: 2, 16>, scalar_prefetch = 0 : i64, scratch_operands = 2 : i64, tpu.core_type = #tpu.core_type<sc_vector_subcore>, window_params = [{transform_indices = #map}, {transform_indices = #map}]} {
    %mul3A = arith.constant 2 : i32
    %mul3A_0 = arith.muli %arg1, %mul3A : i32
    %add3A = arith.addi %mul3A_0, %arg0 : i32
    %mul3A_1 = arith.constant 512 : i32
    %mul3A_2 = arith.muli %add3A, %mul3A_1 : i32
    %broadcast_in_dim3A = arith.constant 0.000000e+00 : f32
    %broadcast_in_dim3A_3 = vector.broadcast %broadcast_in_dim3A : f32 to vector<16xf32>
    %broadcast_in_dim3A_4 = arith.constant 1.000000e+00 : f32
    %broadcast_in_dim3A_5 = vector.broadcast %broadcast_in_dim3A_4 : f32 to vector<16xf32>
    %iota3A = tpu.iota {dimensions = array<i32: 0>} : vector<16xi32>
    %add3A_6 = arith.constant 0 : i32
    %add3A_7 = vector.broadcast %add3A_6 : i32 to vector<16xi32>
    %add3A_8 = arith.addi %iota3A, %add3A_7 : vector<16xi32>
    %add3A_9 = arith.constant 16 : i32
    %add3A_10 = vector.broadcast %add3A_9 : i32 to vector<16xi32>
    %add3A_11 = arith.addi %iota3A, %add3A_10 : vector<16xi32>
    %add3A_12 = arith.constant 32 : i32
    %add3A_13 = vector.broadcast %add3A_12 : i32 to vector<16xi32>
    %add3A_14 = arith.addi %iota3A, %add3A_13 : vector<16xi32>
    %add3A_15 = arith.constant 48 : i32
    %add3A_16 = vector.broadcast %add3A_15 : i32 to vector<16xi32>
    %add3A_17 = arith.addi %iota3A, %add3A_16 : vector<16xi32>
    %add3A_18 = arith.constant 64 : i32
    %add3A_19 = vector.broadcast %add3A_18 : i32 to vector<16xi32>
    %add3A_20 = arith.addi %iota3A, %add3A_19 : vector<16xi32>
    %add3A_21 = arith.constant 80 : i32
    %add3A_22 = vector.broadcast %add3A_21 : i32 to vector<16xi32>
    %add3A_23 = arith.addi %iota3A, %add3A_22 : vector<16xi32>
    %add3A_24 = arith.constant 96 : i32
    %add3A_25 = vector.broadcast %add3A_24 : i32 to vector<16xi32>
    %add3A_26 = arith.addi %iota3A, %add3A_25 : vector<16xi32>
    %add3A_27 = arith.constant 112 : i32
    %add3A_28 = vector.broadcast %add3A_27 : i32 to vector<16xi32>
    %add3A_29 = arith.addi %iota3A, %add3A_28 : vector<16xi32>
    %scan3A = arith.constant 0 : i32
    %scan3A_30 = arith.constant 0 : i32
    %scan3A_31 = arith.constant 1000 : i32
    %scan3A_32 = arith.addi %scan3A_30, %scan3A_31 : i32
    %scan3A_33 = arith.constant 1 : i32
    %scan3A_34 = scf.for %scan3A_43 = %scan3A_30 to %scan3A_32 step %scan3A_33 iter_args(%scan3A_44 = %scan3A) -> (i32)  : i32 {
      %swap3A = arith.index_cast %scan3A_43 : i32 to index
      %swap3A_45 = arith.constant 0 : index
      %swap3A_46 = tpu.vector_load %arg5[%swap3A, %swap3A_45] {strides = array<i32>} : memref<1000x128xf32, #tpu.memory_space<vmem>>, vector<16xf32>,
      tpu.vector_store %arg5[%swap3A, %swap3A_45], %broadcast_in_dim3A_3 {strides = array<i32>} : memref<1000x128xf32, #tpu.memory_space<vmem>>, vector<16xf32>,
      %swap3A_47 = arith.index_cast %scan3A_43 : i32 to index
      %swap3A_48 = arith.constant 16 : index
      %swap3A_49 = tpu.vector_load %arg5[%swap3A_47, %swap3A_48] {strides = array<i32>} : memref<1000x128xf32, #tpu.memory_space<vmem>>, vector<16xf32>,
      tpu.vector_store %arg5[%swap3A_47, %swap3A_48], %broadcast_in_dim3A_3 {strides = array<i32>} : memref<1000x128xf32, #tpu.memory_space<vmem>>, vector<16xf32>,
      %swap3A_50 = arith.index_cast %scan3A_43 : i32 to index
      %swap3A_51 = arith.constant 32 : index
      %swap3A_52 = tpu.vector_load %arg5[%swap3A_50, %swap3A_51] {strides = array<i32>} : memref<1000x128xf32, #tpu.memory_space<vmem>>, vector<16xf32>,
      tpu.vector_store %arg5[%swap3A_50, %swap3A_51], %broadcast_in_dim3A_3 {strides = array<i32>} : memref<1000x128xf32, #tpu.memory_space<vmem>>, vector<16xf32>,
      %swap3A_53 = arith.index_cast %scan3A_43 : i32 to index
      %swap3A_54 = arith.constant 48 : index
      %swap3A_55 = tpu.vector_load %arg5[%swap3A_53, %swap3A_54] {strides = array<i32>} : memref<1000x128xf32, #tpu.memory_space<vmem>>, vector<16xf32>,
      tpu.vector_store %arg5[%swap3A_53, %swap3A_54], %broadcast_in_dim3A_3 {strides = array<i32>} : memref<1000x128xf32, #tpu.memory_space<vmem>>, vector<16xf32>,
      %swap3A_56 = arith.index_cast %scan3A_43 : i32 to index
      %swap3A_57 = arith.constant 64 : index
      %swap3A_58 = tpu.vector_load %arg5[%swap3A_56, %swap3A_57] {strides = array<i32>} : memref<1000x128xf32, #tpu.memory_space<vmem>>, vector<16xf32>,
      tpu.vector_store %arg5[%swap3A_56, %swap3A_57], %broadcast_in_dim3A_3 {strides = array<i32>} : memref<1000x128xf32, #tpu.memory_space<vmem>>, vector<16xf32>,
      %swap3A_59 = arith.index_cast %scan3A_43 : i32 to index
      %swap3A_60 = arith.constant 80 : index
      %swap3A_61 = tpu.vector_load %arg5[%swap3A_59, %swap3A_60] {strides = array<i32>} : memref<1000x128xf32, #tpu.memory_space<vmem>>, vector<16xf32>,
      tpu.vector_store %arg5[%swap3A_59, %swap3A_60], %broadcast_in_dim3A_3 {strides = array<i32>} : memref<1000x128xf32, #tpu.memory_space<vmem>>, vector<16xf32>,
      %swap3A_62 = arith.index_cast %scan3A_43 : i32 to index
      %swap3A_63 = arith.constant 96 : index
      %swap3A_64 = tpu.vector_load %arg5[%swap3A_62, %swap3A_63] {strides = array<i32>} : memref<1000x128xf32, #tpu.memory_space<vmem>>, vector<16xf32>,
      tpu.vector_store %arg5[%swap3A_62, %swap3A_63], %broadcast_in_dim3A_3 {strides = array<i32>} : memref<1000x128xf32, #tpu.memory_space<vmem>>, vector<16xf32>,
      %swap3A_65 = arith.index_cast %scan3A_43 : i32 to index
      %swap3A_66 = arith.constant 112 : index
      %swap3A_67 = tpu.vector_load %arg5[%swap3A_65, %swap3A_66] {strides = array<i32>} : memref<1000x128xf32, #tpu.memory_space<vmem>>, vector<16xf32>,
      tpu.vector_store %arg5[%swap3A_65, %swap3A_66], %broadcast_in_dim3A_3 {strides = array<i32>} : memref<1000x128xf32, #tpu.memory_space<vmem>>, vector<16xf32>,
      %scan3A_68 = arith.constant 0 : i32
      scf.yield %scan3A_68 : i32
    }
    %scan3A_35 = arith.constant 1000 : i32
    %scan3A_36 = arith.constant 0 : i32
    %scan3A_37 = arith.constant 0 : i32
    %scan3A_38 = arith.constant 4 : i32
    %scan3A_39 = arith.addi %scan3A_37, %scan3A_38 : i32
    %scan3A_40 = arith.constant 1 : i32
    %scan3A_41 = scf.for %scan3A_43 = %scan3A_37 to %scan3A_39 step %scan3A_40 iter_args(%scan3A_44 = %scan3A_36) -> (i32)  : i32 {
      %mul3A_45 = arith.constant 128 : i32
      %mul3A_46 = arith.muli %scan3A_43, %mul3A_45 : i32
      %add3A_47 = arith.addi %mul3A_2, %mul3A_46 : i32
      "tpu.region"() ({
        %run_scoped3A = tpu.sem_alloc : memref<!tpu.dma_semaphore, #tpu.memory_space<semaphore_mem>>
        %dma_start3A = arith.constant 0 : i32
        %dma_start3A_690 = tpu.memref_slice %arg2[%dma_start3A, %add3A_47] : memref<20x16384xi32, #tpu.memory_space<hbm>> -> memref<20x128xi32, #tpu.memory_space<hbm>>
        %dma_start3A_691 = arith.constant 0 : i32
        %dma_start3A_692 = tpu.memref_slice %arg2[%dma_start3A_691, %add3A_47] : memref<20x16384xi32, #tpu.memory_space<hbm>> -> memref<20x128xi32, #tpu.memory_space<hbm>>
        tpu.enqueue_dma source(%dma_start3A_692 : memref<20x128xi32, #tpu.memory_space<hbm>>) target(%arg4 : memref<20x128xi32, #tpu.memory_space<vmem>>) target_semaphore(%run_scoped3A : memref<!tpu.dma_semaphore, #tpu.memory_space<semaphore_mem>>)
        %dma_wait3A = arith.constant 0 : i32
        %dma_wait3A_693 = tpu.memref_slice %arg2[%dma_wait3A, %add3A_47] : memref<20x16384xi32, #tpu.memory_space<hbm>> -> memref<20x128xi32, #tpu.memory_space<hbm>>
        %dma_wait3A_694 = arith.constant 0 : i32
        %dma_wait3A_695 = tpu.memref_slice %arg2[%dma_wait3A_694, %add3A_47] : memref<20x16384xi32, #tpu.memory_space<hbm>> -> memref<20x128xi32, #tpu.memory_space<hbm>>
        tpu.wait_dma2 semaphore(%run_scoped3A : memref<!tpu.dma_semaphore, #tpu.memory_space<semaphore_mem>>) src(%dma_wait3A_695 : memref<20x128xi32, #tpu.memory_space<hbm>>) dst(%arg4 : memref<20x128xi32, #tpu.memory_space<vmem>>)
        tpu.yield
      }) : () -> ()
      %get3A = arith.constant 0 : i32
      %get3A_48 = arith.index_cast %get3A : i32 to index
      %get3A_49 = arith.constant 0 : index
      %get3A_50 = tpu.vector_load %arg4[%get3A_48, %get3A_49] {strides = array<i32>} : memref<20x128xi32, #tpu.memory_space<vmem>>, vector<16xi32>,
      tpu.vector_store_idx %arg5[%get3A_50, %add3A_8], %broadcast_in_dim3A_5 : memref<1000x128xf32, #tpu.memory_space<vmem>>[vector<16xi32>, vector<16xi32>], vector<16xf32>,
      %get3A_51 = arith.constant 0 : i32
      %get3A_52 = arith.index_cast %get3A_51 : i32 to index
      %get3A_53 = arith.constant 16 : index
      %get3A_54 = tpu.vector_load %arg4[%get3A_52, %get3A_53] {strides = array<i32>} : memref<20x128xi32, #tpu.memory_space<vmem>>, vector<16xi32>,
      tpu.vector_store_idx %arg5[%get3A_54, %add3A_11], %broadcast_in_dim3A_5 : memref<1000x128xf32, #tpu.memory_space<vmem>>[vector<16xi32>, vector<16xi32>], vector<16xf32>,
      %get3A_55 = arith.constant 0 : i32
      %get3A_56 = arith.index_cast %get3A_55 : i32 to index
      %get3A_57 = arith.constant 32 : index
      %get3A_58 = tpu.vector_load %arg4[%get3A_56, %get3A_57] {strides = array<i32>} : memref<20x128xi32, #tpu.memory_space<vmem>>, vector<16xi32>,
      tpu.vector_store_idx %arg5[%get3A_58, %add3A_14], %broadcast_in_dim3A_5 : memref<1000x128xf32, #tpu.memory_space<vmem>>[vector<16xi32>, vector<16xi32>], vector<16xf32>,
      %get3A_59 = arith.constant 0 : i32
      %get3A_60 = arith.index_cast %get3A_59 : i32 to index
      %get3A_61 = arith.constant 48 : index
      %get3A_62 = tpu.vector_load %arg4[%get3A_60, %get3A_61] {strides = array<i32>} : memref<20x128xi32, #tpu.memory_space<vmem>>, vector<16xi32>,
      tpu.vector_store_idx %arg5[%get3A_62, %add3A_17], %broadcast_in_dim3A_5 : memref<1000x128xf32, #tpu.memory_space<vmem>>[vector<16xi32>, vector<16xi32>], vector<16xf32>,
      %get3A_63 = arith.constant 0 : i32
      %get3A_64 = arith.index_cast %get3A_63 : i32 to index
      %get3A_65 = arith.constant 64 : index
      %get3A_66 = tpu.vector_load %arg4[%get3A_64, %get3A_65] {strides = array<i32>} : memref<20x128xi32, #tpu.memory_space<vmem>>, vector<16xi32>,
      tpu.vector_store_idx %arg5[%get3A_66, %add3A_20], %broadcast_in_dim3A_5 : memref<1000x128xf32, #tpu.memory_space<vmem>>[vector<16xi32>, vector<16xi32>], vector<16xf32>,
      %get3A_67 = arith.constant 0 : i32
      %get3A_68 = arith.index_cast %get3A_67 : i32 to index
      %get3A_69 = arith.constant 80 : index
      %get3A_70 = tpu.vector_load %arg4[%get3A_68, %get3A_69] {strides = array<i32>} : memref<20x128xi32, #tpu.memory_space<vmem>>, vector<16xi32>,
      tpu.vector_store_idx %arg5[%get3A_70, %add3A_23], %broadcast_in_dim3A_5 : memref<1000x128xf32, #tpu.memory_space<vmem>>[vector<16xi32>, vector<16xi32>], vector<16xf32>,
      %get3A_71 = arith.constant 0 : i32
      %get3A_72 = arith.index_cast %get3A_71 : i32 to index
      %get3A_73 = arith.constant 96 : index
      %get3A_74 = tpu.vector_load %arg4[%get3A_72, %get3A_73] {strides = array<i32>} : memref<20x128xi32, #tpu.memory_space<vmem>>, vector<16xi32>,
      tpu.vector_store_idx %arg5[%get3A_74, %add3A_26], %broadcast_in_dim3A_5 : memref<1000x128xf32, #tpu.memory_space<vmem>>[vector<16xi32>, vector<16xi32>], vector<16xf32>,
      %get3A_75 = arith.constant 0 : i32
      %get3A_76 = arith.index_cast %get3A_75 : i32 to index
      %get3A_77 = arith.constant 112 : index
      %get3A_78 = tpu.vector_load %arg4[%get3A_76, %get3A_77] {strides = array<i32>} : memref<20x128xi32, #tpu.memory_space<vmem>>, vector<16xi32>,
      tpu.vector_store_idx %arg5[%get3A_78, %add3A_29], %broadcast_in_dim3A_5 : memref<1000x128xf32, #tpu.memory_space<vmem>>[vector<16xi32>, vector<16xi32>], vector<16xf32>,
      %get3A_79 = arith.constant 1 : i32
      %get3A_80 = arith.index_cast %get3A_79 : i32 to index
      %get3A_81 = arith.constant 0 : index
      %get3A_82 = tpu.vector_load %arg4[%get3A_80, %get3A_81] {strides = array<i32>} : memref<20x128xi32, #tpu.memory_space<vmem>>, vector<16xi32>,
      tpu.vector_store_idx %arg5[%get3A_82, %add3A_8], %broadcast_in_dim3A_5 : memref<1000x128xf32, #tpu.memory_space<vmem>>[vector<16xi32>, vector<16xi32>], vector<16xf32>,
      %get3A_83 = arith.constant 1 : i32
      %get3A_84 = arith.index_cast %get3A_83 : i32 to index
      %get3A_85 = arith.constant 16 : index
      %get3A_86 = tpu.vector_load %arg4[%get3A_84, %get3A_85] {strides = array<i32>} : memref<20x128xi32, #tpu.memory_space<vmem>>, vector<16xi32>,
      tpu.vector_store_idx %arg5[%get3A_86, %add3A_11], %broadcast_in_dim3A_5 : memref<1000x128xf32, #tpu.memory_space<vmem>>[vector<16xi32>, vector<16xi32>], vector<16xf32>,
      %get3A_87 = arith.constant 1 : i32
      %get3A_88 = arith.index_cast %get3A_87 : i32 to index
      %get3A_89 = arith.constant 32 : index
      %get3A_90 = tpu.vector_load %arg4[%get3A_88, %get3A_89] {strides = array<i32>} : memref<20x128xi32, #tpu.memory_space<vmem>>, vector<16xi32>,
      tpu.vector_store_idx %arg5[%get3A_90, %add3A_14], %broadcast_in_dim3A_5 : memref<1000x128xf32, #tpu.memory_space<vmem>>[vector<16xi32>, vector<16xi32>], vector<16xf32>,
      %get3A_91 = arith.constant 1 : i32
      %get3A_92 = arith.index_cast %get3A_91 : i32 to index
      %get3A_93 = arith.constant 48 : index
      %get3A_94 = tpu.vector_load %arg4[%get3A_92, %get3A_93] {strides = array<i32>} : memref<20x128xi32, #tpu.memory_space<vmem>>, vector<16xi32>,
      tpu.vector_store_idx %arg5[%get3A_94, %add3A_17], %broadcast_in_dim3A_5 : memref<1000x128xf32, #tpu.memory_space<vmem>>[vector<16xi32>, vector<16xi32>], vector<16xf32>,
      %get3A_95 = arith.constant 1 : i32
      %get3A_96 = arith.index_cast %get3A_95 : i32 to index
      %get3A_97 = arith.constant 64 : index
      %get3A_98 = tpu.vector_load %arg4[%get3A_96, %get3A_97] {strides = array<i32>} : memref<20x128xi32, #tpu.memory_space<vmem>>, vector<16xi32>,
      tpu.vector_store_idx %arg5[%get3A_98, %add3A_20], %broadcast_in_dim3A_5 : memref<1000x128xf32, #tpu.memory_space<vmem>>[vector<16xi32>, vector<16xi32>], vector<16xf32>,
      %get3A_99 = arith.constant 1 : i32
      %get3A_100 = arith.index_cast %get3A_99 : i32 to index
      %get3A_101 = arith.constant 80 : index
      %get3A_102 = tpu.vector_load %arg4[%get3A_100, %get3A_101] {strides = array<i32>} : memref<20x128xi32, #tpu.memory_space<vmem>>, vector<16xi32>,
      tpu.vector_store_idx %arg5[%get3A_102, %add3A_23], %broadcast_in_dim3A_5 : memref<1000x128xf32, #tpu.memory_space<vmem>>[vector<16xi32>, vector<16xi32>], vector<16xf32>,
      %get3A_103 = arith.constant 1 : i32
      %get3A_104 = arith.index_cast %get3A_103 : i32 to index
      %get3A_105 = arith.constant 96 : index
      %get3A_106 = tpu.vector_load %arg4[%get3A_104, %get3A_105] {strides = array<i32>} : memref<20x128xi32, #tpu.memory_space<vmem>>, vector<16xi32>,
      tpu.vector_store_idx %arg5[%get3A_106, %add3A_26], %broadcast_in_dim3A_5 : memref<1000x128xf32, #tpu.memory_space<vmem>>[vector<16xi32>, vector<16xi32>], vector<16xf32>,
      %get3A_107 = arith.constant 1 : i32
      %get3A_108 = arith.index_cast %get3A_107 : i32 to index
      %get3A_109 = arith.constant 112 : index
      %get3A_110 = tpu.vector_load %arg4[%get3A_108, %get3A_109] {strides = array<i32>} : memref<20x128xi32, #tpu.memory_space<vmem>>, vector<16xi32>,
      tpu.vector_store_idx %arg5[%get3A_110, %add3A_29], %broadcast_in_dim3A_5 : memref<1000x128xf32, #tpu.memory_space<vmem>>[vector<16xi32>, vector<16xi32>], vector<16xf32>,
      %get3A_111 = arith.constant 2 : i32
      %get3A_112 = arith.index_cast %get3A_111 : i32 to index
      %get3A_113 = arith.constant 0 : index
      %get3A_114 = tpu.vector_load %arg4[%get3A_112, %get3A_113] {strides = array<i32>} : memref<20x128xi32, #tpu.memory_space<vmem>>, vector<16xi32>,
      tpu.vector_store_idx %arg5[%get3A_114, %add3A_8], %broadcast_in_dim3A_5 : memref<1000x128xf32, #tpu.memory_space<vmem>>[vector<16xi32>, vector<16xi32>], vector<16xf32>,
      %get3A_115 = arith.constant 2 : i32
      %get3A_116 = arith.index_cast %get3A_115 : i32 to index
      %get3A_117 = arith.constant 16 : index
      %get3A_118 = tpu.vector_load %arg4[%get3A_116, %get3A_117] {strides = array<i32>} : memref<20x128xi32, #tpu.memory_space<vmem>>, vector<16xi32>,
      tpu.vector_store_idx %arg5[%get3A_118, %add3A_11], %broadcast_in_dim3A_5 : memref<1000x128xf32, #tpu.memory_space<vmem>>[vector<16xi32>, vector<16xi32>], vector<16xf32>,
      %get3A_119 = arith.constant 2 : i32
      %get3A_120 = arith.index_cast %get3A_119 : i32 to index
      %get3A_121 = arith.constant 32 : index
      %get3A_122 = tpu.vector_load %arg4[%get3A_120, %get3A_121] {strides = array<i32>} : memref<20x128xi32, #tpu.memory_space<vmem>>, vector<16xi32>,
      tpu.vector_store_idx %arg5[%get3A_122, %add3A_14], %broadcast_in_dim3A_5 : memref<1000x128xf32, #tpu.memory_space<vmem>>[vector<16xi32>, vector<16xi32>], vector<16xf32>,
      %get3A_123 = arith.constant 2 : i32
      %get3A_124 = arith.index_cast %get3A_123 : i32 to index
      %get3A_125 = arith.constant 48 : index
      %get3A_126 = tpu.vector_load %arg4[%get3A_124, %get3A_125] {strides = array<i32>} : memref<20x128xi32, #tpu.memory_space<vmem>>, vector<16xi32>,
      tpu.vector_store_idx %arg5[%get3A_126, %add3A_17], %broadcast_in_dim3A_5 : memref<1000x128xf32, #tpu.memory_space<vmem>>[vector<16xi32>, vector<16xi32>], vector<16xf32>,
      %get3A_127 = arith.constant 2 : i32
      %get3A_128 = arith.index_cast %get3A_127 : i32 to index
      %get3A_129 = arith.constant 64 : index
      %get3A_130 = tpu.vector_load %arg4[%get3A_128, %get3A_129] {strides = array<i32>} : memref<20x128xi32, #tpu.memory_space<vmem>>, vector<16xi32>,
      tpu.vector_store_idx %arg5[%get3A_130, %add3A_20], %broadcast_in_dim3A_5 : memref<1000x128xf32, #tpu.memory_space<vmem>>[vector<16xi32>, vector<16xi32>], vector<16xf32>,
      %get3A_131 = arith.constant 2 : i32
      %get3A_132 = arith.index_cast %get3A_131 : i32 to index
      %get3A_133 = arith.constant 80 : index
      %get3A_134 = tpu.vector_load %arg4[%get3A_132, %get3A_133] {strides = array<i32>} : memref<20x128xi32, #tpu.memory_space<vmem>>, vector<16xi32>,
      tpu.vector_store_idx %arg5[%get3A_134, %add3A_23], %broadcast_in_dim3A_5 : memref<1000x128xf32, #tpu.memory_space<vmem>>[vector<16xi32>, vector<16xi32>], vector<16xf32>,
      %get3A_135 = arith.constant 2 : i32
      %get3A_136 = arith.index_cast %get3A_135 : i32 to index
      %get3A_137 = arith.constant 96 : index
      %get3A_138 = tpu.vector_load %arg4[%get3A_136, %get3A_137] {strides = array<i32>} : memref<20x128xi32, #tpu.memory_space<vmem>>, vector<16xi32>,
      tpu.vector_store_idx %arg5[%get3A_138, %add3A_26], %broadcast_in_dim3A_5 : memref<1000x128xf32, #tpu.memory_space<vmem>>[vector<16xi32>, vector<16xi32>], vector<16xf32>,
      %get3A_139 = arith.constant 2 : i32
      %get3A_140 = arith.index_cast %get3A_139 : i32 to index
      %get3A_141 = arith.constant 112 : index
      %get3A_142 = tpu.vector_load %arg4[%get3A_140, %get3A_141] {strides = array<i32>} : memref<20x128xi32, #tpu.memory_space<vmem>>, vector<16xi32>,
      tpu.vector_store_idx %arg5[%get3A_142, %add3A_29], %broadcast_in_dim3A_5 : memref<1000x128xf32, #tpu.memory_space<vmem>>[vector<16xi32>, vector<16xi32>], vector<16xf32>,
      %get3A_143 = arith.constant 3 : i32
      %get3A_144 = arith.index_cast %get3A_143 : i32 to index
      %get3A_145 = arith.constant 0 : index
      %get3A_146 = tpu.vector_load %arg4[%get3A_144, %get3A_145] {strides = array<i32>} : memref<20x128xi32, #tpu.memory_space<vmem>>, vector<16xi32>,
      tpu.vector_store_idx %arg5[%get3A_146, %add3A_8], %broadcast_in_dim3A_5 : memref<1000x128xf32, #tpu.memory_space<vmem>>[vector<16xi32>, vector<16xi32>], vector<16xf32>,
      %get3A_147 = arith.constant 3 : i32
      %get3A_148 = arith.index_cast %get3A_147 : i32 to index
      %get3A_149 = arith.constant 16 : index
      %get3A_150 = tpu.vector_load %arg4[%get3A_148, %get3A_149] {strides = array<i32>} : memref<20x128xi32, #tpu.memory_space<vmem>>, vector<16xi32>,
      tpu.vector_store_idx %arg5[%get3A_150, %add3A_11], %broadcast_in_dim3A_5 : memref<1000x128xf32, #tpu.memory_space<vmem>>[vector<16xi32>, vector<16xi32>], vector<16xf32>,
      %get3A_151 = arith.constant 3 : i32
      %get3A_152 = arith.index_cast %get3A_151 : i32 to index
      %get3A_153 = arith.constant 32 : index
      %get3A_154 = tpu.vector_load %arg4[%get3A_152, %get3A_153] {strides = array<i32>} : memref<20x128xi32, #tpu.memory_space<vmem>>, vector<16xi32>,
      tpu.vector_store_idx %arg5[%get3A_154, %add3A_14], %broadcast_in_dim3A_5 : memref<1000x128xf32, #tpu.memory_space<vmem>>[vector<16xi32>, vector<16xi32>], vector<16xf32>,
      %get3A_155 = arith.constant 3 : i32
      %get3A_156 = arith.index_cast %get3A_155 : i32 to index
      %get3A_157 = arith.constant 48 : index
      %get3A_158 = tpu.vector_load %arg4[%get3A_156, %get3A_157] {strides = array<i32>} : memref<20x128xi32, #tpu.memory_space<vmem>>, vector<16xi32>,
      tpu.vector_store_idx %arg5[%get3A_158, %add3A_17], %broadcast_in_dim3A_5 : memref<1000x128xf32, #tpu.memory_space<vmem>>[vector<16xi32>, vector<16xi32>], vector<16xf32>,
      %get3A_159 = arith.constant 3 : i32
      %get3A_160 = arith.index_cast %get3A_159 : i32 to index
      %get3A_161 = arith.constant 64 : index
      %get3A_162 = tpu.vector_load %arg4[%get3A_160, %get3A_161] {strides = array<i32>} : memref<20x128xi32, #tpu.memory_space<vmem>>, vector<16xi32>,
      tpu.vector_store_idx %arg5[%get3A_162, %add3A_20], %broadcast_in_dim3A_5 : memref<1000x128xf32, #tpu.memory_space<vmem>>[vector<16xi32>, vector<16xi32>], vector<16xf32>,
      %get3A_163 = arith.constant 3 : i32
      %get3A_164 = arith.index_cast %get3A_163 : i32 to index
      %get3A_165 = arith.constant 80 : index
      %get3A_166 = tpu.vector_load %arg4[%get3A_164, %get3A_165] {strides = array<i32>} : memref<20x128xi32, #tpu.memory_space<vmem>>, vector<16xi32>,
      tpu.vector_store_idx %arg5[%get3A_166, %add3A_23], %broadcast_in_dim3A_5 : memref<1000x128xf32, #tpu.memory_space<vmem>>[vector<16xi32>, vector<16xi32>], vector<16xf32>,
      %get3A_167 = arith.constant 3 : i32
      %get3A_168 = arith.index_cast %get3A_167 : i32 to index
      %get3A_169 = arith.constant 96 : index
      %get3A_170 = tpu.vector_load %arg4[%get3A_168, %get3A_169] {strides = array<i32>} : memref<20x128xi32, #tpu.memory_space<vmem>>, vector<16xi32>,
      tpu.vector_store_idx %arg5[%get3A_170, %add3A_26], %broadcast_in_dim3A_5 : memref<1000x128xf32, #tpu.memory_space<vmem>>[vector<16xi32>, vector<16xi32>], vector<16xf32>,
      %get3A_171 = arith.constant 3 : i32
      %get3A_172 = arith.index_cast %get3A_171 : i32 to index
      %get3A_173 = arith.constant 112 : index
      %get3A_174 = tpu.vector_load %arg4[%get3A_172, %get3A_173] {strides = array<i32>} : memref<20x128xi32, #tpu.memory_space<vmem>>, vector<16xi32>,
      tpu.vector_store_idx %arg5[%get3A_174, %add3A_29], %broadcast_in_dim3A_5 : memref<1000x128xf32, #tpu.memory_space<vmem>>[vector<16xi32>, vector<16xi32>], vector<16xf32>,
      %get3A_175 = arith.constant 4 : i32
      %get3A_176 = arith.index_cast %get3A_175 : i32 to index
      %get3A_177 = arith.constant 0 : index
      %get3A_178 = tpu.vector_load %arg4[%get3A_176, %get3A_177] {strides = array<i32>} : memref<20x128xi32, #tpu.memory_space<vmem>>, vector<16xi32>,
      tpu.vector_store_idx %arg5[%get3A_178, %add3A_8], %broadcast_in_dim3A_5 : memref<1000x128xf32, #tpu.memory_space<vmem>>[vector<16xi32>, vector<16xi32>], vector<16xf32>,
      %get3A_179 = arith.constant 4 : i32
      %get3A_180 = arith.index_cast %get3A_179 : i32 to index
      %get3A_181 = arith.constant 16 : index
      %get3A_182 = tpu.vector_load %arg4[%get3A_180, %get3A_181] {strides = array<i32>} : memref<20x128xi32, #tpu.memory_space<vmem>>, vector<16xi32>,
      tpu.vector_store_idx %arg5[%get3A_182, %add3A_11], %broadcast_in_dim3A_5 : memref<1000x128xf32, #tpu.memory_space<vmem>>[vector<16xi32>, vector<16xi32>], vector<16xf32>,
      %get3A_183 = arith.constant 4 : i32
      %get3A_184 = arith.index_cast %get3A_183 : i32 to index
      %get3A_185 = arith.constant 32 : index
      %get3A_186 = tpu.vector_load %arg4[%get3A_184, %get3A_185] {strides = array<i32>} : memref<20x128xi32, #tpu.memory_space<vmem>>, vector<16xi32>,
      tpu.vector_store_idx %arg5[%get3A_186, %add3A_14], %broadcast_in_dim3A_5 : memref<1000x128xf32, #tpu.memory_space<vmem>>[vector<16xi32>, vector<16xi32>], vector<16xf32>,
      %get3A_187 = arith.constant 4 : i32
      %get3A_188 = arith.index_cast %get3A_187 : i32 to index
      %get3A_189 = arith.constant 48 : index
      %get3A_190 = tpu.vector_load %arg4[%get3A_188, %get3A_189] {strides = array<i32>} : memref<20x128xi32, #tpu.memory_space<vmem>>, vector<16xi32>,
      tpu.vector_store_idx %arg5[%get3A_190, %add3A_17], %broadcast_in_dim3A_5 : memref<1000x128xf32, #tpu.memory_space<vmem>>[vector<16xi32>, vector<16xi32>], vector<16xf32>,
      %get3A_191 = arith.constant 4 : i32
      %get3A_192 = arith.index_cast %get3A_191 : i32 to index
      %get3A_193 = arith.constant 64 : index
      %get3A_194 = tpu.vector_load %arg4[%get3A_192, %get3A_193] {strides = array<i32>} : memref<20x128xi32, #tpu.memory_space<vmem>>, vector<16xi32>,
      tpu.vector_store_idx %arg5[%get3A_194, %add3A_20], %broadcast_in_dim3A_5 : memref<1000x128xf32, #tpu.memory_space<vmem>>[vector<16xi32>, vector<16xi32>], vector<16xf32>,
      %get3A_195 = arith.constant 4 : i32
      %get3A_196 = arith.index_cast %get3A_195 : i32 to index
      %get3A_197 = arith.constant 80 : index
      %get3A_198 = tpu.vector_load %arg4[%get3A_196, %get3A_197] {strides = array<i32>} : memref<20x128xi32, #tpu.memory_space<vmem>>, vector<16xi32>,
      tpu.vector_store_idx %arg5[%get3A_198, %add3A_23], %broadcast_in_dim3A_5 : memref<1000x128xf32, #tpu.memory_space<vmem>>[vector<16xi32>, vector<16xi32>], vector<16xf32>,
      %get3A_199 = arith.constant 4 : i32
      %get3A_200 = arith.index_cast %get3A_199 : i32 to index
      %get3A_201 = arith.constant 96 : index
      %get3A_202 = tpu.vector_load %arg4[%get3A_200, %get3A_201] {strides = array<i32>} : memref<20x128xi32, #tpu.memory_space<vmem>>, vector<16xi32>,
      tpu.vector_store_idx %arg5[%get3A_202, %add3A_26], %broadcast_in_dim3A_5 : memref<1000x128xf32, #tpu.memory_space<vmem>>[vector<16xi32>, vector<16xi32>], vector<16xf32>,
      %get3A_203 = arith.constant 4 : i32
      %get3A_204 = arith.index_cast %get3A_203 : i32 to index
      %get3A_205 = arith.constant 112 : index
      %get3A_206 = tpu.vector_load %arg4[%get3A_204, %get3A_205] {strides = array<i32>} : memref<20x128xi32, #tpu.memory_space<vmem>>, vector<16xi32>,
      tpu.vector_store_idx %arg5[%get3A_206, %add3A_29], %broadcast_in_dim3A_5 : memref<1000x128xf32, #tpu.memory_space<vmem>>[vector<16xi32>, vector<16xi32>], vector<16xf32>,
      %get3A_207 = arith.constant 5 : i32
      %get3A_208 = arith.index_cast %get3A_207 : i32 to index
      %get3A_209 = arith.constant 0 : index
      %get3A_210 = tpu.vector_load %arg4[%get3A_208, %get3A_209] {strides = array<i32>} : memref<20x128xi32, #tpu.memory_space<vmem>>, vector<16xi32>,
      tpu.vector_store_idx %arg5[%get3A_210, %add3A_8], %broadcast_in_dim3A_5 : memref<1000x128xf32, #tpu.memory_space<vmem>>[vector<16xi32>, vector<16xi32>], vector<16xf32>,
      %get3A_211 = arith.constant 5 : i32
      %get3A_212 = arith.index_cast %get3A_211 : i32 to index
      %get3A_213 = arith.constant 16 : index
      %get3A_214 = tpu.vector_load %arg4[%get3A_212, %get3A_213] {strides = array<i32>} : memref<20x128xi32, #tpu.memory_space<vmem>>, vector<16xi32>,
      tpu.vector_store_idx %arg5[%get3A_214, %add3A_11], %broadcast_in_dim3A_5 : memref<1000x128xf32, #tpu.memory_space<vmem>>[vector<16xi32>, vector<16xi32>], vector<16xf32>,
      %get3A_215 = arith.constant 5 : i32
      %get3A_216 = arith.index_cast %get3A_215 : i32 to index
      %get3A_217 = arith.constant 32 : index
      %get3A_218 = tpu.vector_load %arg4[%get3A_216, %get3A_217] {strides = array<i32>} : memref<20x128xi32, #tpu.memory_space<vmem>>, vector<16xi32>,
      tpu.vector_store_idx %arg5[%get3A_218, %add3A_14], %broadcast_in_dim3A_5 : memref<1000x128xf32, #tpu.memory_space<vmem>>[vector<16xi32>, vector<16xi32>], vector<16xf32>,
      %get3A_219 = arith.constant 5 : i32
      %get3A_220 = arith.index_cast %get3A_219 : i32 to index
      %get3A_221 = arith.constant 48 : index
      %get3A_222 = tpu.vector_load %arg4[%get3A_220, %get3A_221] {strides = array<i32>} : memref<20x128xi32, #tpu.memory_space<vmem>>, vector<16xi32>,
      tpu.vector_store_idx %arg5[%get3A_222, %add3A_17], %broadcast_in_dim3A_5 : memref<1000x128xf32, #tpu.memory_space<vmem>>[vector<16xi32>, vector<16xi32>], vector<16xf32>,
      %get3A_223 = arith.constant 5 : i32
      %get3A_224 = arith.index_cast %get3A_223 : i32 to index
      %get3A_225 = arith.constant 64 : index
      %get3A_226 = tpu.vector_load %arg4[%get3A_224, %get3A_225] {strides = array<i32>} : memref<20x128xi32, #tpu.memory_space<vmem>>, vector<16xi32>,
      tpu.vector_store_idx %arg5[%get3A_226, %add3A_20], %broadcast_in_dim3A_5 : memref<1000x128xf32, #tpu.memory_space<vmem>>[vector<16xi32>, vector<16xi32>], vector<16xf32>,
      %get3A_227 = arith.constant 5 : i32
      %get3A_228 = arith.index_cast %get3A_227 : i32 to index
      %get3A_229 = arith.constant 80 : index
      %get3A_230 = tpu.vector_load %arg4[%get3A_228, %get3A_229] {strides = array<i32>} : memref<20x128xi32, #tpu.memory_space<vmem>>, vector<16xi32>,
      tpu.vector_store_idx %arg5[%get3A_230, %add3A_23], %broadcast_in_dim3A_5 : memref<1000x128xf32, #tpu.memory_space<vmem>>[vector<16xi32>, vector<16xi32>], vector<16xf32>,
      %get3A_231 = arith.constant 5 : i32
      %get3A_232 = arith.index_cast %get3A_231 : i32 to index
      %get3A_233 = arith.constant 96 : index
      %get3A_234 = tpu.vector_load %arg4[%get3A_232, %get3A_233] {strides = array<i32>} : memref<20x128xi32, #tpu.memory_space<vmem>>, vector<16xi32>,
      tpu.vector_store_idx %arg5[%get3A_234, %add3A_26], %broadcast_in_dim3A_5 : memref<1000x128xf32, #tpu.memory_space<vmem>>[vector<16xi32>, vector<16xi32>], vector<16xf32>,
      %get3A_235 = arith.constant 5 : i32
      %get3A_236 = arith.index_cast %get3A_235 : i32 to index
      %get3A_237 = arith.constant 112 : index
      %get3A_238 = tpu.vector_load %arg4[%get3A_236, %get3A_237] {strides = array<i32>} : memref<20x128xi32, #tpu.memory_space<vmem>>, vector<16xi32>,
      tpu.vector_store_idx %arg5[%get3A_238, %add3A_29], %broadcast_in_dim3A_5 : memref<1000x128xf32, #tpu.memory_space<vmem>>[vector<16xi32>, vector<16xi32>], vector<16xf32>,
      %get3A_239 = arith.constant 6 : i32
      %get3A_240 = arith.index_cast %get3A_239 : i32 to index
      %get3A_241 = arith.constant 0 : index
      %get3A_242 = tpu.vector_load %arg4[%get3A_240, %get3A_241] {strides = array<i32>} : memref<20x128xi32, #tpu.memory_space<vmem>>, vector<16xi32>,
      tpu.vector_store_idx %arg5[%get3A_242, %add3A_8], %broadcast_in_dim3A_5 : memref<1000x128xf32, #tpu.memory_space<vmem>>[vector<16xi32>, vector<16xi32>], vector<16xf32>,
      %get3A_243 = arith.constant 6 : i32
      %get3A_244 = arith.index_cast %get3A_243 : i32 to index
      %get3A_245 = arith.constant 16 : index
      %get3A_246 = tpu.vector_load %arg4[%get3A_244, %get3A_245] {strides = array<i32>} : memref<20x128xi32, #tpu.memory_space<vmem>>, vector<16xi32>,
      tpu.vector_store_idx %arg5[%get3A_246, %add3A_11], %broadcast_in_dim3A_5 : memref<1000x128xf32, #tpu.memory_space<vmem>>[vector<16xi32>, vector<16xi32>], vector<16xf32>,
      %get3A_247 = arith.constant 6 : i32
      %get3A_248 = arith.index_cast %get3A_247 : i32 to index
      %get3A_249 = arith.constant 32 : index
      %get3A_250 = tpu.vector_load %arg4[%get3A_248, %get3A_249] {strides = array<i32>} : memref<20x128xi32, #tpu.memory_space<vmem>>, vector<16xi32>,
      tpu.vector_store_idx %arg5[%get3A_250, %add3A_14], %broadcast_in_dim3A_5 : memref<1000x128xf32, #tpu.memory_space<vmem>>[vector<16xi32>, vector<16xi32>], vector<16xf32>,
      %get3A_251 = arith.constant 6 : i32
      %get3A_252 = arith.index_cast %get3A_251 : i32 to index
      %get3A_253 = arith.constant 48 : index
      %get3A_254 = tpu.vector_load %arg4[%get3A_252, %get3A_253] {strides = array<i32>} : memref<20x128xi32, #tpu.memory_space<vmem>>, vector<16xi32>,
      tpu.vector_store_idx %arg5[%get3A_254, %add3A_17], %broadcast_in_dim3A_5 : memref<1000x128xf32, #tpu.memory_space<vmem>>[vector<16xi32>, vector<16xi32>], vector<16xf32>,
      %get3A_255 = arith.constant 6 : i32
      %get3A_256 = arith.index_cast %get3A_255 : i32 to index
      %get3A_257 = arith.constant 64 : index
      %get3A_258 = tpu.vector_load %arg4[%get3A_256, %get3A_257] {strides = array<i32>} : memref<20x128xi32, #tpu.memory_space<vmem>>, vector<16xi32>,
      tpu.vector_store_idx %arg5[%get3A_258, %add3A_20], %broadcast_in_dim3A_5 : memref<1000x128xf32, #tpu.memory_space<vmem>>[vector<16xi32>, vector<16xi32>], vector<16xf32>,
      %get3A_259 = arith.constant 6 : i32
      %get3A_260 = arith.index_cast %get3A_259 : i32 to index
      %get3A_261 = arith.constant 80 : index
      %get3A_262 = tpu.vector_load %arg4[%get3A_260, %get3A_261] {strides = array<i32>} : memref<20x128xi32, #tpu.memory_space<vmem>>, vector<16xi32>,
      tpu.vector_store_idx %arg5[%get3A_262, %add3A_23], %broadcast_in_dim3A_5 : memref<1000x128xf32, #tpu.memory_space<vmem>>[vector<16xi32>, vector<16xi32>], vector<16xf32>,
      %get3A_263 = arith.constant 6 : i32
      %get3A_264 = arith.index_cast %get3A_263 : i32 to index
      %get3A_265 = arith.constant 96 : index
      %get3A_266 = tpu.vector_load %arg4[%get3A_264, %get3A_265] {strides = array<i32>} : memref<20x128xi32, #tpu.memory_space<vmem>>, vector<16xi32>,
      tpu.vector_store_idx %arg5[%get3A_266, %add3A_26], %broadcast_in_dim3A_5 : memref<1000x128xf32, #tpu.memory_space<vmem>>[vector<16xi32>, vector<16xi32>], vector<16xf32>,
      %get3A_267 = arith.constant 6 : i32
      %get3A_268 = arith.index_cast %get3A_267 : i32 to index
      %get3A_269 = arith.constant 112 : index
      %get3A_270 = tpu.vector_load %arg4[%get3A_268, %get3A_269] {strides = array<i32>} : memref<20x128xi32, #tpu.memory_space<vmem>>, vector<16xi32>,
      tpu.vector_store_idx %arg5[%get3A_270, %add3A_29], %broadcast_in_dim3A_5 : memref<1000x128xf32, #tpu.memory_space<vmem>>[vector<16xi32>, vector<16xi32>], vector<16xf32>,
      %get3A_271 = arith.constant 7 : i32
      %get3A_272 = arith.index_cast %get3A_271 : i32 to index
      %get3A_273 = arith.constant 0 : index
      %get3A_274 = tpu.vector_load %arg4[%get3A_272, %get3A_273] {strides = array<i32>} : memref<20x128xi32, #tpu.memory_space<vmem>>, vector<16xi32>,
      tpu.vector_store_idx %arg5[%get3A_274, %add3A_8], %broadcast_in_dim3A_5 : memref<1000x128xf32, #tpu.memory_space<vmem>>[vector<16xi32>, vector<16xi32>], vector<16xf32>,
      %get3A_275 = arith.constant 7 : i32
      %get3A_276 = arith.index_cast %get3A_275 : i32 to index
      %get3A_277 = arith.constant 16 : index
      %get3A_278 = tpu.vector_load %arg4[%get3A_276, %get3A_277] {strides = array<i32>} : memref<20x128xi32, #tpu.memory_space<vmem>>, vector<16xi32>,
      tpu.vector_store_idx %arg5[%get3A_278, %add3A_11], %broadcast_in_dim3A_5 : memref<1000x128xf32, #tpu.memory_space<vmem>>[vector<16xi32>, vector<16xi32>], vector<16xf32>,
      %get3A_279 = arith.constant 7 : i32
      %get3A_280 = arith.index_cast %get3A_279 : i32 to index
      %get3A_281 = arith.constant 32 : index
      %get3A_282 = tpu.vector_load %arg4[%get3A_280, %get3A_281] {strides = array<i32>} : memref<20x128xi32, #tpu.memory_space<vmem>>, vector<16xi32>,
      tpu.vector_store_idx %arg5[%get3A_282, %add3A_14], %broadcast_in_dim3A_5 : memref<1000x128xf32, #tpu.memory_space<vmem>>[vector<16xi32>, vector<16xi32>], vector<16xf32>,
      %get3A_283 = arith.constant 7 : i32
      %get3A_284 = arith.index_cast %get3A_283 : i32 to index
      %get3A_285 = arith.constant 48 : index
      %get3A_286 = tpu.vector_load %arg4[%get3A_284, %get3A_285] {strides = array<i32>} : memref<20x128xi32, #tpu.memory_space<vmem>>, vector<16xi32>,
      tpu.vector_store_idx %arg5[%get3A_286, %add3A_17], %broadcast_in_dim3A_5 : memref<1000x128xf32, #tpu.memory_space<vmem>>[vector<16xi32>, vector<16xi32>], vector<16xf32>,
      %get3A_287 = arith.constant 7 : i32
      %get3A_288 = arith.index_cast %get3A_287 : i32 to index
      %get3A_289 = arith.constant 64 : index
      %get3A_290 = tpu.vector_load %arg4[%get3A_288, %get3A_289] {strides = array<i32>} : memref<20x128xi32, #tpu.memory_space<vmem>>, vector<16xi32>,
      tpu.vector_store_idx %arg5[%get3A_290, %add3A_20], %broadcast_in_dim3A_5 : memref<1000x128xf32, #tpu.memory_space<vmem>>[vector<16xi32>, vector<16xi32>], vector<16xf32>,
      %get3A_291 = arith.constant 7 : i32
      %get3A_292 = arith.index_cast %get3A_291 : i32 to index
      %get3A_293 = arith.constant 80 : index
      %get3A_294 = tpu.vector_load %arg4[%get3A_292, %get3A_293] {strides = array<i32>} : memref<20x128xi32, #tpu.memory_space<vmem>>, vector<16xi32>,
      tpu.vector_store_idx %arg5[%get3A_294, %add3A_23], %broadcast_in_dim3A_5 : memref<1000x128xf32, #tpu.memory_space<vmem>>[vector<16xi32>, vector<16xi32>], vector<16xf32>,
      %get3A_295 = arith.constant 7 : i32
      %get3A_296 = arith.index_cast %get3A_295 : i32 to index
      %get3A_297 = arith.constant 96 : index
      %get3A_298 = tpu.vector_load %arg4[%get3A_296, %get3A_297] {strides = array<i32>} : memref<20x128xi32, #tpu.memory_space<vmem>>, vector<16xi32>,
      tpu.vector_store_idx %arg5[%get3A_298, %add3A_26], %broadcast_in_dim3A_5 : memref<1000x128xf32, #tpu.memory_space<vmem>>[vector<16xi32>, vector<16xi32>], vector<16xf32>,
      %get3A_299 = arith.constant 7 : i32
      %get3A_300 = arith.index_cast %get3A_299 : i32 to index
      %get3A_301 = arith.constant 112 : index
      %get3A_302 = tpu.vector_load %arg4[%get3A_300, %get3A_301] {strides = array<i32>} : memref<20x128xi32, #tpu.memory_space<vmem>>, vector<16xi32>,
      tpu.vector_store_idx %arg5[%get3A_302, %add3A_29], %broadcast_in_dim3A_5 : memref<1000x128xf32, #tpu.memory_space<vmem>>[vector<16xi32>, vector<16xi32>], vector<16xf32>,
      %get3A_303 = arith.constant 8 : i32
      %get3A_304 = arith.index_cast %get3A_303 : i32 to index
      %get3A_305 = arith.constant 0 : index
      %get3A_306 = tpu.vector_load %arg4[%get3A_304, %get3A_305] {strides = array<i32>} : memref<20x128xi32, #tpu.memory_space<vmem>>, vector<16xi32>,
      tpu.vector_store_idx %arg5[%get3A_306, %add3A_8], %broadcast_in_dim3A_5 : memref<1000x128xf32, #tpu.memory_space<vmem>>[vector<16xi32>, vector<16xi32>], vector<16xf32>,
      %get3A_307 = arith.constant 8 : i32
      %get3A_308 = arith.index_cast %get3A_307 : i32 to index
      %get3A_309 = arith.constant 16 : index
      %get3A_310 = tpu.vector_load %arg4[%get3A_308, %get3A_309] {strides = array<i32>} : memref<20x128xi32, #tpu.memory_space<vmem>>, vector<16xi32>,
      tpu.vector_store_idx %arg5[%get3A_310, %add3A_11], %broadcast_in_dim3A_5 : memref<1000x128xf32, #tpu.memory_space<vmem>>[vector<16xi32>, vector<16xi32>], vector<16xf32>,
      %get3A_311 = arith.constant 8 : i32
      %get3A_312 = arith.index_cast %get3A_311 : i32 to index
      %get3A_313 = arith.constant 32 : index
      %get3A_314 = tpu.vector_load %arg4[%get3A_312, %get3A_313] {strides = array<i32>} : memref<20x128xi32, #tpu.memory_space<vmem>>, vector<16xi32>,
      tpu.vector_store_idx %arg5[%get3A_314, %add3A_14], %broadcast_in_dim3A_5 : memref<1000x128xf32, #tpu.memory_space<vmem>>[vector<16xi32>, vector<16xi32>], vector<16xf32>,
      %get3A_315 = arith.constant 8 : i32
      %get3A_316 = arith.index_cast %get3A_315 : i32 to index
      %get3A_317 = arith.constant 48 : index
      %get3A_318 = tpu.vector_load %arg4[%get3A_316, %get3A_317] {strides = array<i32>} : memref<20x128xi32, #tpu.memory_space<vmem>>, vector<16xi32>,
      tpu.vector_store_idx %arg5[%get3A_318, %add3A_17], %broadcast_in_dim3A_5 : memref<1000x128xf32, #tpu.memory_space<vmem>>[vector<16xi32>, vector<16xi32>], vector<16xf32>,
      %get3A_319 = arith.constant 8 : i32
      %get3A_320 = arith.index_cast %get3A_319 : i32 to index
      %get3A_321 = arith.constant 64 : index
      %get3A_322 = tpu.vector_load %arg4[%get3A_320, %get3A_321] {strides = array<i32>} : memref<20x128xi32, #tpu.memory_space<vmem>>, vector<16xi32>,
      tpu.vector_store_idx %arg5[%get3A_322, %add3A_20], %broadcast_in_dim3A_5 : memref<1000x128xf32, #tpu.memory_space<vmem>>[vector<16xi32>, vector<16xi32>], vector<16xf32>,
      %get3A_323 = arith.constant 8 : i32
      %get3A_324 = arith.index_cast %get3A_323 : i32 to index
      %get3A_325 = arith.constant 80 : index
      %get3A_326 = tpu.vector_load %arg4[%get3A_324, %get3A_325] {strides = array<i32>} : memref<20x128xi32, #tpu.memory_space<vmem>>, vector<16xi32>,
      tpu.vector_store_idx %arg5[%get3A_326, %add3A_23], %broadcast_in_dim3A_5 : memref<1000x128xf32, #tpu.memory_space<vmem>>[vector<16xi32>, vector<16xi32>], vector<16xf32>,
      %get3A_327 = arith.constant 8 : i32
      %get3A_328 = arith.index_cast %get3A_327 : i32 to index
      %get3A_329 = arith.constant 96 : index
      %get3A_330 = tpu.vector_load %arg4[%get3A_328, %get3A_329] {strides = array<i32>} : memref<20x128xi32, #tpu.memory_space<vmem>>, vector<16xi32>,
      tpu.vector_store_idx %arg5[%get3A_330, %add3A_26], %broadcast_in_dim3A_5 : memref<1000x128xf32, #tpu.memory_space<vmem>>[vector<16xi32>, vector<16xi32>], vector<16xf32>,
      %get3A_331 = arith.constant 8 : i32
      %get3A_332 = arith.index_cast %get3A_331 : i32 to index
      %get3A_333 = arith.constant 112 : index
      %get3A_334 = tpu.vector_load %arg4[%get3A_332, %get3A_333] {strides = array<i32>} : memref<20x128xi32, #tpu.memory_space<vmem>>, vector<16xi32>,
      tpu.vector_store_idx %arg5[%get3A_334, %add3A_29], %broadcast_in_dim3A_5 : memref<1000x128xf32, #tpu.memory_space<vmem>>[vector<16xi32>, vector<16xi32>], vector<16xf32>,
      %get3A_335 = arith.constant 9 : i32
      %get3A_336 = arith.index_cast %get3A_335 : i32 to index
      %get3A_337 = arith.constant 0 : index
      %get3A_338 = tpu.vector_load %arg4[%get3A_336, %get3A_337] {strides = array<i32>} : memref<20x128xi32, #tpu.memory_space<vmem>>, vector<16xi32>,
      tpu.vector_store_idx %arg5[%get3A_338, %add3A_8], %broadcast_in_dim3A_5 : memref<1000x128xf32, #tpu.memory_space<vmem>>[vector<16xi32>, vector<16xi32>], vector<16xf32>,
      %get3A_339 = arith.constant 9 : i32
      %get3A_340 = arith.index_cast %get3A_339 : i32 to index
      %get3A_341 = arith.constant 16 : index
      %get3A_342 = tpu.vector_load %arg4[%get3A_340, %get3A_341] {strides = array<i32>} : memref<20x128xi32, #tpu.memory_space<vmem>>, vector<16xi32>,
      tpu.vector_store_idx %arg5[%get3A_342, %add3A_11], %broadcast_in_dim3A_5 : memref<1000x128xf32, #tpu.memory_space<vmem>>[vector<16xi32>, vector<16xi32>], vector<16xf32>,
      %get3A_343 = arith.constant 9 : i32
      %get3A_344 = arith.index_cast %get3A_343 : i32 to index
      %get3A_345 = arith.constant 32 : index
      %get3A_346 = tpu.vector_load %arg4[%get3A_344, %get3A_345] {strides = array<i32>} : memref<20x128xi32, #tpu.memory_space<vmem>>, vector<16xi32>,
      tpu.vector_store_idx %arg5[%get3A_346, %add3A_14], %broadcast_in_dim3A_5 : memref<1000x128xf32, #tpu.memory_space<vmem>>[vector<16xi32>, vector<16xi32>], vector<16xf32>,
      %get3A_347 = arith.constant 9 : i32
      %get3A_348 = arith.index_cast %get3A_347 : i32 to index
      %get3A_349 = arith.constant 48 : index
      %get3A_350 = tpu.vector_load %arg4[%get3A_348, %get3A_349] {strides = array<i32>} : memref<20x128xi32, #tpu.memory_space<vmem>>, vector<16xi32>,
      tpu.vector_store_idx %arg5[%get3A_350, %add3A_17], %broadcast_in_dim3A_5 : memref<1000x128xf32, #tpu.memory_space<vmem>>[vector<16xi32>, vector<16xi32>], vector<16xf32>,
      %get3A_351 = arith.constant 9 : i32
      %get3A_352 = arith.index_cast %get3A_351 : i32 to index
      %get3A_353 = arith.constant 64 : index
      %get3A_354 = tpu.vector_load %arg4[%get3A_352, %get3A_353] {strides = array<i32>} : memref<20x128xi32, #tpu.memory_space<vmem>>, vector<16xi32>,
      tpu.vector_store_idx %arg5[%get3A_354, %add3A_20], %broadcast_in_dim3A_5 : memref<1000x128xf32, #tpu.memory_space<vmem>>[vector<16xi32>, vector<16xi32>], vector<16xf32>,
      %get3A_355 = arith.constant 9 : i32
      %get3A_356 = arith.index_cast %get3A_355 : i32 to index
      %get3A_357 = arith.constant 80 : index
      %get3A_358 = tpu.vector_load %arg4[%get3A_356, %get3A_357] {strides = array<i32>} : memref<20x128xi32, #tpu.memory_space<vmem>>, vector<16xi32>,
      tpu.vector_store_idx %arg5[%get3A_358, %add3A_23], %broadcast_in_dim3A_5 : memref<1000x128xf32, #tpu.memory_space<vmem>>[vector<16xi32>, vector<16xi32>], vector<16xf32>,
      %get3A_359 = arith.constant 9 : i32
      %get3A_360 = arith.index_cast %get3A_359 : i32 to index
      %get3A_361 = arith.constant 96 : index
      %get3A_362 = tpu.vector_load %arg4[%get3A_360, %get3A_361] {strides = array<i32>} : memref<20x128xi32, #tpu.memory_space<vmem>>, vector<16xi32>,
      tpu.vector_store_idx %arg5[%get3A_362, %add3A_26], %broadcast_in_dim3A_5 : memref<1000x128xf32, #tpu.memory_space<vmem>>[vector<16xi32>, vector<16xi32>], vector<16xf32>,
      %get3A_363 = arith.constant 9 : i32
      %get3A_364 = arith.index_cast %get3A_363 : i32 to index
      %get3A_365 = arith.constant 112 : index
      %get3A_366 = tpu.vector_load %arg4[%get3A_364, %get3A_365] {strides = array<i32>} : memref<20x128xi32, #tpu.memory_space<vmem>>, vector<16xi32>,
      tpu.vector_store_idx %arg5[%get3A_366, %add3A_29], %broadcast_in_dim3A_5 : memref<1000x128xf32, #tpu.memory_space<vmem>>[vector<16xi32>, vector<16xi32>], vector<16xf32>,
      %get3A_367 = arith.constant 10 : i32
      %get3A_368 = arith.index_cast %get3A_367 : i32 to index
      %get3A_369 = arith.constant 0 : index
      %get3A_370 = tpu.vector_load %arg4[%get3A_368, %get3A_369] {strides = array<i32>} : memref<20x128xi32, #tpu.memory_space<vmem>>, vector<16xi32>,
      tpu.vector_store_idx %arg5[%get3A_370, %add3A_8], %broadcast_in_dim3A_5 : memref<1000x128xf32, #tpu.memory_space<vmem>>[vector<16xi32>, vector<16xi32>], vector<16xf32>,
      %get3A_371 = arith.constant 10 : i32
      %get3A_372 = arith.index_cast %get3A_371 : i32 to index
      %get3A_373 = arith.constant 16 : index
      %get3A_374 = tpu.vector_load %arg4[%get3A_372, %get3A_373] {strides = array<i32>} : memref<20x128xi32, #tpu.memory_space<vmem>>, vector<16xi32>,
      tpu.vector_store_idx %arg5[%get3A_374, %add3A_11], %broadcast_in_dim3A_5 : memref<1000x128xf32, #tpu.memory_space<vmem>>[vector<16xi32>, vector<16xi32>], vector<16xf32>,
      %get3A_375 = arith.constant 10 : i32
      %get3A_376 = arith.index_cast %get3A_375 : i32 to index
      %get3A_377 = arith.constant 32 : index
      %get3A_378 = tpu.vector_load %arg4[%get3A_376, %get3A_377] {strides = array<i32>} : memref<20x128xi32, #tpu.memory_space<vmem>>, vector<16xi32>,
      tpu.vector_store_idx %arg5[%get3A_378, %add3A_14], %broadcast_in_dim3A_5 : memref<1000x128xf32, #tpu.memory_space<vmem>>[vector<16xi32>, vector<16xi32>], vector<16xf32>,
      %get3A_379 = arith.constant 10 : i32
      %get3A_380 = arith.index_cast %get3A_379 : i32 to index
      %get3A_381 = arith.constant 48 : index
      %get3A_382 = tpu.vector_load %arg4[%get3A_380, %get3A_381] {strides = array<i32>} : memref<20x128xi32, #tpu.memory_space<vmem>>, vector<16xi32>,
      tpu.vector_store_idx %arg5[%get3A_382, %add3A_17], %broadcast_in_dim3A_5 : memref<1000x128xf32, #tpu.memory_space<vmem>>[vector<16xi32>, vector<16xi32>], vector<16xf32>,
      %get3A_383 = arith.constant 10 : i32
      %get3A_384 = arith.index_cast %get3A_383 : i32 to index
      %get3A_385 = arith.constant 64 : index
      %get3A_386 = tpu.vector_load %arg4[%get3A_384, %get3A_385] {strides = array<i32>} : memref<20x128xi32, #tpu.memory_space<vmem>>, vector<16xi32>,
      tpu.vector_store_idx %arg5[%get3A_386, %add3A_20], %broadcast_in_dim3A_5 : memref<1000x128xf32, #tpu.memory_space<vmem>>[vector<16xi32>, vector<16xi32>], vector<16xf32>,
      %get3A_387 = arith.constant 10 : i32
      %get3A_388 = arith.index_cast %get3A_387 : i32 to index
      %get3A_389 = arith.constant 80 : index
      %get3A_390 = tpu.vector_load %arg4[%get3A_388, %get3A_389] {strides = array<i32>} : memref<20x128xi32, #tpu.memory_space<vmem>>, vector<16xi32>,
      tpu.vector_store_idx %arg5[%get3A_390, %add3A_23], %broadcast_in_dim3A_5 : memref<1000x128xf32, #tpu.memory_space<vmem>>[vector<16xi32>, vector<16xi32>], vector<16xf32>,
      %get3A_391 = arith.constant 10 : i32
      %get3A_392 = arith.index_cast %get3A_391 : i32 to index
      %get3A_393 = arith.constant 96 : index
      %get3A_394 = tpu.vector_load %arg4[%get3A_392, %get3A_393] {strides = array<i32>} : memref<20x128xi32, #tpu.memory_space<vmem>>, vector<16xi32>,
      tpu.vector_store_idx %arg5[%get3A_394, %add3A_26], %broadcast_in_dim3A_5 : memref<1000x128xf32, #tpu.memory_space<vmem>>[vector<16xi32>, vector<16xi32>], vector<16xf32>,
      %get3A_395 = arith.constant 10 : i32
      %get3A_396 = arith.index_cast %get3A_395 : i32 to index
      %get3A_397 = arith.constant 112 : index
      %get3A_398 = tpu.vector_load %arg4[%get3A_396, %get3A_397] {strides = array<i32>} : memref<20x128xi32, #tpu.memory_space<vmem>>, vector<16xi32>,
      tpu.vector_store_idx %arg5[%get3A_398, %add3A_29], %broadcast_in_dim3A_5 : memref<1000x128xf32, #tpu.memory_space<vmem>>[vector<16xi32>, vector<16xi32>], vector<16xf32>,
      %get3A_399 = arith.constant 11 : i32
      %get3A_400 = arith.index_cast %get3A_399 : i32 to index
      %get3A_401 = arith.constant 0 : index
      %get3A_402 = tpu.vector_load %arg4[%get3A_400, %get3A_401] {strides = array<i32>} : memref<20x128xi32, #tpu.memory_space<vmem>>, vector<16xi32>,
      tpu.vector_store_idx %arg5[%get3A_402, %add3A_8], %broadcast_in_dim3A_5 : memref<1000x128xf32, #tpu.memory_space<vmem>>[vector<16xi32>, vector<16xi32>], vector<16xf32>,
      %get3A_403 = arith.constant 11 : i32
      %get3A_404 = arith.index_cast %get3A_403 : i32 to index
      %get3A_405 = arith.constant 16 : index
      %get3A_406 = tpu.vector_load %arg4[%get3A_404, %get3A_405] {strides = array<i32>} : memref<20x128xi32, #tpu.memory_space<vmem>>, vector<16xi32>,
      tpu.vector_store_idx %arg5[%get3A_406, %add3A_11], %broadcast_in_dim3A_5 : memref<1000x128xf32, #tpu.memory_space<vmem>>[vector<16xi32>, vector<16xi32>], vector<16xf32>,
      %get3A_407 = arith.constant 11 : i32
      %get3A_408 = arith.index_cast %get3A_407 : i32 to index
      %get3A_409 = arith.constant 32 : index
      %get3A_410 = tpu.vector_load %arg4[%get3A_408, %get3A_409] {strides = array<i32>} : memref<20x128xi32, #tpu.memory_space<vmem>>, vector<16xi32>,
      tpu.vector_store_idx %arg5[%get3A_410, %add3A_14], %broadcast_in_dim3A_5 : memref<1000x128xf32, #tpu.memory_space<vmem>>[vector<16xi32>, vector<16xi32>], vector<16xf32>,
      %get3A_411 = arith.constant 11 : i32
      %get3A_412 = arith.index_cast %get3A_411 : i32 to index
      %get3A_413 = arith.constant 48 : index
      %get3A_414 = tpu.vector_load %arg4[%get3A_412, %get3A_413] {strides = array<i32>} : memref<20x128xi32, #tpu.memory_space<vmem>>, vector<16xi32>,
      tpu.vector_store_idx %arg5[%get3A_414, %add3A_17], %broadcast_in_dim3A_5 : memref<1000x128xf32, #tpu.memory_space<vmem>>[vector<16xi32>, vector<16xi32>], vector<16xf32>,
      %get3A_415 = arith.constant 11 : i32
      %get3A_416 = arith.index_cast %get3A_415 : i32 to index
      %get3A_417 = arith.constant 64 : index
      %get3A_418 = tpu.vector_load %arg4[%get3A_416, %get3A_417] {strides = array<i32>} : memref<20x128xi32, #tpu.memory_space<vmem>>, vector<16xi32>,
      tpu.vector_store_idx %arg5[%get3A_418, %add3A_20], %broadcast_in_dim3A_5 : memref<1000x128xf32, #tpu.memory_space<vmem>>[vector<16xi32>, vector<16xi32>], vector<16xf32>,
      %get3A_419 = arith.constant 11 : i32
      %get3A_420 = arith.index_cast %get3A_419 : i32 to index
      %get3A_421 = arith.constant 80 : index
      %get3A_422 = tpu.vector_load %arg4[%get3A_420, %get3A_421] {strides = array<i32>} : memref<20x128xi32, #tpu.memory_space<vmem>>, vector<16xi32>,
      tpu.vector_store_idx %arg5[%get3A_422, %add3A_23], %broadcast_in_dim3A_5 : memref<1000x128xf32, #tpu.memory_space<vmem>>[vector<16xi32>, vector<16xi32>], vector<16xf32>,
      %get3A_423 = arith.constant 11 : i32
      %get3A_424 = arith.index_cast %get3A_423 : i32 to index
      %get3A_425 = arith.constant 96 : index
      %get3A_426 = tpu.vector_load %arg4[%get3A_424, %get3A_425] {strides = array<i32>} : memref<20x128xi32, #tpu.memory_space<vmem>>, vector<16xi32>,
      tpu.vector_store_idx %arg5[%get3A_426, %add3A_26], %broadcast_in_dim3A_5 : memref<1000x128xf32, #tpu.memory_space<vmem>>[vector<16xi32>, vector<16xi32>], vector<16xf32>,
      %get3A_427 = arith.constant 11 : i32
      %get3A_428 = arith.index_cast %get3A_427 : i32 to index
      %get3A_429 = arith.constant 112 : index
      %get3A_430 = tpu.vector_load %arg4[%get3A_428, %get3A_429] {strides = array<i32>} : memref<20x128xi32, #tpu.memory_space<vmem>>, vector<16xi32>,
      tpu.vector_store_idx %arg5[%get3A_430, %add3A_29], %broadcast_in_dim3A_5 : memref<1000x128xf32, #tpu.memory_space<vmem>>[vector<16xi32>, vector<16xi32>], vector<16xf32>,
      %get3A_431 = arith.constant 12 : i32
      %get3A_432 = arith.index_cast %get3A_431 : i32 to index
      %get3A_433 = arith.constant 0 : index
      %get3A_434 = tpu.vector_load %arg4[%get3A_432, %get3A_433] {strides = array<i32>} : memref<20x128xi32, #tpu.memory_space<vmem>>, vector<16xi32>,
      tpu.vector_store_idx %arg5[%get3A_434, %add3A_8], %broadcast_in_dim3A_5 : memref<1000x128xf32, #tpu.memory_space<vmem>>[vector<16xi32>, vector<16xi32>], vector<16xf32>,
      %get3A_435 = arith.constant 12 : i32
      %get3A_436 = arith.index_cast %get3A_435 : i32 to index
      %get3A_437 = arith.constant 16 : index
      %get3A_438 = tpu.vector_load %arg4[%get3A_436, %get3A_437] {strides = array<i32>} : memref<20x128xi32, #tpu.memory_space<vmem>>, vector<16xi32>,
      tpu.vector_store_idx %arg5[%get3A_438, %add3A_11], %broadcast_in_dim3A_5 : memref<1000x128xf32, #tpu.memory_space<vmem>>[vector<16xi32>, vector<16xi32>], vector<16xf32>,
      %get3A_439 = arith.constant 12 : i32
      %get3A_440 = arith.index_cast %get3A_439 : i32 to index
      %get3A_441 = arith.constant 32 : index
      %get3A_442 = tpu.vector_load %arg4[%get3A_440, %get3A_441] {strides = array<i32>} : memref<20x128xi32, #tpu.memory_space<vmem>>, vector<16xi32>,
      tpu.vector_store_idx %arg5[%get3A_442, %add3A_14], %broadcast_in_dim3A_5 : memref<1000x128xf32, #tpu.memory_space<vmem>>[vector<16xi32>, vector<16xi32>], vector<16xf32>,
      %get3A_443 = arith.constant 12 : i32
      %get3A_444 = arith.index_cast %get3A_443 : i32 to index
      %get3A_445 = arith.constant 48 : index
      %get3A_446 = tpu.vector_load %arg4[%get3A_444, %get3A_445] {strides = array<i32>} : memref<20x128xi32, #tpu.memory_space<vmem>>, vector<16xi32>,
      tpu.vector_store_idx %arg5[%get3A_446, %add3A_17], %broadcast_in_dim3A_5 : memref<1000x128xf32, #tpu.memory_space<vmem>>[vector<16xi32>, vector<16xi32>], vector<16xf32>,
      %get3A_447 = arith.constant 12 : i32
      %get3A_448 = arith.index_cast %get3A_447 : i32 to index
      %get3A_449 = arith.constant 64 : index
      %get3A_450 = tpu.vector_load %arg4[%get3A_448, %get3A_449] {strides = array<i32>} : memref<20x128xi32, #tpu.memory_space<vmem>>, vector<16xi32>,
      tpu.vector_store_idx %arg5[%get3A_450, %add3A_20], %broadcast_in_dim3A_5 : memref<1000x128xf32, #tpu.memory_space<vmem>>[vector<16xi32>, vector<16xi32>], vector<16xf32>,
      %get3A_451 = arith.constant 12 : i32
      %get3A_452 = arith.index_cast %get3A_451 : i32 to index
      %get3A_453 = arith.constant 80 : index
      %get3A_454 = tpu.vector_load %arg4[%get3A_452, %get3A_453] {strides = array<i32>} : memref<20x128xi32, #tpu.memory_space<vmem>>, vector<16xi32>,
      tpu.vector_store_idx %arg5[%get3A_454, %add3A_23], %broadcast_in_dim3A_5 : memref<1000x128xf32, #tpu.memory_space<vmem>>[vector<16xi32>, vector<16xi32>], vector<16xf32>,
      %get3A_455 = arith.constant 12 : i32
      %get3A_456 = arith.index_cast %get3A_455 : i32 to index
      %get3A_457 = arith.constant 96 : index
      %get3A_458 = tpu.vector_load %arg4[%get3A_456, %get3A_457] {strides = array<i32>} : memref<20x128xi32, #tpu.memory_space<vmem>>, vector<16xi32>,
      tpu.vector_store_idx %arg5[%get3A_458, %add3A_26], %broadcast_in_dim3A_5 : memref<1000x128xf32, #tpu.memory_space<vmem>>[vector<16xi32>, vector<16xi32>], vector<16xf32>,
      %get3A_459 = arith.constant 12 : i32
      %get3A_460 = arith.index_cast %get3A_459 : i32 to index
      %get3A_461 = arith.constant 112 : index
      %get3A_462 = tpu.vector_load %arg4[%get3A_460, %get3A_461] {strides = array<i32>} : memref<20x128xi32, #tpu.memory_space<vmem>>, vector<16xi32>,
      tpu.vector_store_idx %arg5[%get3A_462, %add3A_29], %broadcast_in_dim3A_5 : memref<1000x128xf32, #tpu.memory_space<vmem>>[vector<16xi32>, vector<16xi32>], vector<16xf32>,
      %get3A_463 = arith.constant 13 : i32
      %get3A_464 = arith.index_cast %get3A_463 : i32 to index
      %get3A_465 = arith.constant 0 : index
      %get3A_466 = tpu.vector_load %arg4[%get3A_464, %get3A_465] {strides = array<i32>} : memref<20x128xi32, #tpu.memory_space<vmem>>, vector<16xi32>,
      tpu.vector_store_idx %arg5[%get3A_466, %add3A_8], %broadcast_in_dim3A_5 : memref<1000x128xf32, #tpu.memory_space<vmem>>[vector<16xi32>, vector<16xi32>], vector<16xf32>,
      %get3A_467 = arith.constant 13 : i32
      %get3A_468 = arith.index_cast %get3A_467 : i32 to index
      %get3A_469 = arith.constant 16 : index
      %get3A_470 = tpu.vector_load %arg4[%get3A_468, %get3A_469] {strides = array<i32>} : memref<20x128xi32, #tpu.memory_space<vmem>>, vector<16xi32>,
      tpu.vector_store_idx %arg5[%get3A_470, %add3A_11], %broadcast_in_dim3A_5 : memref<1000x128xf32, #tpu.memory_space<vmem>>[vector<16xi32>, vector<16xi32>], vector<16xf32>,
      %get3A_471 = arith.constant 13 : i32
      %get3A_472 = arith.index_cast %get3A_471 : i32 to index
      %get3A_473 = arith.constant 32 : index
      %get3A_474 = tpu.vector_load %arg4[%get3A_472, %get3A_473] {strides = array<i32>} : memref<20x128xi32, #tpu.memory_space<vmem>>, vector<16xi32>,
      tpu.vector_store_idx %arg5[%get3A_474, %add3A_14], %broadcast_in_dim3A_5 : memref<1000x128xf32, #tpu.memory_space<vmem>>[vector<16xi32>, vector<16xi32>], vector<16xf32>,
      %get3A_475 = arith.constant 13 : i32
      %get3A_476 = arith.index_cast %get3A_475 : i32 to index
      %get3A_477 = arith.constant 48 : index
      %get3A_478 = tpu.vector_load %arg4[%get3A_476, %get3A_477] {strides = array<i32>} : memref<20x128xi32, #tpu.memory_space<vmem>>, vector<16xi32>,
      tpu.vector_store_idx %arg5[%get3A_478, %add3A_17], %broadcast_in_dim3A_5 : memref<1000x128xf32, #tpu.memory_space<vmem>>[vector<16xi32>, vector<16xi32>], vector<16xf32>,
      %get3A_479 = arith.constant 13 : i32
      %get3A_480 = arith.index_cast %get3A_479 : i32 to index
      %get3A_481 = arith.constant 64 : index
      %get3A_482 = tpu.vector_load %arg4[%get3A_480, %get3A_481] {strides = array<i32>} : memref<20x128xi32, #tpu.memory_space<vmem>>, vector<16xi32>,
      tpu.vector_store_idx %arg5[%get3A_482, %add3A_20], %broadcast_in_dim3A_5 : memref<1000x128xf32, #tpu.memory_space<vmem>>[vector<16xi32>, vector<16xi32>], vector<16xf32>,
      %get3A_483 = arith.constant 13 : i32
      %get3A_484 = arith.index_cast %get3A_483 : i32 to index
      %get3A_485 = arith.constant 80 : index
      %get3A_486 = tpu.vector_load %arg4[%get3A_484, %get3A_485] {strides = array<i32>} : memref<20x128xi32, #tpu.memory_space<vmem>>, vector<16xi32>,
      tpu.vector_store_idx %arg5[%get3A_486, %add3A_23], %broadcast_in_dim3A_5 : memref<1000x128xf32, #tpu.memory_space<vmem>>[vector<16xi32>, vector<16xi32>], vector<16xf32>,
      %get3A_487 = arith.constant 13 : i32
      %get3A_488 = arith.index_cast %get3A_487 : i32 to index
      %get3A_489 = arith.constant 96 : index
      %get3A_490 = tpu.vector_load %arg4[%get3A_488, %get3A_489] {strides = array<i32>} : memref<20x128xi32, #tpu.memory_space<vmem>>, vector<16xi32>,
      tpu.vector_store_idx %arg5[%get3A_490, %add3A_26], %broadcast_in_dim3A_5 : memref<1000x128xf32, #tpu.memory_space<vmem>>[vector<16xi32>, vector<16xi32>], vector<16xf32>,
      %get3A_491 = arith.constant 13 : i32
      %get3A_492 = arith.index_cast %get3A_491 : i32 to index
      %get3A_493 = arith.constant 112 : index
      %get3A_494 = tpu.vector_load %arg4[%get3A_492, %get3A_493] {strides = array<i32>} : memref<20x128xi32, #tpu.memory_space<vmem>>, vector<16xi32>,
      tpu.vector_store_idx %arg5[%get3A_494, %add3A_29], %broadcast_in_dim3A_5 : memref<1000x128xf32, #tpu.memory_space<vmem>>[vector<16xi32>, vector<16xi32>], vector<16xf32>,
      %get3A_495 = arith.constant 14 : i32
      %get3A_496 = arith.index_cast %get3A_495 : i32 to index
      %get3A_497 = arith.constant 0 : index
      %get3A_498 = tpu.vector_load %arg4[%get3A_496, %get3A_497] {strides = array<i32>} : memref<20x128xi32, #tpu.memory_space<vmem>>, vector<16xi32>,
      tpu.vector_store_idx %arg5[%get3A_498, %add3A_8], %broadcast_in_dim3A_5 : memref<1000x128xf32, #tpu.memory_space<vmem>>[vector<16xi32>, vector<16xi32>], vector<16xf32>,
      %get3A_499 = arith.constant 14 : i32
      %get3A_500 = arith.index_cast %get3A_499 : i32 to index
      %get3A_501 = arith.constant 16 : index
      %get3A_502 = tpu.vector_load %arg4[%get3A_500, %get3A_501] {strides = array<i32>} : memref<20x128xi32, #tpu.memory_space<vmem>>, vector<16xi32>,
      tpu.vector_store_idx %arg5[%get3A_502, %add3A_11], %broadcast_in_dim3A_5 : memref<1000x128xf32, #tpu.memory_space<vmem>>[vector<16xi32>, vector<16xi32>], vector<16xf32>,
      %get3A_503 = arith.constant 14 : i32
      %get3A_504 = arith.index_cast %get3A_503 : i32 to index
      %get3A_505 = arith.constant 32 : index
      %get3A_506 = tpu.vector_load %arg4[%get3A_504, %get3A_505] {strides = array<i32>} : memref<20x128xi32, #tpu.memory_space<vmem>>, vector<16xi32>,
      tpu.vector_store_idx %arg5[%get3A_506, %add3A_14], %broadcast_in_dim3A_5 : memref<1000x128xf32, #tpu.memory_space<vmem>>[vector<16xi32>, vector<16xi32>], vector<16xf32>,
      %get3A_507 = arith.constant 14 : i32
      %get3A_508 = arith.index_cast %get3A_507 : i32 to index
      %get3A_509 = arith.constant 48 : index
      %get3A_510 = tpu.vector_load %arg4[%get3A_508, %get3A_509] {strides = array<i32>} : memref<20x128xi32, #tpu.memory_space<vmem>>, vector<16xi32>,
      tpu.vector_store_idx %arg5[%get3A_510, %add3A_17], %broadcast_in_dim3A_5 : memref<1000x128xf32, #tpu.memory_space<vmem>>[vector<16xi32>, vector<16xi32>], vector<16xf32>,
      %get3A_511 = arith.constant 14 : i32
      %get3A_512 = arith.index_cast %get3A_511 : i32 to index
      %get3A_513 = arith.constant 64 : index
      %get3A_514 = tpu.vector_load %arg4[%get3A_512, %get3A_513] {strides = array<i32>} : memref<20x128xi32, #tpu.memory_space<vmem>>, vector<16xi32>,
      tpu.vector_store_idx %arg5[%get3A_514, %add3A_20], %broadcast_in_dim3A_5 : memref<1000x128xf32, #tpu.memory_space<vmem>>[vector<16xi32>, vector<16xi32>], vector<16xf32>,
      %get3A_515 = arith.constant 14 : i32
      %get3A_516 = arith.index_cast %get3A_515 : i32 to index
      %get3A_517 = arith.constant 80 : index
      %get3A_518 = tpu.vector_load %arg4[%get3A_516, %get3A_517] {strides = array<i32>} : memref<20x128xi32, #tpu.memory_space<vmem>>, vector<16xi32>,
      tpu.vector_store_idx %arg5[%get3A_518, %add3A_23], %broadcast_in_dim3A_5 : memref<1000x128xf32, #tpu.memory_space<vmem>>[vector<16xi32>, vector<16xi32>], vector<16xf32>,
      %get3A_519 = arith.constant 14 : i32
      %get3A_520 = arith.index_cast %get3A_519 : i32 to index
      %get3A_521 = arith.constant 96 : index
      %get3A_522 = tpu.vector_load %arg4[%get3A_520, %get3A_521] {strides = array<i32>} : memref<20x128xi32, #tpu.memory_space<vmem>>, vector<16xi32>,
      tpu.vector_store_idx %arg5[%get3A_522, %add3A_26], %broadcast_in_dim3A_5 : memref<1000x128xf32, #tpu.memory_space<vmem>>[vector<16xi32>, vector<16xi32>], vector<16xf32>,
      %get3A_523 = arith.constant 14 : i32
      %get3A_524 = arith.index_cast %get3A_523 : i32 to index
      %get3A_525 = arith.constant 112 : index
      %get3A_526 = tpu.vector_load %arg4[%get3A_524, %get3A_525] {strides = array<i32>} : memref<20x128xi32, #tpu.memory_space<vmem>>, vector<16xi32>,
      tpu.vector_store_idx %arg5[%get3A_526, %add3A_29], %broadcast_in_dim3A_5 : memref<1000x128xf32, #tpu.memory_space<vmem>>[vector<16xi32>, vector<16xi32>], vector<16xf32>,
      %get3A_527 = arith.constant 15 : i32
      %get3A_528 = arith.index_cast %get3A_527 : i32 to index
      %get3A_529 = arith.constant 0 : index
      %get3A_530 = tpu.vector_load %arg4[%get3A_528, %get3A_529] {strides = array<i32>} : memref<20x128xi32, #tpu.memory_space<vmem>>, vector<16xi32>,
      tpu.vector_store_idx %arg5[%get3A_530, %add3A_8], %broadcast_in_dim3A_5 : memref<1000x128xf32, #tpu.memory_space<vmem>>[vector<16xi32>, vector<16xi32>], vector<16xf32>,
      %get3A_531 = arith.constant 15 : i32
      %get3A_532 = arith.index_cast %get3A_531 : i32 to index
      %get3A_533 = arith.constant 16 : index
      %get3A_534 = tpu.vector_load %arg4[%get3A_532, %get3A_533] {strides = array<i32>} : memref<20x128xi32, #tpu.memory_space<vmem>>, vector<16xi32>,
      tpu.vector_store_idx %arg5[%get3A_534, %add3A_11], %broadcast_in_dim3A_5 : memref<1000x128xf32, #tpu.memory_space<vmem>>[vector<16xi32>, vector<16xi32>], vector<16xf32>,
      %get3A_535 = arith.constant 15 : i32
      %get3A_536 = arith.index_cast %get3A_535 : i32 to index
      %get3A_537 = arith.constant 32 : index
      %get3A_538 = tpu.vector_load %arg4[%get3A_536, %get3A_537] {strides = array<i32>} : memref<20x128xi32, #tpu.memory_space<vmem>>, vector<16xi32>,
      tpu.vector_store_idx %arg5[%get3A_538, %add3A_14], %broadcast_in_dim3A_5 : memref<1000x128xf32, #tpu.memory_space<vmem>>[vector<16xi32>, vector<16xi32>], vector<16xf32>,
      %get3A_539 = arith.constant 15 : i32
      %get3A_540 = arith.index_cast %get3A_539 : i32 to index
      %get3A_541 = arith.constant 48 : index
      %get3A_542 = tpu.vector_load %arg4[%get3A_540, %get3A_541] {strides = array<i32>} : memref<20x128xi32, #tpu.memory_space<vmem>>, vector<16xi32>,
      tpu.vector_store_idx %arg5[%get3A_542, %add3A_17], %broadcast_in_dim3A_5 : memref<1000x128xf32, #tpu.memory_space<vmem>>[vector<16xi32>, vector<16xi32>], vector<16xf32>,
      %get3A_543 = arith.constant 15 : i32
      %get3A_544 = arith.index_cast %get3A_543 : i32 to index
      %get3A_545 = arith.constant 64 : index
      %get3A_546 = tpu.vector_load %arg4[%get3A_544, %get3A_545] {strides = array<i32>} : memref<20x128xi32, #tpu.memory_space<vmem>>, vector<16xi32>,
      tpu.vector_store_idx %arg5[%get3A_546, %add3A_20], %broadcast_in_dim3A_5 : memref<1000x128xf32, #tpu.memory_space<vmem>>[vector<16xi32>, vector<16xi32>], vector<16xf32>,
      %get3A_547 = arith.constant 15 : i32
      %get3A_548 = arith.index_cast %get3A_547 : i32 to index
      %get3A_549 = arith.constant 80 : index
      %get3A_550 = tpu.vector_load %arg4[%get3A_548, %get3A_549] {strides = array<i32>} : memref<20x128xi32, #tpu.memory_space<vmem>>, vector<16xi32>,
      tpu.vector_store_idx %arg5[%get3A_550, %add3A_23], %broadcast_in_dim3A_5 : memref<1000x128xf32, #tpu.memory_space<vmem>>[vector<16xi32>, vector<16xi32>], vector<16xf32>,
      %get3A_551 = arith.constant 15 : i32
      %get3A_552 = arith.index_cast %get3A_551 : i32 to index
      %get3A_553 = arith.constant 96 : index
      %get3A_554 = tpu.vector_load %arg4[%get3A_552, %get3A_553] {strides = array<i32>} : memref<20x128xi32, #tpu.memory_space<vmem>>, vector<16xi32>,
      tpu.vector_store_idx %arg5[%get3A_554, %add3A_26], %broadcast_in_dim3A_5 : memref<1000x128xf32, #tpu.memory_space<vmem>>[vector<16xi32>, vector<16xi32>], vector<16xf32>,
      %get3A_555 = arith.constant 15 : i32
      %get3A_556 = arith.index_cast %get3A_555 : i32 to index
      %get3A_557 = arith.constant 112 : index
      %get3A_558 = tpu.vector_load %arg4[%get3A_556, %get3A_557] {strides = array<i32>} : memref<20x128xi32, #tpu.memory_space<vmem>>, vector<16xi32>,
      tpu.vector_store_idx %arg5[%get3A_558, %add3A_29], %broadcast_in_dim3A_5 : memref<1000x128xf32, #tpu.memory_space<vmem>>[vector<16xi32>, vector<16xi32>], vector<16xf32>,
      %get3A_559 = arith.constant 16 : i32
      %get3A_560 = arith.index_cast %get3A_559 : i32 to index
      %get3A_561 = arith.constant 0 : index
      %get3A_562 = tpu.vector_load %arg4[%get3A_560, %get3A_561] {strides = array<i32>} : memref<20x128xi32, #tpu.memory_space<vmem>>, vector<16xi32>,
      tpu.vector_store_idx %arg5[%get3A_562, %add3A_8], %broadcast_in_dim3A_5 : memref<1000x128xf32, #tpu.memory_space<vmem>>[vector<16xi32>, vector<16xi32>], vector<16xf32>,
      %get3A_563 = arith.constant 16 : i32
      %get3A_564 = arith.index_cast %get3A_563 : i32 to index
      %get3A_565 = arith.constant 16 : index
      %get3A_566 = tpu.vector_load %arg4[%get3A_564, %get3A_565] {strides = array<i32>} : memref<20x128xi32, #tpu.memory_space<vmem>>, vector<16xi32>,
      tpu.vector_store_idx %arg5[%get3A_566, %add3A_11], %broadcast_in_dim3A_5 : memref<1000x128xf32, #tpu.memory_space<vmem>>[vector<16xi32>, vector<16xi32>], vector<16xf32>,
      %get3A_567 = arith.constant 16 : i32
      %get3A_568 = arith.index_cast %get3A_567 : i32 to index
      %get3A_569 = arith.constant 32 : index
      %get3A_570 = tpu.vector_load %arg4[%get3A_568, %get3A_569] {strides = array<i32>} : memref<20x128xi32, #tpu.memory_space<vmem>>, vector<16xi32>,
      tpu.vector_store_idx %arg5[%get3A_570, %add3A_14], %broadcast_in_dim3A_5 : memref<1000x128xf32, #tpu.memory_space<vmem>>[vector<16xi32>, vector<16xi32>], vector<16xf32>,
      %get3A_571 = arith.constant 16 : i32
      %get3A_572 = arith.index_cast %get3A_571 : i32 to index
      %get3A_573 = arith.constant 48 : index
      %get3A_574 = tpu.vector_load %arg4[%get3A_572, %get3A_573] {strides = array<i32>} : memref<20x128xi32, #tpu.memory_space<vmem>>, vector<16xi32>,
      tpu.vector_store_idx %arg5[%get3A_574, %add3A_17], %broadcast_in_dim3A_5 : memref<1000x128xf32, #tpu.memory_space<vmem>>[vector<16xi32>, vector<16xi32>], vector<16xf32>,
      %get3A_575 = arith.constant 16 : i32
      %get3A_576 = arith.index_cast %get3A_575 : i32 to index
      %get3A_577 = arith.constant 64 : index
      %get3A_578 = tpu.vector_load %arg4[%get3A_576, %get3A_577] {strides = array<i32>} : memref<20x128xi32, #tpu.memory_space<vmem>>, vector<16xi32>,
      tpu.vector_store_idx %arg5[%get3A_578, %add3A_20], %broadcast_in_dim3A_5 : memref<1000x128xf32, #tpu.memory_space<vmem>>[vector<16xi32>, vector<16xi32>], vector<16xf32>,
      %get3A_579 = arith.constant 16 : i32
      %get3A_580 = arith.index_cast %get3A_579 : i32 to index
      %get3A_581 = arith.constant 80 : index
      %get3A_582 = tpu.vector_load %arg4[%get3A_580, %get3A_581] {strides = array<i32>} : memref<20x128xi32, #tpu.memory_space<vmem>>, vector<16xi32>,
      tpu.vector_store_idx %arg5[%get3A_582, %add3A_23], %broadcast_in_dim3A_5 : memref<1000x128xf32, #tpu.memory_space<vmem>>[vector<16xi32>, vector<16xi32>], vector<16xf32>,
      %get3A_583 = arith.constant 16 : i32
      %get3A_584 = arith.index_cast %get3A_583 : i32 to index
      %get3A_585 = arith.constant 96 : index
      %get3A_586 = tpu.vector_load %arg4[%get3A_584, %get3A_585] {strides = array<i32>} : memref<20x128xi32, #tpu.memory_space<vmem>>, vector<16xi32>,
      tpu.vector_store_idx %arg5[%get3A_586, %add3A_26], %broadcast_in_dim3A_5 : memref<1000x128xf32, #tpu.memory_space<vmem>>[vector<16xi32>, vector<16xi32>], vector<16xf32>,
      %get3A_587 = arith.constant 16 : i32
      %get3A_588 = arith.index_cast %get3A_587 : i32 to index
      %get3A_589 = arith.constant 112 : index
      %get3A_590 = tpu.vector_load %arg4[%get3A_588, %get3A_589] {strides = array<i32>} : memref<20x128xi32, #tpu.memory_space<vmem>>, vector<16xi32>,
      tpu.vector_store_idx %arg5[%get3A_590, %add3A_29], %broadcast_in_dim3A_5 : memref<1000x128xf32, #tpu.memory_space<vmem>>[vector<16xi32>, vector<16xi32>], vector<16xf32>,
      %get3A_591 = arith.constant 17 : i32
      %get3A_592 = arith.index_cast %get3A_591 : i32 to index
      %get3A_593 = arith.constant 0 : index
      %get3A_594 = tpu.vector_load %arg4[%get3A_592, %get3A_593] {strides = array<i32>} : memref<20x128xi32, #tpu.memory_space<vmem>>, vector<16xi32>,
      tpu.vector_store_idx %arg5[%get3A_594, %add3A_8], %broadcast_in_dim3A_5 : memref<1000x128xf32, #tpu.memory_space<vmem>>[vector<16xi32>, vector<16xi32>], vector<16xf32>,
      %get3A_595 = arith.constant 17 : i32
      %get3A_596 = arith.index_cast %get3A_595 : i32 to index
      %get3A_597 = arith.constant 16 : index
      %get3A_598 = tpu.vector_load %arg4[%get3A_596, %get3A_597] {strides = array<i32>} : memref<20x128xi32, #tpu.memory_space<vmem>>, vector<16xi32>,
      tpu.vector_store_idx %arg5[%get3A_598, %add3A_11], %broadcast_in_dim3A_5 : memref<1000x128xf32, #tpu.memory_space<vmem>>[vector<16xi32>, vector<16xi32>], vector<16xf32>,
      %get3A_599 = arith.constant 17 : i32
      %get3A_600 = arith.index_cast %get3A_599 : i32 to index
      %get3A_601 = arith.constant 32 : index
      %get3A_602 = tpu.vector_load %arg4[%get3A_600, %get3A_601] {strides = array<i32>} : memref<20x128xi32, #tpu.memory_space<vmem>>, vector<16xi32>,
      tpu.vector_store_idx %arg5[%get3A_602, %add3A_14], %broadcast_in_dim3A_5 : memref<1000x128xf32, #tpu.memory_space<vmem>>[vector<16xi32>, vector<16xi32>], vector<16xf32>,
      %get3A_603 = arith.constant 17 : i32
      %get3A_604 = arith.index_cast %get3A_603 : i32 to index
      %get3A_605 = arith.constant 48 : index
      %get3A_606 = tpu.vector_load %arg4[%get3A_604, %get3A_605] {strides = array<i32>} : memref<20x128xi32, #tpu.memory_space<vmem>>, vector<16xi32>,
      tpu.vector_store_idx %arg5[%get3A_606, %add3A_17], %broadcast_in_dim3A_5 : memref<1000x128xf32, #tpu.memory_space<vmem>>[vector<16xi32>, vector<16xi32>], vector<16xf32>,
      %get3A_607 = arith.constant 17 : i32
      %get3A_608 = arith.index_cast %get3A_607 : i32 to index
      %get3A_609 = arith.constant 64 : index
      %get3A_610 = tpu.vector_load %arg4[%get3A_608, %get3A_609] {strides = array<i32>} : memref<20x128xi32, #tpu.memory_space<vmem>>, vector<16xi32>,
      tpu.vector_store_idx %arg5[%get3A_610, %add3A_20], %broadcast_in_dim3A_5 : memref<1000x128xf32, #tpu.memory_space<vmem>>[vector<16xi32>, vector<16xi32>], vector<16xf32>,
      %get3A_611 = arith.constant 17 : i32
      %get3A_612 = arith.index_cast %get3A_611 : i32 to index
      %get3A_613 = arith.constant 80 : index
      %get3A_614 = tpu.vector_load %arg4[%get3A_612, %get3A_613] {strides = array<i32>} : memref<20x128xi32, #tpu.memory_space<vmem>>, vector<16xi32>,
      tpu.vector_store_idx %arg5[%get3A_614, %add3A_23], %broadcast_in_dim3A_5 : memref<1000x128xf32, #tpu.memory_space<vmem>>[vector<16xi32>, vector<16xi32>], vector<16xf32>,
      %get3A_615 = arith.constant 17 : i32
      %get3A_616 = arith.index_cast %get3A_615 : i32 to index
      %get3A_617 = arith.constant 96 : index
      %get3A_618 = tpu.vector_load %arg4[%get3A_616, %get3A_617] {strides = array<i32>} : memref<20x128xi32, #tpu.memory_space<vmem>>, vector<16xi32>,
      tpu.vector_store_idx %arg5[%get3A_618, %add3A_26], %broadcast_in_dim3A_5 : memref<1000x128xf32, #tpu.memory_space<vmem>>[vector<16xi32>, vector<16xi32>], vector<16xf32>,
      %get3A_619 = arith.constant 17 : i32
      %get3A_620 = arith.index_cast %get3A_619 : i32 to index
      %get3A_621 = arith.constant 112 : index
      %get3A_622 = tpu.vector_load %arg4[%get3A_620, %get3A_621] {strides = array<i32>} : memref<20x128xi32, #tpu.memory_space<vmem>>, vector<16xi32>,
      tpu.vector_store_idx %arg5[%get3A_622, %add3A_29], %broadcast_in_dim3A_5 : memref<1000x128xf32, #tpu.memory_space<vmem>>[vector<16xi32>, vector<16xi32>], vector<16xf32>,
      %get3A_623 = arith.constant 18 : i32
      %get3A_624 = arith.index_cast %get3A_623 : i32 to index
      %get3A_625 = arith.constant 0 : index
      %get3A_626 = tpu.vector_load %arg4[%get3A_624, %get3A_625] {strides = array<i32>} : memref<20x128xi32, #tpu.memory_space<vmem>>, vector<16xi32>,
      tpu.vector_store_idx %arg5[%get3A_626, %add3A_8], %broadcast_in_dim3A_5 : memref<1000x128xf32, #tpu.memory_space<vmem>>[vector<16xi32>, vector<16xi32>], vector<16xf32>,
      %get3A_627 = arith.constant 18 : i32
      %get3A_628 = arith.index_cast %get3A_627 : i32 to index
      %get3A_629 = arith.constant 16 : index
      %get3A_630 = tpu.vector_load %arg4[%get3A_628, %get3A_629] {strides = array<i32>} : memref<20x128xi32, #tpu.memory_space<vmem>>, vector<16xi32>,
      tpu.vector_store_idx %arg5[%get3A_630, %add3A_11], %broadcast_in_dim3A_5 : memref<1000x128xf32, #tpu.memory_space<vmem>>[vector<16xi32>, vector<16xi32>], vector<16xf32>,
      %get3A_631 = arith.constant 18 : i32
      %get3A_632 = arith.index_cast %get3A_631 : i32 to index
      %get3A_633 = arith.constant 32 : index
      %get3A_634 = tpu.vector_load %arg4[%get3A_632, %get3A_633] {strides = array<i32>} : memref<20x128xi32, #tpu.memory_space<vmem>>, vector<16xi32>,
      tpu.vector_store_idx %arg5[%get3A_634, %add3A_14], %broadcast_in_dim3A_5 : memref<1000x128xf32, #tpu.memory_space<vmem>>[vector<16xi32>, vector<16xi32>], vector<16xf32>,
      %get3A_635 = arith.constant 18 : i32
      %get3A_636 = arith.index_cast %get3A_635 : i32 to index
      %get3A_637 = arith.constant 48 : index
      %get3A_638 = tpu.vector_load %arg4[%get3A_636, %get3A_637] {strides = array<i32>} : memref<20x128xi32, #tpu.memory_space<vmem>>, vector<16xi32>,
      tpu.vector_store_idx %arg5[%get3A_638, %add3A_17], %broadcast_in_dim3A_5 : memref<1000x128xf32, #tpu.memory_space<vmem>>[vector<16xi32>, vector<16xi32>], vector<16xf32>,
      %get3A_639 = arith.constant 18 : i32
      %get3A_640 = arith.index_cast %get3A_639 : i32 to index
      %get3A_641 = arith.constant 64 : index
      %get3A_642 = tpu.vector_load %arg4[%get3A_640, %get3A_641] {strides = array<i32>} : memref<20x128xi32, #tpu.memory_space<vmem>>, vector<16xi32>,
      tpu.vector_store_idx %arg5[%get3A_642, %add3A_20], %broadcast_in_dim3A_5 : memref<1000x128xf32, #tpu.memory_space<vmem>>[vector<16xi32>, vector<16xi32>], vector<16xf32>,
      %get3A_643 = arith.constant 18 : i32
      %get3A_644 = arith.index_cast %get3A_643 : i32 to index
      %get3A_645 = arith.constant 80 : index
      %get3A_646 = tpu.vector_load %arg4[%get3A_644, %get3A_645] {strides = array<i32>} : memref<20x128xi32, #tpu.memory_space<vmem>>, vector<16xi32>,
      tpu.vector_store_idx %arg5[%get3A_646, %add3A_23], %broadcast_in_dim3A_5 : memref<1000x128xf32, #tpu.memory_space<vmem>>[vector<16xi32>, vector<16xi32>], vector<16xf32>,
      %get3A_647 = arith.constant 18 : i32
      %get3A_648 = arith.index_cast %get3A_647 : i32 to index
      %get3A_649 = arith.constant 96 : index
      %get3A_650 = tpu.vector_load %arg4[%get3A_648, %get3A_649] {strides = array<i32>} : memref<20x128xi32, #tpu.memory_space<vmem>>, vector<16xi32>,
      tpu.vector_store_idx %arg5[%get3A_650, %add3A_26], %broadcast_in_dim3A_5 : memref<1000x128xf32, #tpu.memory_space<vmem>>[vector<16xi32>, vector<16xi32>], vector<16xf32>,
      %get3A_651 = arith.constant 18 : i32
      %get3A_652 = arith.index_cast %get3A_651 : i32 to index
      %get3A_653 = arith.constant 112 : index
      %get3A_654 = tpu.vector_load %arg4[%get3A_652, %get3A_653] {strides = array<i32>} : memref<20x128xi32, #tpu.memory_space<vmem>>, vector<16xi32>,
      tpu.vector_store_idx %arg5[%get3A_654, %add3A_29], %broadcast_in_dim3A_5 : memref<1000x128xf32, #tpu.memory_space<vmem>>[vector<16xi32>, vector<16xi32>], vector<16xf32>,
      %get3A_655 = arith.constant 19 : i32
      %get3A_656 = arith.index_cast %get3A_655 : i32 to index
      %get3A_657 = arith.constant 0 : index
      %get3A_658 = tpu.vector_load %arg4[%get3A_656, %get3A_657] {strides = array<i32>} : memref<20x128xi32, #tpu.memory_space<vmem>>, vector<16xi32>,
      tpu.vector_store_idx %arg5[%get3A_658, %add3A_8], %broadcast_in_dim3A_5 : memref<1000x128xf32, #tpu.memory_space<vmem>>[vector<16xi32>, vector<16xi32>], vector<16xf32>,
      %get3A_659 = arith.constant 19 : i32
      %get3A_660 = arith.index_cast %get3A_659 : i32 to index
      %get3A_661 = arith.constant 16 : index
      %get3A_662 = tpu.vector_load %arg4[%get3A_660, %get3A_661] {strides = array<i32>} : memref<20x128xi32, #tpu.memory_space<vmem>>, vector<16xi32>,
      tpu.vector_store_idx %arg5[%get3A_662, %add3A_11], %broadcast_in_dim3A_5 : memref<1000x128xf32, #tpu.memory_space<vmem>>[vector<16xi32>, vector<16xi32>], vector<16xf32>,
      %get3A_663 = arith.constant 19 : i32
      %get3A_664 = arith.index_cast %get3A_663 : i32 to index
      %get3A_665 = arith.constant 32 : index
      %get3A_666 = tpu.vector_load %arg4[%get3A_664, %get3A_665] {strides = array<i32>} : memref<20x128xi32, #tpu.memory_space<vmem>>, vector<16xi32>,
      tpu.vector_store_idx %arg5[%get3A_666, %add3A_14], %broadcast_in_dim3A_5 : memref<1000x128xf32, #tpu.memory_space<vmem>>[vector<16xi32>, vector<16xi32>], vector<16xf32>,
      %get3A_667 = arith.constant 19 : i32
      %get3A_668 = arith.index_cast %get3A_667 : i32 to index
      %get3A_669 = arith.constant 48 : index
      %get3A_670 = tpu.vector_load %arg4[%get3A_668, %get3A_669] {strides = array<i32>} : memref<20x128xi32, #tpu.memory_space<vmem>>, vector<16xi32>,
      tpu.vector_store_idx %arg5[%get3A_670, %add3A_17], %broadcast_in_dim3A_5 : memref<1000x128xf32, #tpu.memory_space<vmem>>[vector<16xi32>, vector<16xi32>], vector<16xf32>,
      %get3A_671 = arith.constant 19 : i32
      %get3A_672 = arith.index_cast %get3A_671 : i32 to index
      %get3A_673 = arith.constant 64 : index
      %get3A_674 = tpu.vector_load %arg4[%get3A_672, %get3A_673] {strides = array<i32>} : memref<20x128xi32, #tpu.memory_space<vmem>>, vector<16xi32>,
      tpu.vector_store_idx %arg5[%get3A_674, %add3A_20], %broadcast_in_dim3A_5 : memref<1000x128xf32, #tpu.memory_space<vmem>>[vector<16xi32>, vector<16xi32>], vector<16xf32>,
      %get3A_675 = arith.constant 19 : i32
      %get3A_676 = arith.index_cast %get3A_675 : i32 to index
      %get3A_677 = arith.constant 80 : index
      %get3A_678 = tpu.vector_load %arg4[%get3A_676, %get3A_677] {strides = array<i32>} : memref<20x128xi32, #tpu.memory_space<vmem>>, vector<16xi32>,
      tpu.vector_store_idx %arg5[%get3A_678, %add3A_23], %broadcast_in_dim3A_5 : memref<1000x128xf32, #tpu.memory_space<vmem>>[vector<16xi32>, vector<16xi32>], vector<16xf32>,
      %get3A_679 = arith.constant 19 : i32
      %get3A_680 = arith.index_cast %get3A_679 : i32 to index
      %get3A_681 = arith.constant 96 : index
      %get3A_682 = tpu.vector_load %arg4[%get3A_680, %get3A_681] {strides = array<i32>} : memref<20x128xi32, #tpu.memory_space<vmem>>, vector<16xi32>,
      tpu.vector_store_idx %arg5[%get3A_682, %add3A_26], %broadcast_in_dim3A_5 : memref<1000x128xf32, #tpu.memory_space<vmem>>[vector<16xi32>, vector<16xi32>], vector<16xf32>,
      %get3A_683 = arith.constant 19 : i32
      %get3A_684 = arith.index_cast %get3A_683 : i32 to index
      %get3A_685 = arith.constant 112 : index
      %get3A_686 = tpu.vector_load %arg4[%get3A_684, %get3A_685] {strides = array<i32>} : memref<20x128xi32, #tpu.memory_space<vmem>>, vector<16xi32>,
      tpu.vector_store_idx %arg5[%get3A_686, %add3A_29], %broadcast_in_dim3A_5 : memref<1000x128xf32, #tpu.memory_space<vmem>>[vector<16xi32>, vector<16xi32>], vector<16xf32>,
      "tpu.region"() ({
        %run_scoped3A = tpu.sem_alloc : memref<!tpu.dma_semaphore, #tpu.memory_space<semaphore_mem>>
        %dma_start3A = arith.constant 0 : i32
        %dma_start3A_690 = tpu.memref_slice %arg3[%dma_start3A, %add3A_47] : memref<1000x16384xf32, #tpu.memory_space<hbm>> -> memref<1000x128xf32, #tpu.memory_space<hbm>>
        %dma_start3A_691 = arith.constant 0 : i32
        %dma_start3A_692 = tpu.memref_slice %arg3[%dma_start3A_691, %add3A_47] : memref<1000x16384xf32, #tpu.memory_space<hbm>> -> memref<1000x128xf32, #tpu.memory_space<hbm>>
        tpu.enqueue_dma source(%arg5 : memref<1000x128xf32, #tpu.memory_space<vmem>>) target(%dma_start3A_692 : memref<1000x128xf32, #tpu.memory_space<hbm>>) target_semaphore(%run_scoped3A : memref<!tpu.dma_semaphore, #tpu.memory_space<semaphore_mem>>)
        %dma_wait3A = arith.constant 0 : i32
        %dma_wait3A_693 = tpu.memref_slice %arg3[%dma_wait3A, %add3A_47] : memref<1000x16384xf32, #tpu.memory_space<hbm>> -> memref<1000x128xf32, #tpu.memory_space<hbm>>
        %dma_wait3A_694 = arith.constant 0 : i32
        %dma_wait3A_695 = tpu.memref_slice %arg3[%dma_wait3A_694, %add3A_47] : memref<1000x16384xf32, #tpu.memory_space<hbm>> -> memref<1000x128xf32, #tpu.memory_space<hbm>>
        tpu.wait_dma2 semaphore(%run_scoped3A : memref<!tpu.dma_semaphore, #tpu.memory_space<semaphore_mem>>) src(%arg5 : memref<1000x128xf32, #tpu.memory_space<vmem>>) dst(%dma_wait3A_695 : memref<1000x128xf32, #tpu.memory_space<hbm>>)
        tpu.yield
      }) : () -> ()
      %lt3A = arith.constant 3 : i32
      %lt3A_687 = arith.cmpi slt, %scan3A_43, %lt3A : i32
      %convert_element_type3A = arith.extui %lt3A_687 : i1 to i32
      %cond3A = arith.constant 0 : i32
      %cond3A_688 = arith.cmpi ne, %convert_element_type3A, %cond3A : i32
      scf.if %cond3A_688 {
        %get3A_690 = arith.constant 0 : i32
        %get3A_691 = arith.index_cast %get3A_690 : i32 to index
        %get3A_692 = arith.constant 0 : index
        %get3A_693 = tpu.vector_load %arg4[%get3A_691, %get3A_692] {strides = array<i32>} : memref<20x128xi32, #tpu.memory_space<vmem>>, vector<16xi32>,
        tpu.vector_store_idx %arg5[%get3A_693, %add3A_8], %broadcast_in_dim3A_3 : memref<1000x128xf32, #tpu.memory_space<vmem>>[vector<16xi32>, vector<16xi32>], vector<16xf32>,
        %get3A_694 = arith.constant 0 : i32
        %get3A_695 = arith.index_cast %get3A_694 : i32 to index
        %get3A_696 = arith.constant 16 : index
        %get3A_697 = tpu.vector_load %arg4[%get3A_695, %get3A_696] {strides = array<i32>} : memref<20x128xi32, #tpu.memory_space<vmem>>, vector<16xi32>,
        tpu.vector_store_idx %arg5[%get3A_697, %add3A_11], %broadcast_in_dim3A_3 : memref<1000x128xf32, #tpu.memory_space<vmem>>[vector<16xi32>, vector<16xi32>], vector<16xf32>,
        %get3A_698 = arith.constant 0 : i32
        %get3A_699 = arith.index_cast %get3A_698 : i32 to index
        %get3A_700 = arith.constant 32 : index
        %get3A_701 = tpu.vector_load %arg4[%get3A_699, %get3A_700] {strides = array<i32>} : memref<20x128xi32, #tpu.memory_space<vmem>>, vector<16xi32>,
        tpu.vector_store_idx %arg5[%get3A_701, %add3A_14], %broadcast_in_dim3A_3 : memref<1000x128xf32, #tpu.memory_space<vmem>>[vector<16xi32>, vector<16xi32>], vector<16xf32>,
        %get3A_702 = arith.constant 0 : i32
        %get3A_703 = arith.index_cast %get3A_702 : i32 to index
        %get3A_704 = arith.constant 48 : index
        %get3A_705 = tpu.vector_load %arg4[%get3A_703, %get3A_704] {strides = array<i32>} : memref<20x128xi32, #tpu.memory_space<vmem>>, vector<16xi32>,
        tpu.vector_store_idx %arg5[%get3A_705, %add3A_17], %broadcast_in_dim3A_3 : memref<1000x128xf32, #tpu.memory_space<vmem>>[vector<16xi32>, vector<16xi32>], vector<16xf32>,
        %get3A_706 = arith.constant 0 : i32
        %get3A_707 = arith.index_cast %get3A_706 : i32 to index
        %get3A_708 = arith.constant 64 : index
        %get3A_709 = tpu.vector_load %arg4[%get3A_707, %get3A_708] {strides = array<i32>} : memref<20x128xi32, #tpu.memory_space<vmem>>, vector<16xi32>,
        tpu.vector_store_idx %arg5[%get3A_709, %add3A_20], %broadcast_in_dim3A_3 : memref<1000x128xf32, #tpu.memory_space<vmem>>[vector<16xi32>, vector<16xi32>], vector<16xf32>,
        %get3A_710 = arith.constant 0 : i32
        %get3A_711 = arith.index_cast %get3A_710 : i32 to index
        %get3A_712 = arith.constant 80 : index
        %get3A_713 = tpu.vector_load %arg4[%get3A_711, %get3A_712] {strides = array<i32>} : memref<20x128xi32, #tpu.memory_space<vmem>>, vector<16xi32>,
        tpu.vector_store_idx %arg5[%get3A_713, %add3A_23], %broadcast_in_dim3A_3 : memref<1000x128xf32, #tpu.memory_space<vmem>>[vector<16xi32>, vector<16xi32>], vector<16xf32>,
        %get3A_714 = arith.constant 0 : i32
        %get3A_715 = arith.index_cast %get3A_714 : i32 to index
        %get3A_716 = arith.constant 96 : index
        %get3A_717 = tpu.vector_load %arg4[%get3A_715, %get3A_716] {strides = array<i32>} : memref<20x128xi32, #tpu.memory_space<vmem>>, vector<16xi32>,
        tpu.vector_store_idx %arg5[%get3A_717, %add3A_26], %broadcast_in_dim3A_3 : memref<1000x128xf32, #tpu.memory_space<vmem>>[vector<16xi32>, vector<16xi32>], vector<16xf32>,
        %get3A_718 = arith.constant 0 : i32
        %get3A_719 = arith.index_cast %get3A_718 : i32 to index
        %get3A_720 = arith.constant 112 : index
        %get3A_721 = tpu.vector_load %arg4[%get3A_719, %get3A_720] {strides = array<i32>} : memref<20x128xi32, #tpu.memory_space<vmem>>, vector<16xi32>,
        tpu.vector_store_idx %arg5[%get3A_721, %add3A_29], %broadcast_in_dim3A_3 : memref<1000x128xf32, #tpu.memory_space<vmem>>[vector<16xi32>, vector<16xi32>], vector<16xf32>,
        %get3A_722 = arith.constant 1 : i32
        %get3A_723 = arith.index_cast %get3A_722 : i32 to index
        %get3A_724 = arith.constant 0 : index
        %get3A_725 = tpu.vector_load %arg4[%get3A_723, %get3A_724] {strides = array<i32>} : memref<20x128xi32, #tpu.memory_space<vmem>>, vector<16xi32>,
        tpu.vector_store_idx %arg5[%get3A_725, %add3A_8], %broadcast_in_dim3A_3 : memref<1000x128xf32, #tpu.memory_space<vmem>>[vector<16xi32>, vector<16xi32>], vector<16xf32>,
        %get3A_726 = arith.constant 1 : i32
        %get3A_727 = arith.index_cast %get3A_726 : i32 to index
        %get3A_728 = arith.constant 16 : index
        %get3A_729 = tpu.vector_load %arg4[%get3A_727, %get3A_728] {strides = array<i32>} : memref<20x128xi32, #tpu.memory_space<vmem>>, vector<16xi32>,
        tpu.vector_store_idx %arg5[%get3A_729, %add3A_11], %broadcast_in_dim3A_3 : memref<1000x128xf32, #tpu.memory_space<vmem>>[vector<16xi32>, vector<16xi32>], vector<16xf32>,
        %get3A_730 = arith.constant 1 : i32
        %get3A_731 = arith.index_cast %get3A_730 : i32 to index
        %get3A_732 = arith.constant 32 : index
        %get3A_733 = tpu.vector_load %arg4[%get3A_731, %get3A_732] {strides = array<i32>} : memref<20x128xi32, #tpu.memory_space<vmem>>, vector<16xi32>,
        tpu.vector_store_idx %arg5[%get3A_733, %add3A_14], %broadcast_in_dim3A_3 : memref<1000x128xf32, #tpu.memory_space<vmem>>[vector<16xi32>, vector<16xi32>], vector<16xf32>,
        %get3A_734 = arith.constant 1 : i32
        %get3A_735 = arith.index_cast %get3A_734 : i32 to index
        %get3A_736 = arith.constant 48 : index
        %get3A_737 = tpu.vector_load %arg4[%get3A_735, %get3A_736] {strides = array<i32>} : memref<20x128xi32, #tpu.memory_space<vmem>>, vector<16xi32>,
        tpu.vector_store_idx %arg5[%get3A_737, %add3A_17], %broadcast_in_dim3A_3 : memref<1000x128xf32, #tpu.memory_space<vmem>>[vector<16xi32>, vector<16xi32>], vector<16xf32>,
        %get3A_738 = arith.constant 1 : i32
        %get3A_739 = arith.index_cast %get3A_738 : i32 to index
        %get3A_740 = arith.constant 64 : index
        %get3A_741 = tpu.vector_load %arg4[%get3A_739, %get3A_740] {strides = array<i32>} : memref<20x128xi32, #tpu.memory_space<vmem>>, vector<16xi32>,
        tpu.vector_store_idx %arg5[%get3A_741, %add3A_20], %broadcast_in_dim3A_3 : memref<1000x128xf32, #tpu.memory_space<vmem>>[vector<16xi32>, vector<16xi32>], vector<16xf32>,
        %get3A_742 = arith.constant 1 : i32
        %get3A_743 = arith.index_cast %get3A_742 : i32 to index
        %get3A_744 = arith.constant 80 : index
        %get3A_745 = tpu.vector_load %arg4[%get3A_743, %get3A_744] {strides = array<i32>} : memref<20x128xi32, #tpu.memory_space<vmem>>, vector<16xi32>,
        tpu.vector_store_idx %arg5[%get3A_745, %add3A_23], %broadcast_in_dim3A_3 : memref<1000x128xf32, #tpu.memory_space<vmem>>[vector<16xi32>, vector<16xi32>], vector<16xf32>,
        %get3A_746 = arith.constant 1 : i32
        %get3A_747 = arith.index_cast %get3A_746 : i32 to index
        %get3A_748 = arith.constant 96 : index
        %get3A_749 = tpu.vector_load %arg4[%get3A_747, %get3A_748] {strides = array<i32>} : memref<20x128xi32, #tpu.memory_space<vmem>>, vector<16xi32>,
        tpu.vector_store_idx %arg5[%get3A_749, %add3A_26], %broadcast_in_dim3A_3 : memref<1000x128xf32, #tpu.memory_space<vmem>>[vector<16xi32>, vector<16xi32>], vector<16xf32>,
        %get3A_750 = arith.constant 1 : i32
        %get3A_751 = arith.index_cast %get3A_750 : i32 to index
        %get3A_752 = arith.constant 112 : index
        %get3A_753 = tpu.vector_load %arg4[%get3A_751, %get3A_752] {strides = array<i32>} : memref<20x128xi32, #tpu.memory_space<vmem>>, vector<16xi32>,
        tpu.vector_store_idx %arg5[%get3A_753, %add3A_29], %broadcast_in_dim3A_3 : memref<1000x128xf32, #tpu.memory_space<vmem>>[vector<16xi32>, vector<16xi32>], vector<16xf32>,
        %get3A_754 = arith.constant 2 : i32
        %get3A_755 = arith.index_cast %get3A_754 : i32 to index
        %get3A_756 = arith.constant 0 : index
        %get3A_757 = tpu.vector_load %arg4[%get3A_755, %get3A_756] {strides = array<i32>} : memref<20x128xi32, #tpu.memory_space<vmem>>, vector<16xi32>,
        tpu.vector_store_idx %arg5[%get3A_757, %add3A_8], %broadcast_in_dim3A_3 : memref<1000x128xf32, #tpu.memory_space<vmem>>[vector<16xi32>, vector<16xi32>], vector<16xf32>,
        %get3A_758 = arith.constant 2 : i32
        %get3A_759 = arith.index_cast %get3A_758 : i32 to index
        %get3A_760 = arith.constant 16 : index
        %get3A_761 = tpu.vector_load %arg4[%get3A_759, %get3A_760] {strides = array<i32>} : memref<20x128xi32, #tpu.memory_space<vmem>>, vector<16xi32>,
        tpu.vector_store_idx %arg5[%get3A_761, %add3A_11], %broadcast_in_dim3A_3 : memref<1000x128xf32, #tpu.memory_space<vmem>>[vector<16xi32>, vector<16xi32>], vector<16xf32>,
        %get3A_762 = arith.constant 2 : i32
        %get3A_763 = arith.index_cast %get3A_762 : i32 to index
        %get3A_764 = arith.constant 32 : index
        %get3A_765 = tpu.vector_load %arg4[%get3A_763, %get3A_764] {strides = array<i32>} : memref<20x128xi32, #tpu.memory_space<vmem>>, vector<16xi32>,
        tpu.vector_store_idx %arg5[%get3A_765, %add3A_14], %broadcast_in_dim3A_3 : memref<1000x128xf32, #tpu.memory_space<vmem>>[vector<16xi32>, vector<16xi32>], vector<16xf32>,
        %get3A_766 = arith.constant 2 : i32
        %get3A_767 = arith.index_cast %get3A_766 : i32 to index
        %get3A_768 = arith.constant 48 : index
        %get3A_769 = tpu.vector_load %arg4[%get3A_767, %get3A_768] {strides = array<i32>} : memref<20x128xi32, #tpu.memory_space<vmem>>, vector<16xi32>,
        tpu.vector_store_idx %arg5[%get3A_769, %add3A_17], %broadcast_in_dim3A_3 : memref<1000x128xf32, #tpu.memory_space<vmem>>[vector<16xi32>, vector<16xi32>], vector<16xf32>,
        %get3A_770 = arith.constant 2 : i32
        %get3A_771 = arith.index_cast %get3A_770 : i32 to index
        %get3A_772 = arith.constant 64 : index
        %get3A_773 = tpu.vector_load %arg4[%get3A_771, %get3A_772] {strides = array<i32>} : memref<20x128xi32, #tpu.memory_space<vmem>>, vector<16xi32>,
        tpu.vector_store_idx %arg5[%get3A_773, %add3A_20], %broadcast_in_dim3A_3 : memref<1000x128xf32, #tpu.memory_space<vmem>>[vector<16xi32>, vector<16xi32>], vector<16xf32>,
        %get3A_774 = arith.constant 2 : i32
        %get3A_775 = arith.index_cast %get3A_774 : i32 to index
        %get3A_776 = arith.constant 80 : index
        %get3A_777 = tpu.vector_load %arg4[%get3A_775, %get3A_776] {strides = array<i32>} : memref<20x128xi32, #tpu.memory_space<vmem>>, vector<16xi32>,
        tpu.vector_store_idx %arg5[%get3A_777, %add3A_23], %broadcast_in_dim3A_3 : memref<1000x128xf32, #tpu.memory_space<vmem>>[vector<16xi32>, vector<16xi32>], vector<16xf32>,
        %get3A_778 = arith.constant 2 : i32
        %get3A_779 = arith.index_cast %get3A_778 : i32 to index
        %get3A_780 = arith.constant 96 : index
        %get3A_781 = tpu.vector_load %arg4[%get3A_779, %get3A_780] {strides = array<i32>} : memref<20x128xi32, #tpu.memory_space<vmem>>, vector<16xi32>,
        tpu.vector_store_idx %arg5[%get3A_781, %add3A_26], %broadcast_in_dim3A_3 : memref<1000x128xf32, #tpu.memory_space<vmem>>[vector<16xi32>, vector<16xi32>], vector<16xf32>,
        %get3A_782 = arith.constant 2 : i32
        %get3A_783 = arith.index_cast %get3A_782 : i32 to index
        %get3A_784 = arith.constant 112 : index
        %get3A_785 = tpu.vector_load %arg4[%get3A_783, %get3A_784] {strides = array<i32>} : memref<20x128xi32, #tpu.memory_space<vmem>>, vector<16xi32>,
        tpu.vector_store_idx %arg5[%get3A_785, %add3A_29], %broadcast_in_dim3A_3 : memref<1000x128xf32, #tpu.memory_space<vmem>>[vector<16xi32>, vector<16xi32>], vector<16xf32>,
        %get3A_786 = arith.constant 3 : i32
        %get3A_787 = arith.index_cast %get3A_786 : i32 to index
        %get3A_788 = arith.constant 0 : index
        %get3A_789 = tpu.vector_load %arg4[%get3A_787, %get3A_788] {strides = array<i32>} : memref<20x128xi32, #tpu.memory_space<vmem>>, vector<16xi32>,
        tpu.vector_store_idx %arg5[%get3A_789, %add3A_8], %broadcast_in_dim3A_3 : memref<1000x128xf32, #tpu.memory_space<vmem>>[vector<16xi32>, vector<16xi32>], vector<16xf32>,
        %get3A_790 = arith.constant 3 : i32
        %get3A_791 = arith.index_cast %get3A_790 : i32 to index
        %get3A_792 = arith.constant 16 : index
        %get3A_793 = tpu.vector_load %arg4[%get3A_791, %get3A_792] {strides = array<i32>} : memref<20x128xi32, #tpu.memory_space<vmem>>, vector<16xi32>,
        tpu.vector_store_idx %arg5[%get3A_793, %add3A_11], %broadcast_in_dim3A_3 : memref<1000x128xf32, #tpu.memory_space<vmem>>[vector<16xi32>, vector<16xi32>], vector<16xf32>,
        %get3A_794 = arith.constant 3 : i32
        %get3A_795 = arith.index_cast %get3A_794 : i32 to index
        %get3A_796 = arith.constant 32 : index
        %get3A_797 = tpu.vector_load %arg4[%get3A_795, %get3A_796] {strides = array<i32>} : memref<20x128xi32, #tpu.memory_space<vmem>>, vector<16xi32>,
        tpu.vector_store_idx %arg5[%get3A_797, %add3A_14], %broadcast_in_dim3A_3 : memref<1000x128xf32, #tpu.memory_space<vmem>>[vector<16xi32>, vector<16xi32>], vector<16xf32>,
        %get3A_798 = arith.constant 3 : i32
        %get3A_799 = arith.index_cast %get3A_798 : i32 to index
        %get3A_800 = arith.constant 48 : index
        %get3A_801 = tpu.vector_load %arg4[%get3A_799, %get3A_800] {strides = array<i32>} : memref<20x128xi32, #tpu.memory_space<vmem>>, vector<16xi32>,
        tpu.vector_store_idx %arg5[%get3A_801, %add3A_17], %broadcast_in_dim3A_3 : memref<1000x128xf32, #tpu.memory_space<vmem>>[vector<16xi32>, vector<16xi32>], vector<16xf32>,
        %get3A_802 = arith.constant 3 : i32
        %get3A_803 = arith.index_cast %get3A_802 : i32 to index
        %get3A_804 = arith.constant 64 : index
        %get3A_805 = tpu.vector_load %arg4[%get3A_803, %get3A_804] {strides = array<i32>} : memref<20x128xi32, #tpu.memory_space<vmem>>, vector<16xi32>,
        tpu.vector_store_idx %arg5[%get3A_805, %add3A_20], %broadcast_in_dim3A_3 : memref<1000x128xf32, #tpu.memory_space<vmem>>[vector<16xi32>, vector<16xi32>], vector<16xf32>,
        %get3A_806 = arith.constant 3 : i32
        %get3A_807 = arith.index_cast %get3A_806 : i32 to index
        %get3A_808 = arith.constant 80 : index
        %get3A_809 = tpu.vector_load %arg4[%get3A_807, %get3A_808] {strides = array<i32>} : memref<20x128xi32, #tpu.memory_space<vmem>>, vector<16xi32>,
        tpu.vector_store_idx %arg5[%get3A_809, %add3A_23], %broadcast_in_dim3A_3 : memref<1000x128xf32, #tpu.memory_space<vmem>>[vector<16xi32>, vector<16xi32>], vector<16xf32>,
        %get3A_810 = arith.constant 3 : i32
        %get3A_811 = arith.index_cast %get3A_810 : i32 to index
        %get3A_812 = arith.constant 96 : index
        %get3A_813 = tpu.vector_load %arg4[%get3A_811, %get3A_812] {strides = array<i32>} : memref<20x128xi32, #tpu.memory_space<vmem>>, vector<16xi32>,
        tpu.vector_store_idx %arg5[%get3A_813, %add3A_26], %broadcast_in_dim3A_3 : memref<1000x128xf32, #tpu.memory_space<vmem>>[vector<16xi32>, vector<16xi32>], vector<16xf32>,
        %get3A_814 = arith.constant 3 : i32
        %get3A_815 = arith.index_cast %get3A_814 : i32 to index
        %get3A_816 = arith.constant 112 : index
        %get3A_817 = tpu.vector_load %arg4[%get3A_815, %get3A_816] {strides = array<i32>} : memref<20x128xi32, #tpu.memory_space<vmem>>, vector<16xi32>,
        tpu.vector_store_idx %arg5[%get3A_817, %add3A_29], %broadcast_in_dim3A_3 : memref<1000x128xf32, #tpu.memory_space<vmem>>[vector<16xi32>, vector<16xi32>], vector<16xf32>,
        %get3A_818 = arith.constant 4 : i32
        %get3A_819 = arith.index_cast %get3A_818 : i32 to index
        %get3A_820 = arith.constant 0 : index
        %get3A_821 = tpu.vector_load %arg4[%get3A_819, %get3A_820] {strides = array<i32>} : memref<20x128xi32, #tpu.memory_space<vmem>>, vector<16xi32>,
        tpu.vector_store_idx %arg5[%get3A_821, %add3A_8], %broadcast_in_dim3A_3 : memref<1000x128xf32, #tpu.memory_space<vmem>>[vector<16xi32>, vector<16xi32>], vector<16xf32>,
        %get3A_822 = arith.constant 4 : i32
        %get3A_823 = arith.index_cast %get3A_822 : i32 to index
        %get3A_824 = arith.constant 16 : index
        %get3A_825 = tpu.vector_load %arg4[%get3A_823, %get3A_824] {strides = array<i32>} : memref<20x128xi32, #tpu.memory_space<vmem>>, vector<16xi32>,
        tpu.vector_store_idx %arg5[%get3A_825, %add3A_11], %broadcast_in_dim3A_3 : memref<1000x128xf32, #tpu.memory_space<vmem>>[vector<16xi32>, vector<16xi32>], vector<16xf32>,
        %get3A_826 = arith.constant 4 : i32
        %get3A_827 = arith.index_cast %get3A_826 : i32 to index
        %get3A_828 = arith.constant 32 : index
        %get3A_829 = tpu.vector_load %arg4[%get3A_827, %get3A_828] {strides = array<i32>} : memref<20x128xi32, #tpu.memory_space<vmem>>, vector<16xi32>,
        tpu.vector_store_idx %arg5[%get3A_829, %add3A_14], %broadcast_in_dim3A_3 : memref<1000x128xf32, #tpu.memory_space<vmem>>[vector<16xi32>, vector<16xi32>], vector<16xf32>,
        %get3A_830 = arith.constant 4 : i32
        %get3A_831 = arith.index_cast %get3A_830 : i32 to index
        %get3A_832 = arith.constant 48 : index
        %get3A_833 = tpu.vector_load %arg4[%get3A_831, %get3A_832] {strides = array<i32>} : memref<20x128xi32, #tpu.memory_space<vmem>>, vector<16xi32>,
        tpu.vector_store_idx %arg5[%get3A_833, %add3A_17], %broadcast_in_dim3A_3 : memref<1000x128xf32, #tpu.memory_space<vmem>>[vector<16xi32>, vector<16xi32>], vector<16xf32>,
        %get3A_834 = arith.constant 4 : i32
        %get3A_835 = arith.index_cast %get3A_834 : i32 to index
        %get3A_836 = arith.constant 64 : index
        %get3A_837 = tpu.vector_load %arg4[%get3A_835, %get3A_836] {strides = array<i32>} : memref<20x128xi32, #tpu.memory_space<vmem>>, vector<16xi32>,
        tpu.vector_store_idx %arg5[%get3A_837, %add3A_20], %broadcast_in_dim3A_3 : memref<1000x128xf32, #tpu.memory_space<vmem>>[vector<16xi32>, vector<16xi32>], vector<16xf32>,
        %get3A_838 = arith.constant 4 : i32
        %get3A_839 = arith.index_cast %get3A_838 : i32 to index
        %get3A_840 = arith.constant 80 : index
        %get3A_841 = tpu.vector_load %arg4[%get3A_839, %get3A_840] {strides = array<i32>} : memref<20x128xi32, #tpu.memory_space<vmem>>, vector<16xi32>,
        tpu.vector_store_idx %arg5[%get3A_841, %add3A_23], %broadcast_in_dim3A_3 : memref<1000x128xf32, #tpu.memory_space<vmem>>[vector<16xi32>, vector<16xi32>], vector<16xf32>,
        %get3A_842 = arith.constant 4 : i32
        %get3A_843 = arith.index_cast %get3A_842 : i32 to index
        %get3A_844 = arith.constant 96 : index
        %get3A_845 = tpu.vector_load %arg4[%get3A_843, %get3A_844] {strides = array<i32>} : memref<20x128xi32, #tpu.memory_space<vmem>>, vector<16xi32>,
        tpu.vector_store_idx %arg5[%get3A_845, %add3A_26], %broadcast_in_dim3A_3 : memref<1000x128xf32, #tpu.memory_space<vmem>>[vector<16xi32>, vector<16xi32>], vector<16xf32>,
        %get3A_846 = arith.constant 4 : i32
        %get3A_847 = arith.index_cast %get3A_846 : i32 to index
        %get3A_848 = arith.constant 112 : index
        %get3A_849 = tpu.vector_load %arg4[%get3A_847, %get3A_848] {strides = array<i32>} : memref<20x128xi32, #tpu.memory_space<vmem>>, vector<16xi32>,
        tpu.vector_store_idx %arg5[%get3A_849, %add3A_29], %broadcast_in_dim3A_3 : memref<1000x128xf32, #tpu.memory_space<vmem>>[vector<16xi32>, vector<16xi32>], vector<16xf32>,
        %get3A_850 = arith.constant 5 : i32
        %get3A_851 = arith.index_cast %get3A_850 : i32 to index
        %get3A_852 = arith.constant 0 : index
        %get3A_853 = tpu.vector_load %arg4[%get3A_851, %get3A_852] {strides = array<i32>} : memref<20x128xi32, #tpu.memory_space<vmem>>, vector<16xi32>,
        tpu.vector_store_idx %arg5[%get3A_853, %add3A_8], %broadcast_in_dim3A_3 : memref<1000x128xf32, #tpu.memory_space<vmem>>[vector<16xi32>, vector<16xi32>], vector<16xf32>,
        %get3A_854 = arith.constant 5 : i32
        %get3A_855 = arith.index_cast %get3A_854 : i32 to index
        %get3A_856 = arith.constant 16 : index
        %get3A_857 = tpu.vector_load %arg4[%get3A_855, %get3A_856] {strides = array<i32>} : memref<20x128xi32, #tpu.memory_space<vmem>>, vector<16xi32>,
        tpu.vector_store_idx %arg5[%get3A_857, %add3A_11], %broadcast_in_dim3A_3 : memref<1000x128xf32, #tpu.memory_space<vmem>>[vector<16xi32>, vector<16xi32>], vector<16xf32>,
        %get3A_858 = arith.constant 5 : i32
        %get3A_859 = arith.index_cast %get3A_858 : i32 to index
        %get3A_860 = arith.constant 32 : index
        %get3A_861 = tpu.vector_load %arg4[%get3A_859, %get3A_860] {strides = array<i32>} : memref<20x128xi32, #tpu.memory_space<vmem>>, vector<16xi32>,
        tpu.vector_store_idx %arg5[%get3A_861, %add3A_14], %broadcast_in_dim3A_3 : memref<1000x128xf32, #tpu.memory_space<vmem>>[vector<16xi32>, vector<16xi32>], vector<16xf32>,
        %get3A_862 = arith.constant 5 : i32
        %get3A_863 = arith.index_cast %get3A_862 : i32 to index
        %get3A_864 = arith.constant 48 : index
        %get3A_865 = tpu.vector_load %arg4[%get3A_863, %get3A_864] {strides = array<i32>} : memref<20x128xi32, #tpu.memory_space<vmem>>, vector<16xi32>,
        tpu.vector_store_idx %arg5[%get3A_865, %add3A_17], %broadcast_in_dim3A_3 : memref<1000x128xf32, #tpu.memory_space<vmem>>[vector<16xi32>, vector<16xi32>], vector<16xf32>,
        %get3A_866 = arith.constant 5 : i32
        %get3A_867 = arith.index_cast %get3A_866 : i32 to index
        %get3A_868 = arith.constant 64 : index
        %get3A_869 = tpu.vector_load %arg4[%get3A_867, %get3A_868] {strides = array<i32>} : memref<20x128xi32, #tpu.memory_space<vmem>>, vector<16xi32>,
        tpu.vector_store_idx %arg5[%get3A_869, %add3A_20], %broadcast_in_dim3A_3 : memref<1000x128xf32, #tpu.memory_space<vmem>>[vector<16xi32>, vector<16xi32>], vector<16xf32>,
        %get3A_870 = arith.constant 5 : i32
        %get3A_871 = arith.index_cast %get3A_870 : i32 to index
        %get3A_872 = arith.constant 80 : index
        %get3A_873 = tpu.vector_load %arg4[%get3A_871, %get3A_872] {strides = array<i32>} : memref<20x128xi32, #tpu.memory_space<vmem>>, vector<16xi32>,
        tpu.vector_store_idx %arg5[%get3A_873, %add3A_23], %broadcast_in_dim3A_3 : memref<1000x128xf32, #tpu.memory_space<vmem>>[vector<16xi32>, vector<16xi32>], vector<16xf32>,
        %get3A_874 = arith.constant 5 : i32
        %get3A_875 = arith.index_cast %get3A_874 : i32 to index
        %get3A_876 = arith.constant 96 : index
        %get3A_877 = tpu.vector_load %arg4[%get3A_875, %get3A_876] {strides = array<i32>} : memref<20x128xi32, #tpu.memory_space<vmem>>, vector<16xi32>,
        tpu.vector_store_idx %arg5[%get3A_877, %add3A_26], %broadcast_in_dim3A_3 : memref<1000x128xf32, #tpu.memory_space<vmem>>[vector<16xi32>, vector<16xi32>], vector<16xf32>,
        %get3A_878 = arith.constant 5 : i32
        %get3A_879 = arith.index_cast %get3A_878 : i32 to index
        %get3A_880 = arith.constant 112 : index
        %get3A_881 = tpu.vector_load %arg4[%get3A_879, %get3A_880] {strides = array<i32>} : memref<20x128xi32, #tpu.memory_space<vmem>>, vector<16xi32>,
        tpu.vector_store_idx %arg5[%get3A_881, %add3A_29], %broadcast_in_dim3A_3 : memref<1000x128xf32, #tpu.memory_space<vmem>>[vector<16xi32>, vector<16xi32>], vector<16xf32>,
        %get3A_882 = arith.constant 6 : i32
        %get3A_883 = arith.index_cast %get3A_882 : i32 to index
        %get3A_884 = arith.constant 0 : index
        %get3A_885 = tpu.vector_load %arg4[%get3A_883, %get3A_884] {strides = array<i32>} : memref<20x128xi32, #tpu.memory_space<vmem>>, vector<16xi32>,
        tpu.vector_store_idx %arg5[%get3A_885, %add3A_8], %broadcast_in_dim3A_3 : memref<1000x128xf32, #tpu.memory_space<vmem>>[vector<16xi32>, vector<16xi32>], vector<16xf32>,
        %get3A_886 = arith.constant 6 : i32
        %get3A_887 = arith.index_cast %get3A_886 : i32 to index
        %get3A_888 = arith.constant 16 : index
        %get3A_889 = tpu.vector_load %arg4[%get3A_887, %get3A_888] {strides = array<i32>} : memref<20x128xi32, #tpu.memory_space<vmem>>, vector<16xi32>,
        tpu.vector_store_idx %arg5[%get3A_889, %add3A_11], %broadcast_in_dim3A_3 : memref<1000x128xf32, #tpu.memory_space<vmem>>[vector<16xi32>, vector<16xi32>], vector<16xf32>,
        %get3A_890 = arith.constant 6 : i32
        %get3A_891 = arith.index_cast %get3A_890 : i32 to index
        %get3A_892 = arith.constant 32 : index
        %get3A_893 = tpu.vector_load %arg4[%get3A_891, %get3A_892] {strides = array<i32>} : memref<20x128xi32, #tpu.memory_space<vmem>>, vector<16xi32>,
        tpu.vector_store_idx %arg5[%get3A_893, %add3A_14], %broadcast_in_dim3A_3 : memref<1000x128xf32, #tpu.memory_space<vmem>>[vector<16xi32>, vector<16xi32>], vector<16xf32>,
        %get3A_894 = arith.constant 6 : i32
        %get3A_895 = arith.index_cast %get3A_894 : i32 to index
        %get3A_896 = arith.constant 48 : index
        %get3A_897 = tpu.vector_load %arg4[%get3A_895, %get3A_896] {strides = array<i32>} : memref<20x128xi32, #tpu.memory_space<vmem>>, vector<16xi32>,
        tpu.vector_store_idx %arg5[%get3A_897, %add3A_17], %broadcast_in_dim3A_3 : memref<1000x128xf32, #tpu.memory_space<vmem>>[vector<16xi32>, vector<16xi32>], vector<16xf32>,
        %get3A_898 = arith.constant 6 : i32
        %get3A_899 = arith.index_cast %get3A_898 : i32 to index
        %get3A_900 = arith.constant 64 : index
        %get3A_901 = tpu.vector_load %arg4[%get3A_899, %get3A_900] {strides = array<i32>} : memref<20x128xi32, #tpu.memory_space<vmem>>, vector<16xi32>,
        tpu.vector_store_idx %arg5[%get3A_901, %add3A_20], %broadcast_in_dim3A_3 : memref<1000x128xf32, #tpu.memory_space<vmem>>[vector<16xi32>, vector<16xi32>], vector<16xf32>,
        %get3A_902 = arith.constant 6 : i32
        %get3A_903 = arith.index_cast %get3A_902 : i32 to index
        %get3A_904 = arith.constant 80 : index
        %get3A_905 = tpu.vector_load %arg4[%get3A_903, %get3A_904] {strides = array<i32>} : memref<20x128xi32, #tpu.memory_space<vmem>>, vector<16xi32>,
        tpu.vector_store_idx %arg5[%get3A_905, %add3A_23], %broadcast_in_dim3A_3 : memref<1000x128xf32, #tpu.memory_space<vmem>>[vector<16xi32>, vector<16xi32>], vector<16xf32>,
        %get3A_906 = arith.constant 6 : i32
        %get3A_907 = arith.index_cast %get3A_906 : i32 to index
        %get3A_908 = arith.constant 96 : index
        %get3A_909 = tpu.vector_load %arg4[%get3A_907, %get3A_908] {strides = array<i32>} : memref<20x128xi32, #tpu.memory_space<vmem>>, vector<16xi32>,
        tpu.vector_store_idx %arg5[%get3A_909, %add3A_26], %broadcast_in_dim3A_3 : memref<1000x128xf32, #tpu.memory_space<vmem>>[vector<16xi32>, vector<16xi32>], vector<16xf32>,
        %get3A_910 = arith.constant 6 : i32
        %get3A_911 = arith.index_cast %get3A_910 : i32 to index
        %get3A_912 = arith.constant 112 : index
        %get3A_913 = tpu.vector_load %arg4[%get3A_911, %get3A_912] {strides = array<i32>} : memref<20x128xi32, #tpu.memory_space<vmem>>, vector<16xi32>,
        tpu.vector_store_idx %arg5[%get3A_913, %add3A_29], %broadcast_in_dim3A_3 : memref<1000x128xf32, #tpu.memory_space<vmem>>[vector<16xi32>, vector<16xi32>], vector<16xf32>,
        %get3A_914 = arith.constant 7 : i32
        %get3A_915 = arith.index_cast %get3A_914 : i32 to index
        %get3A_916 = arith.constant 0 : index
        %get3A_917 = tpu.vector_load %arg4[%get3A_915, %get3A_916] {strides = array<i32>} : memref<20x128xi32, #tpu.memory_space<vmem>>, vector<16xi32>,
        tpu.vector_store_idx %arg5[%get3A_917, %add3A_8], %broadcast_in_dim3A_3 : memref<1000x128xf32, #tpu.memory_space<vmem>>[vector<16xi32>, vector<16xi32>], vector<16xf32>,
        %get3A_918 = arith.constant 7 : i32
        %get3A_919 = arith.index_cast %get3A_918 : i32 to index
        %get3A_920 = arith.constant 16 : index
        %get3A_921 = tpu.vector_load %arg4[%get3A_919, %get3A_920] {strides = array<i32>} : memref<20x128xi32, #tpu.memory_space<vmem>>, vector<16xi32>,
        tpu.vector_store_idx %arg5[%get3A_921, %add3A_11], %broadcast_in_dim3A_3 : memref<1000x128xf32, #tpu.memory_space<vmem>>[vector<16xi32>, vector<16xi32>], vector<16xf32>,
        %get3A_922 = arith.constant 7 : i32
        %get3A_923 = arith.index_cast %get3A_922 : i32 to index
        %get3A_924 = arith.constant 32 : index
        %get3A_925 = tpu.vector_load %arg4[%get3A_923, %get3A_924] {strides = array<i32>} : memref<20x128xi32, #tpu.memory_space<vmem>>, vector<16xi32>,
        tpu.vector_store_idx %arg5[%get3A_925, %add3A_14], %broadcast_in_dim3A_3 : memref<1000x128xf32, #tpu.memory_space<vmem>>[vector<16xi32>, vector<16xi32>], vector<16xf32>,
        %get3A_926 = arith.constant 7 : i32
        %get3A_927 = arith.index_cast %get3A_926 : i32 to index
        %get3A_928 = arith.constant 48 : index
        %get3A_929 = tpu.vector_load %arg4[%get3A_927, %get3A_928] {strides = array<i32>} : memref<20x128xi32, #tpu.memory_space<vmem>>, vector<16xi32>,
        tpu.vector_store_idx %arg5[%get3A_929, %add3A_17], %broadcast_in_dim3A_3 : memref<1000x128xf32, #tpu.memory_space<vmem>>[vector<16xi32>, vector<16xi32>], vector<16xf32>,
        %get3A_930 = arith.constant 7 : i32
        %get3A_931 = arith.index_cast %get3A_930 : i32 to index
        %get3A_932 = arith.constant 64 : index
        %get3A_933 = tpu.vector_load %arg4[%get3A_931, %get3A_932] {strides = array<i32>} : memref<20x128xi32, #tpu.memory_space<vmem>>, vector<16xi32>,
        tpu.vector_store_idx %arg5[%get3A_933, %add3A_20], %broadcast_in_dim3A_3 : memref<1000x128xf32, #tpu.memory_space<vmem>>[vector<16xi32>, vector<16xi32>], vector<16xf32>,
        %get3A_934 = arith.constant 7 : i32
        %get3A_935 = arith.index_cast %get3A_934 : i32 to index
        %get3A_936 = arith.constant 80 : index
        %get3A_937 = tpu.vector_load %arg4[%get3A_935, %get3A_936] {strides = array<i32>} : memref<20x128xi32, #tpu.memory_space<vmem>>, vector<16xi32>,
        tpu.vector_store_idx %arg5[%get3A_937, %add3A_23], %broadcast_in_dim3A_3 : memref<1000x128xf32, #tpu.memory_space<vmem>>[vector<16xi32>, vector<16xi32>], vector<16xf32>,
        %get3A_938 = arith.constant 7 : i32
        %get3A_939 = arith.index_cast %get3A_938 : i32 to index
        %get3A_940 = arith.constant 96 : index
        %get3A_941 = tpu.vector_load %arg4[%get3A_939, %get3A_940] {strides = array<i32>} : memref<20x128xi32, #tpu.memory_space<vmem>>, vector<16xi32>,
        tpu.vector_store_idx %arg5[%get3A_941, %add3A_26], %broadcast_in_dim3A_3 : memref<1000x128xf32, #tpu.memory_space<vmem>>[vector<16xi32>, vector<16xi32>], vector<16xf32>,
        %get3A_942 = arith.constant 7 : i32
        %get3A_943 = arith.index_cast %get3A_942 : i32 to index
        %get3A_944 = arith.constant 112 : index
        %get3A_945 = tpu.vector_load %arg4[%get3A_943, %get3A_944] {strides = array<i32>} : memref<20x128xi32, #tpu.memory_space<vmem>>, vector<16xi32>,
        tpu.vector_store_idx %arg5[%get3A_945, %add3A_29], %broadcast_in_dim3A_3 : memref<1000x128xf32, #tpu.memory_space<vmem>>[vector<16xi32>, vector<16xi32>], vector<16xf32>,
        %get3A_946 = arith.constant 8 : i32
        %get3A_947 = arith.index_cast %get3A_946 : i32 to index
        %get3A_948 = arith.constant 0 : index
        %get3A_949 = tpu.vector_load %arg4[%get3A_947, %get3A_948] {strides = array<i32>} : memref<20x128xi32, #tpu.memory_space<vmem>>, vector<16xi32>,
        tpu.vector_store_idx %arg5[%get3A_949, %add3A_8], %broadcast_in_dim3A_3 : memref<1000x128xf32, #tpu.memory_space<vmem>>[vector<16xi32>, vector<16xi32>], vector<16xf32>,
        %get3A_950 = arith.constant 8 : i32
        %get3A_951 = arith.index_cast %get3A_950 : i32 to index
        %get3A_952 = arith.constant 16 : index
        %get3A_953 = tpu.vector_load %arg4[%get3A_951, %get3A_952] {strides = array<i32>} : memref<20x128xi32, #tpu.memory_space<vmem>>, vector<16xi32>,
        tpu.vector_store_idx %arg5[%get3A_953, %add3A_11], %broadcast_in_dim3A_3 : memref<1000x128xf32, #tpu.memory_space<vmem>>[vector<16xi32>, vector<16xi32>], vector<16xf32>,
        %get3A_954 = arith.constant 8 : i32
        %get3A_955 = arith.index_cast %get3A_954 : i32 to index
        %get3A_956 = arith.constant 32 : index
        %get3A_957 = tpu.vector_load %arg4[%get3A_955, %get3A_956] {strides = array<i32>} : memref<20x128xi32, #tpu.memory_space<vmem>>, vector<16xi32>,
        tpu.vector_store_idx %arg5[%get3A_957, %add3A_14], %broadcast_in_dim3A_3 : memref<1000x128xf32, #tpu.memory_space<vmem>>[vector<16xi32>, vector<16xi32>], vector<16xf32>,
        %get3A_958 = arith.constant 8 : i32
        %get3A_959 = arith.index_cast %get3A_958 : i32 to index
        %get3A_960 = arith.constant 48 : index
        %get3A_961 = tpu.vector_load %arg4[%get3A_959, %get3A_960] {strides = array<i32>} : memref<20x128xi32, #tpu.memory_space<vmem>>, vector<16xi32>,
        tpu.vector_store_idx %arg5[%get3A_961, %add3A_17], %broadcast_in_dim3A_3 : memref<1000x128xf32, #tpu.memory_space<vmem>>[vector<16xi32>, vector<16xi32>], vector<16xf32>,
        %get3A_962 = arith.constant 8 : i32
        %get3A_963 = arith.index_cast %get3A_962 : i32 to index
        %get3A_964 = arith.constant 64 : index
        %get3A_965 = tpu.vector_load %arg4[%get3A_963, %get3A_964] {strides = array<i32>} : memref<20x128xi32, #tpu.memory_space<vmem>>, vector<16xi32>,
        tpu.vector_store_idx %arg5[%get3A_965, %add3A_20], %broadcast_in_dim3A_3 : memref<1000x128xf32, #tpu.memory_space<vmem>>[vector<16xi32>, vector<16xi32>], vector<16xf32>,
        %get3A_966 = arith.constant 8 : i32
        %get3A_967 = arith.index_cast %get3A_966 : i32 to index
        %get3A_968 = arith.constant 80 : index
        %get3A_969 = tpu.vector_load %arg4[%get3A_967, %get3A_968] {strides = array<i32>} : memref<20x128xi32, #tpu.memory_space<vmem>>, vector<16xi32>,
        tpu.vector_store_idx %arg5[%get3A_969, %add3A_23], %broadcast_in_dim3A_3 : memref<1000x128xf32, #tpu.memory_space<vmem>>[vector<16xi32>, vector<16xi32>], vector<16xf32>,
        %get3A_970 = arith.constant 8 : i32
        %get3A_971 = arith.index_cast %get3A_970 : i32 to index
        %get3A_972 = arith.constant 96 : index
        %get3A_973 = tpu.vector_load %arg4[%get3A_971, %get3A_972] {strides = array<i32>} : memref<20x128xi32, #tpu.memory_space<vmem>>, vector<16xi32>,
        tpu.vector_store_idx %arg5[%get3A_973, %add3A_26], %broadcast_in_dim3A_3 : memref<1000x128xf32, #tpu.memory_space<vmem>>[vector<16xi32>, vector<16xi32>], vector<16xf32>,
        %get3A_974 = arith.constant 8 : i32
        %get3A_975 = arith.index_cast %get3A_974 : i32 to index
        %get3A_976 = arith.constant 112 : index
        %get3A_977 = tpu.vector_load %arg4[%get3A_975, %get3A_976] {strides = array<i32>} : memref<20x128xi32, #tpu.memory_space<vmem>>, vector<16xi32>,
        tpu.vector_store_idx %arg5[%get3A_977, %add3A_29], %broadcast_in_dim3A_3 : memref<1000x128xf32, #tpu.memory_space<vmem>>[vector<16xi32>, vector<16xi32>], vector<16xf32>,
        %get3A_978 = arith.constant 9 : i32
        %get3A_979 = arith.index_cast %get3A_978 : i32 to index
        %get3A_980 = arith.constant 0 : index
        %get3A_981 = tpu.vector_load %arg4[%get3A_979, %get3A_980] {strides = array<i32>} : memref<20x128xi32, #tpu.memory_space<vmem>>, vector<16xi32>,
        tpu.vector_store_idx %arg5[%get3A_981, %add3A_8], %broadcast_in_dim3A_3 : memref<1000x128xf32, #tpu.memory_space<vmem>>[vector<16xi32>, vector<16xi32>], vector<16xf32>,
        %get3A_982 = arith.constant 9 : i32
        %get3A_983 = arith.index_cast %get3A_982 : i32 to index
        %get3A_984 = arith.constant 16 : index
        %get3A_985 = tpu.vector_load %arg4[%get3A_983, %get3A_984] {strides = array<i32>} : memref<20x128xi32, #tpu.memory_space<vmem>>, vector<16xi32>,
        tpu.vector_store_idx %arg5[%get3A_985, %add3A_11], %broadcast_in_dim3A_3 : memref<1000x128xf32, #tpu.memory_space<vmem>>[vector<16xi32>, vector<16xi32>], vector<16xf32>,
        %get3A_986 = arith.constant 9 : i32
        %get3A_987 = arith.index_cast %get3A_986 : i32 to index
        %get3A_988 = arith.constant 32 : index
        %get3A_989 = tpu.vector_load %arg4[%get3A_987, %get3A_988] {strides = array<i32>} : memref<20x128xi32, #tpu.memory_space<vmem>>, vector<16xi32>,
        tpu.vector_store_idx %arg5[%get3A_989, %add3A_14], %broadcast_in_dim3A_3 : memref<1000x128xf32, #tpu.memory_space<vmem>>[vector<16xi32>, vector<16xi32>], vector<16xf32>,
        %get3A_990 = arith.constant 9 : i32
        %get3A_991 = arith.index_cast %get3A_990 : i32 to index
        %get3A_992 = arith.constant 48 : index
        %get3A_993 = tpu.vector_load %arg4[%get3A_991, %get3A_992] {strides = array<i32>} : memref<20x128xi32, #tpu.memory_space<vmem>>, vector<16xi32>,
        tpu.vector_store_idx %arg5[%get3A_993, %add3A_17], %broadcast_in_dim3A_3 : memref<1000x128xf32, #tpu.memory_space<vmem>>[vector<16xi32>, vector<16xi32>], vector<16xf32>,
        %get3A_994 = arith.constant 9 : i32
        %get3A_995 = arith.index_cast %get3A_994 : i32 to index
        %get3A_996 = arith.constant 64 : index
        %get3A_997 = tpu.vector_load %arg4[%get3A_995, %get3A_996] {strides = array<i32>} : memref<20x128xi32, #tpu.memory_space<vmem>>, vector<16xi32>,
        tpu.vector_store_idx %arg5[%get3A_997, %add3A_20], %broadcast_in_dim3A_3 : memref<1000x128xf32, #tpu.memory_space<vmem>>[vector<16xi32>, vector<16xi32>], vector<16xf32>,
        %get3A_998 = arith.constant 9 : i32
        %get3A_999 = arith.index_cast %get3A_998 : i32 to index
        %get3A_1000 = arith.constant 80 : index
        %get3A_1001 = tpu.vector_load %arg4[%get3A_999, %get3A_1000] {strides = array<i32>} : memref<20x128xi32, #tpu.memory_space<vmem>>, vector<16xi32>,
        tpu.vector_store_idx %arg5[%get3A_1001, %add3A_23], %broadcast_in_dim3A_3 : memref<1000x128xf32, #tpu.memory_space<vmem>>[vector<16xi32>, vector<16xi32>], vector<16xf32>,
        %get3A_1002 = arith.constant 9 : i32
        %get3A_1003 = arith.index_cast %get3A_1002 : i32 to index
        %get3A_1004 = arith.constant 96 : index
        %get3A_1005 = tpu.vector_load %arg4[%get3A_1003, %get3A_1004] {strides = array<i32>} : memref<20x128xi32, #tpu.memory_space<vmem>>, vector<16xi32>,
        tpu.vector_store_idx %arg5[%get3A_1005, %add3A_26], %broadcast_in_dim3A_3 : memref<1000x128xf32, #tpu.memory_space<vmem>>[vector<16xi32>, vector<16xi32>], vector<16xf32>,
        %get3A_1006 = arith.constant 9 : i32
        %get3A_1007 = arith.index_cast %get3A_1006 : i32 to index
        %get3A_1008 = arith.constant 112 : index
        %get3A_1009 = tpu.vector_load %arg4[%get3A_1007, %get3A_1008] {strides = array<i32>} : memref<20x128xi32, #tpu.memory_space<vmem>>, vector<16xi32>,
        tpu.vector_store_idx %arg5[%get3A_1009, %add3A_29], %broadcast_in_dim3A_3 : memref<1000x128xf32, #tpu.memory_space<vmem>>[vector<16xi32>, vector<16xi32>], vector<16xf32>,
        %get3A_1010 = arith.constant 10 : i32
        %get3A_1011 = arith.index_cast %get3A_1010 : i32 to index
        %get3A_1012 = arith.constant 0 : index
        %get3A_1013 = tpu.vector_load %arg4[%get3A_1011, %get3A_1012] {strides = array<i32>} : memref<20x128xi32, #tpu.memory_space<vmem>>, vector<16xi32>,
        tpu.vector_store_idx %arg5[%get3A_1013, %add3A_8], %broadcast_in_dim3A_3 : memref<1000x128xf32, #tpu.memory_space<vmem>>[vector<16xi32>, vector<16xi32>], vector<16xf32>,
        %get3A_1014 = arith.constant 10 : i32
        %get3A_1015 = arith.index_cast %get3A_1014 : i32 to index
        %get3A_1016 = arith.constant 16 : index
        %get3A_1017 = tpu.vector_load %arg4[%get3A_1015, %get3A_1016] {strides = array<i32>} : memref<20x128xi32, #tpu.memory_space<vmem>>, vector<16xi32>,
        tpu.vector_store_idx %arg5[%get3A_1017, %add3A_11], %broadcast_in_dim3A_3 : memref<1000x128xf32, #tpu.memory_space<vmem>>[vector<16xi32>, vector<16xi32>], vector<16xf32>,
        %get3A_1018 = arith.constant 10 : i32
        %get3A_1019 = arith.index_cast %get3A_1018 : i32 to index
        %get3A_1020 = arith.constant 32 : index
        %get3A_1021 = tpu.vector_load %arg4[%get3A_1019, %get3A_1020] {strides = array<i32>} : memref<20x128xi32, #tpu.memory_space<vmem>>, vector<16xi32>,
        tpu.vector_store_idx %arg5[%get3A_1021, %add3A_14], %broadcast_in_dim3A_3 : memref<1000x128xf32, #tpu.memory_space<vmem>>[vector<16xi32>, vector<16xi32>], vector<16xf32>,
        %get3A_1022 = arith.constant 10 : i32
        %get3A_1023 = arith.index_cast %get3A_1022 : i32 to index
        %get3A_1024 = arith.constant 48 : index
        %get3A_1025 = tpu.vector_load %arg4[%get3A_1023, %get3A_1024] {strides = array<i32>} : memref<20x128xi32, #tpu.memory_space<vmem>>, vector<16xi32>,
        tpu.vector_store_idx %arg5[%get3A_1025, %add3A_17], %broadcast_in_dim3A_3 : memref<1000x128xf32, #tpu.memory_space<vmem>>[vector<16xi32>, vector<16xi32>], vector<16xf32>,
        %get3A_1026 = arith.constant 10 : i32
        %get3A_1027 = arith.index_cast %get3A_1026 : i32 to index
        %get3A_1028 = arith.constant 64 : index
        %get3A_1029 = tpu.vector_load %arg4[%get3A_1027, %get3A_1028] {strides = array<i32>} : memref<20x128xi32, #tpu.memory_space<vmem>>, vector<16xi32>,
        tpu.vector_store_idx %arg5[%get3A_1029, %add3A_20], %broadcast_in_dim3A_3 : memref<1000x128xf32, #tpu.memory_space<vmem>>[vector<16xi32>, vector<16xi32>], vector<16xf32>,
        %get3A_1030 = arith.constant 10 : i32
        %get3A_1031 = arith.index_cast %get3A_1030 : i32 to index
        %get3A_1032 = arith.constant 80 : index
        %get3A_1033 = tpu.vector_load %arg4[%get3A_1031, %get3A_1032] {strides = array<i32>} : memref<20x128xi32, #tpu.memory_space<vmem>>, vector<16xi32>,
        tpu.vector_store_idx %arg5[%get3A_1033, %add3A_23], %broadcast_in_dim3A_3 : memref<1000x128xf32, #tpu.memory_space<vmem>>[vector<16xi32>, vector<16xi32>], vector<16xf32>,
        %get3A_1034 = arith.constant 10 : i32
        %get3A_1035 = arith.index_cast %get3A_1034 : i32 to index
        %get3A_1036 = arith.constant 96 : index
        %get3A_1037 = tpu.vector_load %arg4[%get3A_1035, %get3A_1036] {strides = array<i32>} : memref<20x128xi32, #tpu.memory_space<vmem>>, vector<16xi32>,
        tpu.vector_store_idx %arg5[%get3A_1037, %add3A_26], %broadcast_in_dim3A_3 : memref<1000x128xf32, #tpu.memory_space<vmem>>[vector<16xi32>, vector<16xi32>], vector<16xf32>,
        %get3A_1038 = arith.constant 10 : i32
        %get3A_1039 = arith.index_cast %get3A_1038 : i32 to index
        %get3A_1040 = arith.constant 112 : index
        %get3A_1041 = tpu.vector_load %arg4[%get3A_1039, %get3A_1040] {strides = array<i32>} : memref<20x128xi32, #tpu.memory_space<vmem>>, vector<16xi32>,
        tpu.vector_store_idx %arg5[%get3A_1041, %add3A_29], %broadcast_in_dim3A_3 : memref<1000x128xf32, #tpu.memory_space<vmem>>[vector<16xi32>, vector<16xi32>], vector<16xf32>,
        %get3A_1042 = arith.constant 11 : i32
        %get3A_1043 = arith.index_cast %get3A_1042 : i32 to index
        %get3A_1044 = arith.constant 0 : index
        %get3A_1045 = tpu.vector_load %arg4[%get3A_1043, %get3A_1044] {strides = array<i32>} : memref<20x128xi32, #tpu.memory_space<vmem>>, vector<16xi32>,
        tpu.vector_store_idx %arg5[%get3A_1045, %add3A_8], %broadcast_in_dim3A_3 : memref<1000x128xf32, #tpu.memory_space<vmem>>[vector<16xi32>, vector<16xi32>], vector<16xf32>,
        %get3A_1046 = arith.constant 11 : i32
        %get3A_1047 = arith.index_cast %get3A_1046 : i32 to index
        %get3A_1048 = arith.constant 16 : index
        %get3A_1049 = tpu.vector_load %arg4[%get3A_1047, %get3A_1048] {strides = array<i32>} : memref<20x128xi32, #tpu.memory_space<vmem>>, vector<16xi32>,
        tpu.vector_store_idx %arg5[%get3A_1049, %add3A_11], %broadcast_in_dim3A_3 : memref<1000x128xf32, #tpu.memory_space<vmem>>[vector<16xi32>, vector<16xi32>], vector<16xf32>,
        %get3A_1050 = arith.constant 11 : i32
        %get3A_1051 = arith.index_cast %get3A_1050 : i32 to index
        %get3A_1052 = arith.constant 32 : index
        %get3A_1053 = tpu.vector_load %arg4[%get3A_1051, %get3A_1052] {strides = array<i32>} : memref<20x128xi32, #tpu.memory_space<vmem>>, vector<16xi32>,
        tpu.vector_store_idx %arg5[%get3A_1053, %add3A_14], %broadcast_in_dim3A_3 : memref<1000x128xf32, #tpu.memory_space<vmem>>[vector<16xi32>, vector<16xi32>], vector<16xf32>,
        %get3A_1054 = arith.constant 11 : i32
        %get3A_1055 = arith.index_cast %get3A_1054 : i32 to index
        %get3A_1056 = arith.constant 48 : index
        %get3A_1057 = tpu.vector_load %arg4[%get3A_1055, %get3A_1056] {strides = array<i32>} : memref<20x128xi32, #tpu.memory_space<vmem>>, vector<16xi32>,
        tpu.vector_store_idx %arg5[%get3A_1057, %add3A_17], %broadcast_in_dim3A_3 : memref<1000x128xf32, #tpu.memory_space<vmem>>[vector<16xi32>, vector<16xi32>], vector<16xf32>,
        %get3A_1058 = arith.constant 11 : i32
        %get3A_1059 = arith.index_cast %get3A_1058 : i32 to index
        %get3A_1060 = arith.constant 64 : index
        %get3A_1061 = tpu.vector_load %arg4[%get3A_1059, %get3A_1060] {strides = array<i32>} : memref<20x128xi32, #tpu.memory_space<vmem>>, vector<16xi32>,
        tpu.vector_store_idx %arg5[%get3A_1061, %add3A_20], %broadcast_in_dim3A_3 : memref<1000x128xf32, #tpu.memory_space<vmem>>[vector<16xi32>, vector<16xi32>], vector<16xf32>,
        %get3A_1062 = arith.constant 11 : i32
        %get3A_1063 = arith.index_cast %get3A_1062 : i32 to index
        %get3A_1064 = arith.constant 80 : index
        %get3A_1065 = tpu.vector_load %arg4[%get3A_1063, %get3A_1064] {strides = array<i32>} : memref<20x128xi32, #tpu.memory_space<vmem>>, vector<16xi32>,
        tpu.vector_store_idx %arg5[%get3A_1065, %add3A_23], %broadcast_in_dim3A_3 : memref<1000x128xf32, #tpu.memory_space<vmem>>[vector<16xi32>, vector<16xi32>], vector<16xf32>,
        %get3A_1066 = arith.constant 11 : i32
        %get3A_1067 = arith.index_cast %get3A_1066 : i32 to index
        %get3A_1068 = arith.constant 96 : index
        %get3A_1069 = tpu.vector_load %arg4[%get3A_1067, %get3A_1068] {strides = array<i32>} : memref<20x128xi32, #tpu.memory_space<vmem>>, vector<16xi32>,
        tpu.vector_store_idx %arg5[%get3A_1069, %add3A_26], %broadcast_in_dim3A_3 : memref<1000x128xf32, #tpu.memory_space<vmem>>[vector<16xi32>, vector<16xi32>], vector<16xf32>,
        %get3A_1070 = arith.constant 11 : i32
        %get3A_1071 = arith.index_cast %get3A_1070 : i32 to index
        %get3A_1072 = arith.constant 112 : index
        %get3A_1073 = tpu.vector_load %arg4[%get3A_1071, %get3A_1072] {strides = array<i32>} : memref<20x128xi32, #tpu.memory_space<vmem>>, vector<16xi32>,
        tpu.vector_store_idx %arg5[%get3A_1073, %add3A_29], %broadcast_in_dim3A_3 : memref<1000x128xf32, #tpu.memory_space<vmem>>[vector<16xi32>, vector<16xi32>], vector<16xf32>,
        %get3A_1074 = arith.constant 12 : i32
        %get3A_1075 = arith.index_cast %get3A_1074 : i32 to index
        %get3A_1076 = arith.constant 0 : index
        %get3A_1077 = tpu.vector_load %arg4[%get3A_1075, %get3A_1076] {strides = array<i32>} : memref<20x128xi32, #tpu.memory_space<vmem>>, vector<16xi32>,
        tpu.vector_store_idx %arg5[%get3A_1077, %add3A_8], %broadcast_in_dim3A_3 : memref<1000x128xf32, #tpu.memory_space<vmem>>[vector<16xi32>, vector<16xi32>], vector<16xf32>,
        %get3A_1078 = arith.constant 12 : i32
        %get3A_1079 = arith.index_cast %get3A_1078 : i32 to index
        %get3A_1080 = arith.constant 16 : index
        %get3A_1081 = tpu.vector_load %arg4[%get3A_1079, %get3A_1080] {strides = array<i32>} : memref<20x128xi32, #tpu.memory_space<vmem>>, vector<16xi32>,
        tpu.vector_store_idx %arg5[%get3A_1081, %add3A_11], %broadcast_in_dim3A_3 : memref<1000x128xf32, #tpu.memory_space<vmem>>[vector<16xi32>, vector<16xi32>], vector<16xf32>,
        %get3A_1082 = arith.constant 12 : i32
        %get3A_1083 = arith.index_cast %get3A_1082 : i32 to index
        %get3A_1084 = arith.constant 32 : index
        %get3A_1085 = tpu.vector_load %arg4[%get3A_1083, %get3A_1084] {strides = array<i32>} : memref<20x128xi32, #tpu.memory_space<vmem>>, vector<16xi32>,
        tpu.vector_store_idx %arg5[%get3A_1085, %add3A_14], %broadcast_in_dim3A_3 : memref<1000x128xf32, #tpu.memory_space<vmem>>[vector<16xi32>, vector<16xi32>], vector<16xf32>,
        %get3A_1086 = arith.constant 12 : i32
        %get3A_1087 = arith.index_cast %get3A_1086 : i32 to index
        %get3A_1088 = arith.constant 48 : index
        %get3A_1089 = tpu.vector_load %arg4[%get3A_1087, %get3A_1088] {strides = array<i32>} : memref<20x128xi32, #tpu.memory_space<vmem>>, vector<16xi32>,
        tpu.vector_store_idx %arg5[%get3A_1089, %add3A_17], %broadcast_in_dim3A_3 : memref<1000x128xf32, #tpu.memory_space<vmem>>[vector<16xi32>, vector<16xi32>], vector<16xf32>,
        %get3A_1090 = arith.constant 12 : i32
        %get3A_1091 = arith.index_cast %get3A_1090 : i32 to index
        %get3A_1092 = arith.constant 64 : index
        %get3A_1093 = tpu.vector_load %arg4[%get3A_1091, %get3A_1092] {strides = array<i32>} : memref<20x128xi32, #tpu.memory_space<vmem>>, vector<16xi32>,
        tpu.vector_store_idx %arg5[%get3A_1093, %add3A_20], %broadcast_in_dim3A_3 : memref<1000x128xf32, #tpu.memory_space<vmem>>[vector<16xi32>, vector<16xi32>], vector<16xf32>,
        %get3A_1094 = arith.constant 12 : i32
        %get3A_1095 = arith.index_cast %get3A_1094 : i32 to index
        %get3A_1096 = arith.constant 80 : index
        %get3A_1097 = tpu.vector_load %arg4[%get3A_1095, %get3A_1096] {strides = array<i32>} : memref<20x128xi32, #tpu.memory_space<vmem>>, vector<16xi32>,
        tpu.vector_store_idx %arg5[%get3A_1097, %add3A_23], %broadcast_in_dim3A_3 : memref<1000x128xf32, #tpu.memory_space<vmem>>[vector<16xi32>, vector<16xi32>], vector<16xf32>,
        %get3A_1098 = arith.constant 12 : i32
        %get3A_1099 = arith.index_cast %get3A_1098 : i32 to index
        %get3A_1100 = arith.constant 96 : index
        %get3A_1101 = tpu.vector_load %arg4[%get3A_1099, %get3A_1100] {strides = array<i32>} : memref<20x128xi32, #tpu.memory_space<vmem>>, vector<16xi32>,
        tpu.vector_store_idx %arg5[%get3A_1101, %add3A_26], %broadcast_in_dim3A_3 : memref<1000x128xf32, #tpu.memory_space<vmem>>[vector<16xi32>, vector<16xi32>], vector<16xf32>,
        %get3A_1102 = arith.constant 12 : i32
        %get3A_1103 = arith.index_cast %get3A_1102 : i32 to index
        %get3A_1104 = arith.constant 112 : index
        %get3A_1105 = tpu.vector_load %arg4[%get3A_1103, %get3A_1104] {strides = array<i32>} : memref<20x128xi32, #tpu.memory_space<vmem>>, vector<16xi32>,
        tpu.vector_store_idx %arg5[%get3A_1105, %add3A_29], %broadcast_in_dim3A_3 : memref<1000x128xf32, #tpu.memory_space<vmem>>[vector<16xi32>, vector<16xi32>], vector<16xf32>,
        %get3A_1106 = arith.constant 13 : i32
        %get3A_1107 = arith.index_cast %get3A_1106 : i32 to index
        %get3A_1108 = arith.constant 0 : index
        %get3A_1109 = tpu.vector_load %arg4[%get3A_1107, %get3A_1108] {strides = array<i32>} : memref<20x128xi32, #tpu.memory_space<vmem>>, vector<16xi32>,
        tpu.vector_store_idx %arg5[%get3A_1109, %add3A_8], %broadcast_in_dim3A_3 : memref<1000x128xf32, #tpu.memory_space<vmem>>[vector<16xi32>, vector<16xi32>], vector<16xf32>,
        %get3A_1110 = arith.constant 13 : i32
        %get3A_1111 = arith.index_cast %get3A_1110 : i32 to index
        %get3A_1112 = arith.constant 16 : index
        %get3A_1113 = tpu.vector_load %arg4[%get3A_1111, %get3A_1112] {strides = array<i32>} : memref<20x128xi32, #tpu.memory_space<vmem>>, vector<16xi32>,
        tpu.vector_store_idx %arg5[%get3A_1113, %add3A_11], %broadcast_in_dim3A_3 : memref<1000x128xf32, #tpu.memory_space<vmem>>[vector<16xi32>, vector<16xi32>], vector<16xf32>,
        %get3A_1114 = arith.constant 13 : i32
        %get3A_1115 = arith.index_cast %get3A_1114 : i32 to index
        %get3A_1116 = arith.constant 32 : index
        %get3A_1117 = tpu.vector_load %arg4[%get3A_1115, %get3A_1116] {strides = array<i32>} : memref<20x128xi32, #tpu.memory_space<vmem>>, vector<16xi32>,
        tpu.vector_store_idx %arg5[%get3A_1117, %add3A_14], %broadcast_in_dim3A_3 : memref<1000x128xf32, #tpu.memory_space<vmem>>[vector<16xi32>, vector<16xi32>], vector<16xf32>,
        %get3A_1118 = arith.constant 13 : i32
        %get3A_1119 = arith.index_cast %get3A_1118 : i32 to index
        %get3A_1120 = arith.constant 48 : index
        %get3A_1121 = tpu.vector_load %arg4[%get3A_1119, %get3A_1120] {strides = array<i32>} : memref<20x128xi32, #tpu.memory_space<vmem>>, vector<16xi32>,
        tpu.vector_store_idx %arg5[%get3A_1121, %add3A_17], %broadcast_in_dim3A_3 : memref<1000x128xf32, #tpu.memory_space<vmem>>[vector<16xi32>, vector<16xi32>], vector<16xf32>,
        %get3A_1122 = arith.constant 13 : i32
        %get3A_1123 = arith.index_cast %get3A_1122 : i32 to index
        %get3A_1124 = arith.constant 64 : index
        %get3A_1125 = tpu.vector_load %arg4[%get3A_1123, %get3A_1124] {strides = array<i32>} : memref<20x128xi32, #tpu.memory_space<vmem>>, vector<16xi32>,
        tpu.vector_store_idx %arg5[%get3A_1125, %add3A_20], %broadcast_in_dim3A_3 : memref<1000x128xf32, #tpu.memory_space<vmem>>[vector<16xi32>, vector<16xi32>], vector<16xf32>,
        %get3A_1126 = arith.constant 13 : i32
        %get3A_1127 = arith.index_cast %get3A_1126 : i32 to index
        %get3A_1128 = arith.constant 80 : index
        %get3A_1129 = tpu.vector_load %arg4[%get3A_1127, %get3A_1128] {strides = array<i32>} : memref<20x128xi32, #tpu.memory_space<vmem>>, vector<16xi32>,
        tpu.vector_store_idx %arg5[%get3A_1129, %add3A_23], %broadcast_in_dim3A_3 : memref<1000x128xf32, #tpu.memory_space<vmem>>[vector<16xi32>, vector<16xi32>], vector<16xf32>,
        %get3A_1130 = arith.constant 13 : i32
        %get3A_1131 = arith.index_cast %get3A_1130 : i32 to index
        %get3A_1132 = arith.constant 96 : index
        %get3A_1133 = tpu.vector_load %arg4[%get3A_1131, %get3A_1132] {strides = array<i32>} : memref<20x128xi32, #tpu.memory_space<vmem>>, vector<16xi32>,
        tpu.vector_store_idx %arg5[%get3A_1133, %add3A_26], %broadcast_in_dim3A_3 : memref<1000x128xf32, #tpu.memory_space<vmem>>[vector<16xi32>, vector<16xi32>], vector<16xf32>,
        %get3A_1134 = arith.constant 13 : i32
        %get3A_1135 = arith.index_cast %get3A_1134 : i32 to index
        %get3A_1136 = arith.constant 112 : index
        %get3A_1137 = tpu.vector_load %arg4[%get3A_1135, %get3A_1136] {strides = array<i32>} : memref<20x128xi32, #tpu.memory_space<vmem>>, vector<16xi32>,
        tpu.vector_store_idx %arg5[%get3A_1137, %add3A_29], %broadcast_in_dim3A_3 : memref<1000x128xf32, #tpu.memory_space<vmem>>[vector<16xi32>, vector<16xi32>], vector<16xf32>,
        %get3A_1138 = arith.constant 14 : i32
        %get3A_1139 = arith.index_cast %get3A_1138 : i32 to index
        %get3A_1140 = arith.constant 0 : index
        %get3A_1141 = tpu.vector_load %arg4[%get3A_1139, %get3A_1140] {strides = array<i32>} : memref<20x128xi32, #tpu.memory_space<vmem>>, vector<16xi32>,
        tpu.vector_store_idx %arg5[%get3A_1141, %add3A_8], %broadcast_in_dim3A_3 : memref<1000x128xf32, #tpu.memory_space<vmem>>[vector<16xi32>, vector<16xi32>], vector<16xf32>,
        %get3A_1142 = arith.constant 14 : i32
        %get3A_1143 = arith.index_cast %get3A_1142 : i32 to index
        %get3A_1144 = arith.constant 16 : index
        %get3A_1145 = tpu.vector_load %arg4[%get3A_1143, %get3A_1144] {strides = array<i32>} : memref<20x128xi32, #tpu.memory_space<vmem>>, vector<16xi32>,
        tpu.vector_store_idx %arg5[%get3A_1145, %add3A_11], %broadcast_in_dim3A_3 : memref<1000x128xf32, #tpu.memory_space<vmem>>[vector<16xi32>, vector<16xi32>], vector<16xf32>,
        %get3A_1146 = arith.constant 14 : i32
        %get3A_1147 = arith.index_cast %get3A_1146 : i32 to index
        %get3A_1148 = arith.constant 32 : index
        %get3A_1149 = tpu.vector_load %arg4[%get3A_1147, %get3A_1148] {strides = array<i32>} : memref<20x128xi32, #tpu.memory_space<vmem>>, vector<16xi32>,
        tpu.vector_store_idx %arg5[%get3A_1149, %add3A_14], %broadcast_in_dim3A_3 : memref<1000x128xf32, #tpu.memory_space<vmem>>[vector<16xi32>, vector<16xi32>], vector<16xf32>,
        %get3A_1150 = arith.constant 14 : i32
        %get3A_1151 = arith.index_cast %get3A_1150 : i32 to index
        %get3A_1152 = arith.constant 48 : index
        %get3A_1153 = tpu.vector_load %arg4[%get3A_1151, %get3A_1152] {strides = array<i32>} : memref<20x128xi32, #tpu.memory_space<vmem>>, vector<16xi32>,
        tpu.vector_store_idx %arg5[%get3A_1153, %add3A_17], %broadcast_in_dim3A_3 : memref<1000x128xf32, #tpu.memory_space<vmem>>[vector<16xi32>, vector<16xi32>], vector<16xf32>,
        %get3A_1154 = arith.constant 14 : i32
        %get3A_1155 = arith.index_cast %get3A_1154 : i32 to index
        %get3A_1156 = arith.constant 64 : index
        %get3A_1157 = tpu.vector_load %arg4[%get3A_1155, %get3A_1156] {strides = array<i32>} : memref<20x128xi32, #tpu.memory_space<vmem>>, vector<16xi32>,
        tpu.vector_store_idx %arg5[%get3A_1157, %add3A_20], %broadcast_in_dim3A_3 : memref<1000x128xf32, #tpu.memory_space<vmem>>[vector<16xi32>, vector<16xi32>], vector<16xf32>,
        %get3A_1158 = arith.constant 14 : i32
        %get3A_1159 = arith.index_cast %get3A_1158 : i32 to index
        %get3A_1160 = arith.constant 80 : index
        %get3A_1161 = tpu.vector_load %arg4[%get3A_1159, %get3A_1160] {strides = array<i32>} : memref<20x128xi32, #tpu.memory_space<vmem>>, vector<16xi32>,
        tpu.vector_store_idx %arg5[%get3A_1161, %add3A_23], %broadcast_in_dim3A_3 : memref<1000x128xf32, #tpu.memory_space<vmem>>[vector<16xi32>, vector<16xi32>], vector<16xf32>,
        %get3A_1162 = arith.constant 14 : i32
        %get3A_1163 = arith.index_cast %get3A_1162 : i32 to index
        %get3A_1164 = arith.constant 96 : index
        %get3A_1165 = tpu.vector_load %arg4[%get3A_1163, %get3A_1164] {strides = array<i32>} : memref<20x128xi32, #tpu.memory_space<vmem>>, vector<16xi32>,
        tpu.vector_store_idx %arg5[%get3A_1165, %add3A_26], %broadcast_in_dim3A_3 : memref<1000x128xf32, #tpu.memory_space<vmem>>[vector<16xi32>, vector<16xi32>], vector<16xf32>,
        %get3A_1166 = arith.constant 14 : i32
        %get3A_1167 = arith.index_cast %get3A_1166 : i32 to index
        %get3A_1168 = arith.constant 112 : index
        %get3A_1169 = tpu.vector_load %arg4[%get3A_1167, %get3A_1168] {strides = array<i32>} : memref<20x128xi32, #tpu.memory_space<vmem>>, vector<16xi32>,
        tpu.vector_store_idx %arg5[%get3A_1169, %add3A_29], %broadcast_in_dim3A_3 : memref<1000x128xf32, #tpu.memory_space<vmem>>[vector<16xi32>, vector<16xi32>], vector<16xf32>,
        %get3A_1170 = arith.constant 15 : i32
        %get3A_1171 = arith.index_cast %get3A_1170 : i32 to index
        %get3A_1172 = arith.constant 0 : index
        %get3A_1173 = tpu.vector_load %arg4[%get3A_1171, %get3A_1172] {strides = array<i32>} : memref<20x128xi32, #tpu.memory_space<vmem>>, vector<16xi32>,
        tpu.vector_store_idx %arg5[%get3A_1173, %add3A_8], %broadcast_in_dim3A_3 : memref<1000x128xf32, #tpu.memory_space<vmem>>[vector<16xi32>, vector<16xi32>], vector<16xf32>,
        %get3A_1174 = arith.constant 15 : i32
        %get3A_1175 = arith.index_cast %get3A_1174 : i32 to index
        %get3A_1176 = arith.constant 16 : index
        %get3A_1177 = tpu.vector_load %arg4[%get3A_1175, %get3A_1176] {strides = array<i32>} : memref<20x128xi32, #tpu.memory_space<vmem>>, vector<16xi32>,
        tpu.vector_store_idx %arg5[%get3A_1177, %add3A_11], %broadcast_in_dim3A_3 : memref<1000x128xf32, #tpu.memory_space<vmem>>[vector<16xi32>, vector<16xi32>], vector<16xf32>,
        %get3A_1178 = arith.constant 15 : i32
        %get3A_1179 = arith.index_cast %get3A_1178 : i32 to index
        %get3A_1180 = arith.constant 32 : index
        %get3A_1181 = tpu.vector_load %arg4[%get3A_1179, %get3A_1180] {strides = array<i32>} : memref<20x128xi32, #tpu.memory_space<vmem>>, vector<16xi32>,
        tpu.vector_store_idx %arg5[%get3A_1181, %add3A_14], %broadcast_in_dim3A_3 : memref<1000x128xf32, #tpu.memory_space<vmem>>[vector<16xi32>, vector<16xi32>], vector<16xf32>,
        %get3A_1182 = arith.constant 15 : i32
        %get3A_1183 = arith.index_cast %get3A_1182 : i32 to index
        %get3A_1184 = arith.constant 48 : index
        %get3A_1185 = tpu.vector_load %arg4[%get3A_1183, %get3A_1184] {strides = array<i32>} : memref<20x128xi32, #tpu.memory_space<vmem>>, vector<16xi32>,
        tpu.vector_store_idx %arg5[%get3A_1185, %add3A_17], %broadcast_in_dim3A_3 : memref<1000x128xf32, #tpu.memory_space<vmem>>[vector<16xi32>, vector<16xi32>], vector<16xf32>,
        %get3A_1186 = arith.constant 15 : i32
        %get3A_1187 = arith.index_cast %get3A_1186 : i32 to index
        %get3A_1188 = arith.constant 64 : index
        %get3A_1189 = tpu.vector_load %arg4[%get3A_1187, %get3A_1188] {strides = array<i32>} : memref<20x128xi32, #tpu.memory_space<vmem>>, vector<16xi32>,
        tpu.vector_store_idx %arg5[%get3A_1189, %add3A_20], %broadcast_in_dim3A_3 : memref<1000x128xf32, #tpu.memory_space<vmem>>[vector<16xi32>, vector<16xi32>], vector<16xf32>,
        %get3A_1190 = arith.constant 15 : i32
        %get3A_1191 = arith.index_cast %get3A_1190 : i32 to index
        %get3A_1192 = arith.constant 80 : index
        %get3A_1193 = tpu.vector_load %arg4[%get3A_1191, %get3A_1192] {strides = array<i32>} : memref<20x128xi32, #tpu.memory_space<vmem>>, vector<16xi32>,
        tpu.vector_store_idx %arg5[%get3A_1193, %add3A_23], %broadcast_in_dim3A_3 : memref<1000x128xf32, #tpu.memory_space<vmem>>[vector<16xi32>, vector<16xi32>], vector<16xf32>,
        %get3A_1194 = arith.constant 15 : i32
        %get3A_1195 = arith.index_cast %get3A_1194 : i32 to index
        %get3A_1196 = arith.constant 96 : index
        %get3A_1197 = tpu.vector_load %arg4[%get3A_1195, %get3A_1196] {strides = array<i32>} : memref<20x128xi32, #tpu.memory_space<vmem>>, vector<16xi32>,
        tpu.vector_store_idx %arg5[%get3A_1197, %add3A_26], %broadcast_in_dim3A_3 : memref<1000x128xf32, #tpu.memory_space<vmem>>[vector<16xi32>, vector<16xi32>], vector<16xf32>,
        %get3A_1198 = arith.constant 15 : i32
        %get3A_1199 = arith.index_cast %get3A_1198 : i32 to index
        %get3A_1200 = arith.constant 112 : index
        %get3A_1201 = tpu.vector_load %arg4[%get3A_1199, %get3A_1200] {strides = array<i32>} : memref<20x128xi32, #tpu.memory_space<vmem>>, vector<16xi32>,
        tpu.vector_store_idx %arg5[%get3A_1201, %add3A_29], %broadcast_in_dim3A_3 : memref<1000x128xf32, #tpu.memory_space<vmem>>[vector<16xi32>, vector<16xi32>], vector<16xf32>,
        %get3A_1202 = arith.constant 16 : i32
        %get3A_1203 = arith.index_cast %get3A_1202 : i32 to index
        %get3A_1204 = arith.constant 0 : index
        %get3A_1205 = tpu.vector_load %arg4[%get3A_1203, %get3A_1204] {strides = array<i32>} : memref<20x128xi32, #tpu.memory_space<vmem>>, vector<16xi32>,
        tpu.vector_store_idx %arg5[%get3A_1205, %add3A_8], %broadcast_in_dim3A_3 : memref<1000x128xf32, #tpu.memory_space<vmem>>[vector<16xi32>, vector<16xi32>], vector<16xf32>,
        %get3A_1206 = arith.constant 16 : i32
        %get3A_1207 = arith.index_cast %get3A_1206 : i32 to index
        %get3A_1208 = arith.constant 16 : index
        %get3A_1209 = tpu.vector_load %arg4[%get3A_1207, %get3A_1208] {strides = array<i32>} : memref<20x128xi32, #tpu.memory_space<vmem>>, vector<16xi32>,
        tpu.vector_store_idx %arg5[%get3A_1209, %add3A_11], %broadcast_in_dim3A_3 : memref<1000x128xf32, #tpu.memory_space<vmem>>[vector<16xi32>, vector<16xi32>], vector<16xf32>,
        %get3A_1210 = arith.constant 16 : i32
        %get3A_1211 = arith.index_cast %get3A_1210 : i32 to index
        %get3A_1212 = arith.constant 32 : index
        %get3A_1213 = tpu.vector_load %arg4[%get3A_1211, %get3A_1212] {strides = array<i32>} : memref<20x128xi32, #tpu.memory_space<vmem>>, vector<16xi32>,
        tpu.vector_store_idx %arg5[%get3A_1213, %add3A_14], %broadcast_in_dim3A_3 : memref<1000x128xf32, #tpu.memory_space<vmem>>[vector<16xi32>, vector<16xi32>], vector<16xf32>,
        %get3A_1214 = arith.constant 16 : i32
        %get3A_1215 = arith.index_cast %get3A_1214 : i32 to index
        %get3A_1216 = arith.constant 48 : index
        %get3A_1217 = tpu.vector_load %arg4[%get3A_1215, %get3A_1216] {strides = array<i32>} : memref<20x128xi32, #tpu.memory_space<vmem>>, vector<16xi32>,
        tpu.vector_store_idx %arg5[%get3A_1217, %add3A_17], %broadcast_in_dim3A_3 : memref<1000x128xf32, #tpu.memory_space<vmem>>[vector<16xi32>, vector<16xi32>], vector<16xf32>,
        %get3A_1218 = arith.constant 16 : i32
        %get3A_1219 = arith.index_cast %get3A_1218 : i32 to index
        %get3A_1220 = arith.constant 64 : index
        %get3A_1221 = tpu.vector_load %arg4[%get3A_1219, %get3A_1220] {strides = array<i32>} : memref<20x128xi32, #tpu.memory_space<vmem>>, vector<16xi32>,
        tpu.vector_store_idx %arg5[%get3A_1221, %add3A_20], %broadcast_in_dim3A_3 : memref<1000x128xf32, #tpu.memory_space<vmem>>[vector<16xi32>, vector<16xi32>], vector<16xf32>,
        %get3A_1222 = arith.constant 16 : i32
        %get3A_1223 = arith.index_cast %get3A_1222 : i32 to index
        %get3A_1224 = arith.constant 80 : index
        %get3A_1225 = tpu.vector_load %arg4[%get3A_1223, %get3A_1224] {strides = array<i32>} : memref<20x128xi32, #tpu.memory_space<vmem>>, vector<16xi32>,
        tpu.vector_store_idx %arg5[%get3A_1225, %add3A_23], %broadcast_in_dim3A_3 : memref<1000x128xf32, #tpu.memory_space<vmem>>[vector<16xi32>, vector<16xi32>], vector<16xf32>,
        %get3A_1226 = arith.constant 16 : i32
        %get3A_1227 = arith.index_cast %get3A_1226 : i32 to index
        %get3A_1228 = arith.constant 96 : index
        %get3A_1229 = tpu.vector_load %arg4[%get3A_1227, %get3A_1228] {strides = array<i32>} : memref<20x128xi32, #tpu.memory_space<vmem>>, vector<16xi32>,
        tpu.vector_store_idx %arg5[%get3A_1229, %add3A_26], %broadcast_in_dim3A_3 : memref<1000x128xf32, #tpu.memory_space<vmem>>[vector<16xi32>, vector<16xi32>], vector<16xf32>,
        %get3A_1230 = arith.constant 16 : i32
        %get3A_1231 = arith.index_cast %get3A_1230 : i32 to index
        %get3A_1232 = arith.constant 112 : index
        %get3A_1233 = tpu.vector_load %arg4[%get3A_1231, %get3A_1232] {strides = array<i32>} : memref<20x128xi32, #tpu.memory_space<vmem>>, vector<16xi32>,
        tpu.vector_store_idx %arg5[%get3A_1233, %add3A_29], %broadcast_in_dim3A_3 : memref<1000x128xf32, #tpu.memory_space<vmem>>[vector<16xi32>, vector<16xi32>], vector<16xf32>,
        %get3A_1234 = arith.constant 17 : i32
        %get3A_1235 = arith.index_cast %get3A_1234 : i32 to index
        %get3A_1236 = arith.constant 0 : index
        %get3A_1237 = tpu.vector_load %arg4[%get3A_1235, %get3A_1236] {strides = array<i32>} : memref<20x128xi32, #tpu.memory_space<vmem>>, vector<16xi32>,
        tpu.vector_store_idx %arg5[%get3A_1237, %add3A_8], %broadcast_in_dim3A_3 : memref<1000x128xf32, #tpu.memory_space<vmem>>[vector<16xi32>, vector<16xi32>], vector<16xf32>,
        %get3A_1238 = arith.constant 17 : i32
        %get3A_1239 = arith.index_cast %get3A_1238 : i32 to index
        %get3A_1240 = arith.constant 16 : index
        %get3A_1241 = tpu.vector_load %arg4[%get3A_1239, %get3A_1240] {strides = array<i32>} : memref<20x128xi32, #tpu.memory_space<vmem>>, vector<16xi32>,
        tpu.vector_store_idx %arg5[%get3A_1241, %add3A_11], %broadcast_in_dim3A_3 : memref<1000x128xf32, #tpu.memory_space<vmem>>[vector<16xi32>, vector<16xi32>], vector<16xf32>,
        %get3A_1242 = arith.constant 17 : i32
        %get3A_1243 = arith.index_cast %get3A_1242 : i32 to index
        %get3A_1244 = arith.constant 32 : index
        %get3A_1245 = tpu.vector_load %arg4[%get3A_1243, %get3A_1244] {strides = array<i32>} : memref<20x128xi32, #tpu.memory_space<vmem>>, vector<16xi32>,
        tpu.vector_store_idx %arg5[%get3A_1245, %add3A_14], %broadcast_in_dim3A_3 : memref<1000x128xf32, #tpu.memory_space<vmem>>[vector<16xi32>, vector<16xi32>], vector<16xf32>,
        %get3A_1246 = arith.constant 17 : i32
        %get3A_1247 = arith.index_cast %get3A_1246 : i32 to index
        %get3A_1248 = arith.constant 48 : index
        %get3A_1249 = tpu.vector_load %arg4[%get3A_1247, %get3A_1248] {strides = array<i32>} : memref<20x128xi32, #tpu.memory_space<vmem>>, vector<16xi32>,
        tpu.vector_store_idx %arg5[%get3A_1249, %add3A_17], %broadcast_in_dim3A_3 : memref<1000x128xf32, #tpu.memory_space<vmem>>[vector<16xi32>, vector<16xi32>], vector<16xf32>,
        %get3A_1250 = arith.constant 17 : i32
        %get3A_1251 = arith.index_cast %get3A_1250 : i32 to index
        %get3A_1252 = arith.constant 64 : index
        %get3A_1253 = tpu.vector_load %arg4[%get3A_1251, %get3A_1252] {strides = array<i32>} : memref<20x128xi32, #tpu.memory_space<vmem>>, vector<16xi32>,
        tpu.vector_store_idx %arg5[%get3A_1253, %add3A_20], %broadcast_in_dim3A_3 : memref<1000x128xf32, #tpu.memory_space<vmem>>[vector<16xi32>, vector<16xi32>], vector<16xf32>,
        %get3A_1254 = arith.constant 17 : i32
        %get3A_1255 = arith.index_cast %get3A_1254 : i32 to index
        %get3A_1256 = arith.constant 80 : index
        %get3A_1257 = tpu.vector_load %arg4[%get3A_1255, %get3A_1256] {strides = array<i32>} : memref<20x128xi32, #tpu.memory_space<vmem>>, vector<16xi32>,
        tpu.vector_store_idx %arg5[%get3A_1257, %add3A_23], %broadcast_in_dim3A_3 : memref<1000x128xf32, #tpu.memory_space<vmem>>[vector<16xi32>, vector<16xi32>], vector<16xf32>,
        %get3A_1258 = arith.constant 17 : i32
        %get3A_1259 = arith.index_cast %get3A_1258 : i32 to index
        %get3A_1260 = arith.constant 96 : index
        %get3A_1261 = tpu.vector_load %arg4[%get3A_1259, %get3A_1260] {strides = array<i32>} : memref<20x128xi32, #tpu.memory_space<vmem>>, vector<16xi32>,
        tpu.vector_store_idx %arg5[%get3A_1261, %add3A_26], %broadcast_in_dim3A_3 : memref<1000x128xf32, #tpu.memory_space<vmem>>[vector<16xi32>, vector<16xi32>], vector<16xf32>,
        %get3A_1262 = arith.constant 17 : i32
        %get3A_1263 = arith.index_cast %get3A_1262 : i32 to index
        %get3A_1264 = arith.constant 112 : index
        %get3A_1265 = tpu.vector_load %arg4[%get3A_1263, %get3A_1264] {strides = array<i32>} : memref<20x128xi32, #tpu.memory_space<vmem>>, vector<16xi32>,
        tpu.vector_store_idx %arg5[%get3A_1265, %add3A_29], %broadcast_in_dim3A_3 : memref<1000x128xf32, #tpu.memory_space<vmem>>[vector<16xi32>, vector<16xi32>], vector<16xf32>,
        %get3A_1266 = arith.constant 18 : i32
        %get3A_1267 = arith.index_cast %get3A_1266 : i32 to index
        %get3A_1268 = arith.constant 0 : index
        %get3A_1269 = tpu.vector_load %arg4[%get3A_1267, %get3A_1268] {strides = array<i32>} : memref<20x128xi32, #tpu.memory_space<vmem>>, vector<16xi32>,
        tpu.vector_store_idx %arg5[%get3A_1269, %add3A_8], %broadcast_in_dim3A_3 : memref<1000x128xf32, #tpu.memory_space<vmem>>[vector<16xi32>, vector<16xi32>], vector<16xf32>,
        %get3A_1270 = arith.constant 18 : i32
        %get3A_1271 = arith.index_cast %get3A_1270 : i32 to index
        %get3A_1272 = arith.constant 16 : index
        %get3A_1273 = tpu.vector_load %arg4[%get3A_1271, %get3A_1272] {strides = array<i32>} : memref<20x128xi32, #tpu.memory_space<vmem>>, vector<16xi32>,
        tpu.vector_store_idx %arg5[%get3A_1273, %add3A_11], %broadcast_in_dim3A_3 : memref<1000x128xf32, #tpu.memory_space<vmem>>[vector<16xi32>, vector<16xi32>], vector<16xf32>,
        %get3A_1274 = arith.constant 18 : i32
        %get3A_1275 = arith.index_cast %get3A_1274 : i32 to index
        %get3A_1276 = arith.constant 32 : index
        %get3A_1277 = tpu.vector_load %arg4[%get3A_1275, %get3A_1276] {strides = array<i32>} : memref<20x128xi32, #tpu.memory_space<vmem>>, vector<16xi32>,
        tpu.vector_store_idx %arg5[%get3A_1277, %add3A_14], %broadcast_in_dim3A_3 : memref<1000x128xf32, #tpu.memory_space<vmem>>[vector<16xi32>, vector<16xi32>], vector<16xf32>,
        %get3A_1278 = arith.constant 18 : i32
        %get3A_1279 = arith.index_cast %get3A_1278 : i32 to index
        %get3A_1280 = arith.constant 48 : index
        %get3A_1281 = tpu.vector_load %arg4[%get3A_1279, %get3A_1280] {strides = array<i32>} : memref<20x128xi32, #tpu.memory_space<vmem>>, vector<16xi32>,
        tpu.vector_store_idx %arg5[%get3A_1281, %add3A_17], %broadcast_in_dim3A_3 : memref<1000x128xf32, #tpu.memory_space<vmem>>[vector<16xi32>, vector<16xi32>], vector<16xf32>,
        %get3A_1282 = arith.constant 18 : i32
        %get3A_1283 = arith.index_cast %get3A_1282 : i32 to index
        %get3A_1284 = arith.constant 64 : index
        %get3A_1285 = tpu.vector_load %arg4[%get3A_1283, %get3A_1284] {strides = array<i32>} : memref<20x128xi32, #tpu.memory_space<vmem>>, vector<16xi32>,
        tpu.vector_store_idx %arg5[%get3A_1285, %add3A_20], %broadcast_in_dim3A_3 : memref<1000x128xf32, #tpu.memory_space<vmem>>[vector<16xi32>, vector<16xi32>], vector<16xf32>,
        %get3A_1286 = arith.constant 18 : i32
        %get3A_1287 = arith.index_cast %get3A_1286 : i32 to index
        %get3A_1288 = arith.constant 80 : index
        %get3A_1289 = tpu.vector_load %arg4[%get3A_1287, %get3A_1288] {strides = array<i32>} : memref<20x128xi32, #tpu.memory_space<vmem>>, vector<16xi32>,
        tpu.vector_store_idx %arg5[%get3A_1289, %add3A_23], %broadcast_in_dim3A_3 : memref<1000x128xf32, #tpu.memory_space<vmem>>[vector<16xi32>, vector<16xi32>], vector<16xf32>,
        %get3A_1290 = arith.constant 18 : i32
        %get3A_1291 = arith.index_cast %get3A_1290 : i32 to index
        %get3A_1292 = arith.constant 96 : index
        %get3A_1293 = tpu.vector_load %arg4[%get3A_1291, %get3A_1292] {strides = array<i32>} : memref<20x128xi32, #tpu.memory_space<vmem>>, vector<16xi32>,
        tpu.vector_store_idx %arg5[%get3A_1293, %add3A_26], %broadcast_in_dim3A_3 : memref<1000x128xf32, #tpu.memory_space<vmem>>[vector<16xi32>, vector<16xi32>], vector<16xf32>,
        %get3A_1294 = arith.constant 18 : i32
        %get3A_1295 = arith.index_cast %get3A_1294 : i32 to index
        %get3A_1296 = arith.constant 112 : index
        %get3A_1297 = tpu.vector_load %arg4[%get3A_1295, %get3A_1296] {strides = array<i32>} : memref<20x128xi32, #tpu.memory_space<vmem>>, vector<16xi32>,
        tpu.vector_store_idx %arg5[%get3A_1297, %add3A_29], %broadcast_in_dim3A_3 : memref<1000x128xf32, #tpu.memory_space<vmem>>[vector<16xi32>, vector<16xi32>], vector<16xf32>,
        %get3A_1298 = arith.constant 19 : i32
        %get3A_1299 = arith.index_cast %get3A_1298 : i32 to index
        %get3A_1300 = arith.constant 0 : index
        %get3A_1301 = tpu.vector_load %arg4[%get3A_1299, %get3A_1300] {strides = array<i32>} : memref<20x128xi32, #tpu.memory_space<vmem>>, vector<16xi32>,
        tpu.vector_store_idx %arg5[%get3A_1301, %add3A_8], %broadcast_in_dim3A_3 : memref<1000x128xf32, #tpu.memory_space<vmem>>[vector<16xi32>, vector<16xi32>], vector<16xf32>,
        %get3A_1302 = arith.constant 19 : i32
        %get3A_1303 = arith.index_cast %get3A_1302 : i32 to index
        %get3A_1304 = arith.constant 16 : index
        %get3A_1305 = tpu.vector_load %arg4[%get3A_1303, %get3A_1304] {strides = array<i32>} : memref<20x128xi32, #tpu.memory_space<vmem>>, vector<16xi32>,
        tpu.vector_store_idx %arg5[%get3A_1305, %add3A_11], %broadcast_in_dim3A_3 : memref<1000x128xf32, #tpu.memory_space<vmem>>[vector<16xi32>, vector<16xi32>], vector<16xf32>,
        %get3A_1306 = arith.constant 19 : i32
        %get3A_1307 = arith.index_cast %get3A_1306 : i32 to index
        %get3A_1308 = arith.constant 32 : index
        %get3A_1309 = tpu.vector_load %arg4[%get3A_1307, %get3A_1308] {strides = array<i32>} : memref<20x128xi32, #tpu.memory_space<vmem>>, vector<16xi32>,
        tpu.vector_store_idx %arg5[%get3A_1309, %add3A_14], %broadcast_in_dim3A_3 : memref<1000x128xf32, #tpu.memory_space<vmem>>[vector<16xi32>, vector<16xi32>], vector<16xf32>,
        %get3A_1310 = arith.constant 19 : i32
        %get3A_1311 = arith.index_cast %get3A_1310 : i32 to index
        %get3A_1312 = arith.constant 48 : index
        %get3A_1313 = tpu.vector_load %arg4[%get3A_1311, %get3A_1312] {strides = array<i32>} : memref<20x128xi32, #tpu.memory_space<vmem>>, vector<16xi32>,
        tpu.vector_store_idx %arg5[%get3A_1313, %add3A_17], %broadcast_in_dim3A_3 : memref<1000x128xf32, #tpu.memory_space<vmem>>[vector<16xi32>, vector<16xi32>], vector<16xf32>,
        %get3A_1314 = arith.constant 19 : i32
        %get3A_1315 = arith.index_cast %get3A_1314 : i32 to index
        %get3A_1316 = arith.constant 64 : index
        %get3A_1317 = tpu.vector_load %arg4[%get3A_1315, %get3A_1316] {strides = array<i32>} : memref<20x128xi32, #tpu.memory_space<vmem>>, vector<16xi32>,
        tpu.vector_store_idx %arg5[%get3A_1317, %add3A_20], %broadcast_in_dim3A_3 : memref<1000x128xf32, #tpu.memory_space<vmem>>[vector<16xi32>, vector<16xi32>], vector<16xf32>,
        %get3A_1318 = arith.constant 19 : i32
        %get3A_1319 = arith.index_cast %get3A_1318 : i32 to index
        %get3A_1320 = arith.constant 80 : index
        %get3A_1321 = tpu.vector_load %arg4[%get3A_1319, %get3A_1320] {strides = array<i32>} : memref<20x128xi32, #tpu.memory_space<vmem>>, vector<16xi32>,
        tpu.vector_store_idx %arg5[%get3A_1321, %add3A_23], %broadcast_in_dim3A_3 : memref<1000x128xf32, #tpu.memory_space<vmem>>[vector<16xi32>, vector<16xi32>], vector<16xf32>,
        %get3A_1322 = arith.constant 19 : i32
        %get3A_1323 = arith.index_cast %get3A_1322 : i32 to index
        %get3A_1324 = arith.constant 96 : index
        %get3A_1325 = tpu.vector_load %arg4[%get3A_1323, %get3A_1324] {strides = array<i32>} : memref<20x128xi32, #tpu.memory_space<vmem>>, vector<16xi32>,
        tpu.vector_store_idx %arg5[%get3A_1325, %add3A_26], %broadcast_in_dim3A_3 : memref<1000x128xf32, #tpu.memory_space<vmem>>[vector<16xi32>, vector<16xi32>], vector<16xf32>,
        %get3A_1326 = arith.constant 19 : i32
        %get3A_1327 = arith.index_cast %get3A_1326 : i32 to index
        %get3A_1328 = arith.constant 112 : index
        %get3A_1329 = tpu.vector_load %arg4[%get3A_1327, %get3A_1328] {strides = array<i32>} : memref<20x128xi32, #tpu.memory_space<vmem>>, vector<16xi32>,
        tpu.vector_store_idx %arg5[%get3A_1329, %add3A_29], %broadcast_in_dim3A_3 : memref<1000x128xf32, #tpu.memory_space<vmem>>[vector<16xi32>, vector<16xi32>], vector<16xf32>,
      } else {
      }
      %scan3A_689 = arith.constant 0 : i32
      scf.yield %scan3A_689 : i32
    }
    %scan3A_42 = arith.constant 4 : i32
    return
  }
}

</mosaic_0001>

<sc_bundles>
// kernel: kernel.3.cloned.1.call-start
scs
__scs_entry_jumppad:
0x0: {  	(pc) =	sbr.rel $0x88, $3  }
0x1: {  	(tag) =	ssettag $0x0;
	lr =	simm.s32 $0x1  }
0x2: {  	[smem:$0x3FA0] =	sst lr;
	_ =	strace $0xD0000000  }
0x3: {  	_ = 	snop  }
0x4: {  	_ = 	snop  }
0x5: {  	_ = 	snop  }
0x6: {  	_ = 	snop  }
0x7: {  	_ = 	snop  }
__scs_overlays_trampoline_lowered:
0x8: {  	[smem:$0x3FAF] =	sst s0  }
0x9: {  	[smem:$0x3FB0] =	sst s1  }
0xa: {  	[smem:$0x3FB1] =	sst s2  }
0xb: {  	[smem:$0x3FB2] =	sst s3  }
0xc: {  	[smem:$0x3FB3] =	sst s4  }
0xd: {  	[smem:$0x3FB4] =	sst s5  }
0xe: {  	[smem:$0x3FB5] =	sst s6  }
0xf: {  	[smem:$0x3FB6] =	sst s7  }
0x10: {  	[smem:$0x3FB7] =	sst s8  }
0x11: {  	[smem:$0x3FB8] =	sst s9;
	s0 =	simm.s32 @!p0 $0x0  }
0x12: {  	s1 =	sld [smem:$0x3F9E];
	s0 =	simm.s32 @p0 $0x1  }
0x13: {  	[smem:$0x3FB9] =	sst s0;
	s0 =	simm.s32 @!p1 $0x0  }
0x14: {  	s2 =	sld [smem:$0x3F9D];
	s0 =	simm.s32 @p1 $0x1  }
0x15: {  	[smem:$0x3FBA] =	sst s0;
	s0 =	simm.s32 @!p2 $0x0  }
0x16: {  	s3 =	sld [smem:$0x3FDB];
	s0 =	simm.s32 @p2 $0x1  }
0x17: {  	s4 =	simm.s32 $0x1BF5;
	[smem:$0x3FBC] =	sst s0  }
0x18: {  	s0 =	sld [smem:$0x3F9F];
	_ =	swait.ge [sflag:s4], $0x0  }
0x19: {  	s7 =	sld [smem:$0x3FA0]  }
0x1a: {  	s8 =	sadd.s32 $0xFFFFE003, lr  }
0x1b: {  	s9 =	sadd.s32 $0xFFFFFEF7, lr;
	s5 =	simm.s32 $0xFFFFFFFF;
	p2 =	slt.u32 s8, $0xFFFFF086  }
0x1c: {  	p1 =	slt.u32 s9, $0xF7A;
	s5 =	simm.s32 @!p2 $0x0  }
0x1d: {  	s5 =	simm.s32 @p1 $0x1;
	p0 =	seq.s32 s7, s2  }
0x1e: {  	s7 =	smul.u32 @!p0 $0xF7A, s2;
	p2 =	seq.s32 @!p0 s5, $0x0  }
0x1f: {  	s9 =	smul.u32 $0xF7A, s1;
	s8 =	simm.s32 @!p0 $0x1BF5;
	p2 =	por !p2, p0  }
0x20: {  	[sflag:s8] =	ssyncset.s32 @!p0 $0xFFFFF086;
	s6 =	sadd.s32 @!p0 s3, s7;
	s7 =	simm.s32 @!p0 $0x108  }
0x21: {  	s3 =	sadd.s32 s3, s9;
	s6 =	sadd.s32 @!p0 $0x88, s6;
	s7 =	simm.s32 @p2 $0x1082  }
0x22: {  	[simem:s7], [sflag:s8] =	dma.local @!p0 [hbm:s6], $0xF7A  }
0x23: {  	s9 =	sor.u32 $0xD0000000, s2;
	s6 =	simm.s32 $0x108;
	_ =	swait.ge @!p0 [sflag:s8], $0x0  }
0x24: {  	s3 =	sadd.s32 $0x88, s3;
	s6 =	simm.s32 @!p1 $0x1082;
	[sflag:s4] =	ssyncset.s32 $0xFFFFF086  }
0x25: {  	[simem:s6], [sflag:s4] =	dma.local [hbm:s3], $0xF7A  }
0x26: {  	[smem:$0x3FA0] =	sst s1;
	(tag) =	ssettag s2;
	_ =	strace s9  }
0x27: {  	s1 =	sld [smem:$0x3FB0]  }
0x28: {  	s2 =	sld [smem:$0x3FB1]  }
0x29: {  	s4 =	sld [smem:$0x3FB3]  }
0x2a: {  	p0 =	seq.s32 s5, $0x0;
	s5 =	sld [smem:$0x3FB4]  }
0x2b: {  	s6 =	sld [smem:$0x3FB5]  }
0x2c: {  	s7 =	sld [smem:$0x3FB6]  }
0x2d: {  	s3 =	simm.s32 $0x108;
	s8 =	sld [smem:$0x3FB7]  }
0x2e: {  	s3 =	simm.s32 @!p0 $0x1082;
	s9 =	sld [smem:$0x3FB8]  }
0x2f: {  	lr =	sadd.s32 s0, s3;
	s0 =	sld [smem:$0x3FAF]  }
0x30: {  	s3 =	sld [smem:$0x3FB2]  }
0x31: {  	[smem:$0x3FBB] =	sst s10  }
0x32: {  	s10 =	sld [smem:$0x3FB9];
	_ =	sdelay $0x3  }
0x33: {  	p0 =	seq.s32 s10, $0x1;
	s10 =	sld [smem:$0x3FBB];
	_ =	sdelay $0x3  }
0x34: {  	[smem:$0x3FBB] =	sst s10  }
0x35: {  	s10 =	sld [smem:$0x3FBA];
	_ =	sdelay $0x3  }
0x36: {  	p1 =	seq.s32 s10, $0x1;
	s10 =	sld [smem:$0x3FBB];
	_ =	sdelay $0x3  }
0x37: {  	[smem:$0x3FBB] =	sst s10  }
0x38: {  	s10 =	sld [smem:$0x3FBC]  }
0x39: {  	_ = 	snop;
	(pc) =	sbr.ind lr, $3  }
0x3a: {  	_ = 	snop  }
0x3b: {  	_ = 	snop  }
0x3c: {  	p2 =	seq.s32 s10, $0x1;
	s10 =	sld [smem:$0x3FBB]  }
0x3d: {  	_ =	shalt  }
0x3e: {  	_ =	shalt  }
0x3f: {  	_ =	shalt  }
0x40: {  	_ =	shalt  }
0x41: {  	_ =	shalt  }
0x42: {  	_ =	shalt  }
0x43: {  	_ =	shalt  }
0x44: {  	_ =	shalt  }
0x45: {  	_ =	shalt  }
0x46: {  	_ =	shalt  }
0x47: {  	_ =	shalt  }
0x48: {  	_ =	shalt  }
0x49: {  	_ =	shalt  }
0x4a: {  	_ =	shalt  }
0x4b: {  	_ =	shalt  }
0x4c: {  	_ =	shalt  }
0x4d: {  	_ =	shalt  }
0x4e: {  	_ =	shalt  }
0x4f: {  	_ =	shalt  }
0x50: {  	_ =	shalt  }
0x51: {  	_ =	shalt  }
0x52: {  	_ =	shalt  }
0x53: {  	_ =	shalt  }
0x54: {  	_ =	shalt  }
0x55: {  	_ =	shalt  }
0x56: {  	_ =	shalt  }
0x57: {  	_ =	shalt  }
0x58: {  	_ =	shalt  }
0x59: {  	_ =	shalt  }
0x5a: {  	_ =	shalt  }
0x5b: {  	_ =	shalt  }
0x5c: {  	_ =	shalt  }
0x5d: {  	_ =	shalt  }
0x5e: {  	_ =	shalt  }
0x5f: {  	_ =	shalt  }
0x60: {  	_ =	shalt  }
0x61: {  	_ =	shalt  }
0x62: {  	_ =	shalt  }
0x63: {  	_ =	shalt  }
0x64: {  	_ =	shalt  }
0x65: {  	_ =	shalt  }
0x66: {  	_ =	shalt  }
0x67: {  	_ =	shalt  }
0x68: {  	_ =	shalt  }
0x69: {  	_ =	shalt  }
0x6a: {  	_ =	shalt  }
0x6b: {  	_ =	shalt  }
0x6c: {  	_ =	shalt  }
0x6d: {  	_ =	shalt  }
0x6e: {  	_ =	shalt  }
0x6f: {  	_ =	shalt  }
0x70: {  	_ =	shalt  }
0x71: {  	_ =	shalt  }
0x72: {  	_ =	shalt  }
0x73: {  	_ =	shalt  }
0x74: {  	_ =	shalt  }
0x75: {  	_ =	shalt  }
0x76: {  	_ =	shalt  }
0x77: {  	_ =	shalt  }
0x78: {  	_ =	shalt  }
0x79: {  	_ =	shalt  }
0x7a: {  	_ =	shalt  }
0x7b: {  	_ =	shalt  }
0x7c: {  	_ =	shalt  }
0x7d: {  	_ =	shalt  }
0x7e: {  	_ =	shalt  }
0x7f: {  	_ =	shalt  }
0x80: {  	_ =	shalt  }
0x81: {  	_ =	shalt  }
0x82: {  	_ =	shalt  }
0x83: {  	_ =	shalt  }
0x84: {  	_ =	shalt  }
0x85: {  	_ =	shalt  }
0x86: {  	_ =	shalt  }
0x87: {  	_ =	shalt  }
.Lfunc_end0:
.L_simem_size_0:
called_computation_lowered:
.L_overlay_start_0:
0x88: {  	s2 =	sld [smem:$0x3FD9]  }
0x89: {  	s3 =	sld [smem:$0x3FFE];
	_ =	sdelay $0x1  }
0x8a: {  	s1 =	srdreg.scid  }
0x8b: {  	s0 =	sand.u32 $0x1, s1  }
0x8c: {  	s18 =	sshll.u32 s0, $0xA;
	s2 =	sadd.s32 s3, s2  }
0x8d: {  	s2 =	sadd.s32 s2, s18  }
0x8e: {  	[smem:$0x3FC7] =	sst s2  }
0x8f: {  	_ = 	snop  }
0x90: {  	s2 =	sld [smem:$0x3FC9]  }
0x91: {  	s19 =	sld [smem:$0x3FD0];
	(tm) =	ssettm $0x1  }
0x92: {  	s4 =	sld [smem:$0x3FFB];
	_ =	sdelay $0x3  }
0x93: {  	_ =	strace s4  }
0x94: {  	s4 =	sld [smem:$0x3FFC];
	_ =	sdelay $0x3  }
0x95: {  	_ =	strace s4  }
0x96: {  	s4 =	sld [smem:$0x3FFD];
	_ =	sdelay $0x3  }
0x97: {  	_ =	strace s4  }
0x98: {  	_ =	strace $0x8FFFFFFF  }
0x99: {  	s20 =	sld [smem:$0x3FDB];
	_ =	sdelay $0x1  }
0x9a: {  	s5 =	simm.s32 $_scs_section_size  }
0x9b: {  	s6 =	simm.s32 $_size__tile_overlayer_lowered;
	s7 =	simm.s32 $_tile_overlayer_lowered  }
0x9c: {  	s23 =	simm.s32 $0x1BFF;
	s22 =	sshll.u32 s7, $0x1;
	s4 =	sadd.s32 s5, s20  }
0x9d: {  	s8 =	simm.s32 $0x0;
	s21 =	sshll.u32 s6, $0x1;
	s6 =	sadd.s32 s22, s4  }
0x9e: {  	[timem:s8], [sflag:s23] =	dma.local [hbm:s6], s21  }
0x9f: {  	_ =	swait.ge [sflag:s23], s21  }
0xa0: {  	s5 =	ssub.s32 $0x0, s21;
	[sflag:s23] =	ssyncset.done $0x0  }
0xa1: {  	[sflag:s23] =	ssyncadd.s32 s5;
	_ =	sdelay $0x1  }
0xa2: {  	s24 =	simm.s32 $0x1B8B  }
0xa3: {  	_ =	swait.ge [sflag:s24], $0x1  }
0xa4: {  	[sflag:s24] =	ssyncset.done $0x0  }
0xa5: {  	s25 =	simm.s32 $0x1B8E;
	[sflag:s24] =	ssyncadd.s32 $0xFFFFFFFF  }
0xa6: {  	s26 =	simm.s32 $execute0_lowered;
	[smem:$0x3FD2] =	sst s25  }
0xa7: {  	s5 =	sshll.u32 s26, $0x1;
	_ =	strace $0x80000046;
	[dreg:$0x1] =	wrdreg $0xFFFFFFFF  }
0xa8: {  	s28 =	simm.s32 $_size_execute0_lowered;
	s4 =	sadd.s32 s4, s5;
	[dreg:$0x0] =	wrdreg $0x0  }
0xa9: {  	s5 =	sshll.u32 s28, $0x1;
	[dreg:$0x2] =	wrdreg s4  }
0xaa: {  	[dreg:$0x3] =	wrdreg s5  }
0xab: {  	[dreg:$0x4] =	wrdreg $0xC0  }
0xac: {  	_ =	task [dreg:s8], $0x5FFFF  }
0xad: {  	[dreg:$0x1] =	wrdreg $0xFFFFFFFF  }
0xae: {  	[dreg:$0x0] =	wrdreg $0x60  }
0xaf: {  	[dreg:$0x2] =	wrdreg s2  }
0xb0: {  	[dreg:$0x3] =	wrdreg s19  }
0xb1: {  	[dreg:$0x4] =	wrdreg $0x9  }
0xb2: {  	_ =	task.clear_ibuf [dreg:s8], $0x5FFFF;
	_ =	strace $0x90000046  }
0xb3: {  	s29 =	simm.s32 $0x9;
	_ =	strace $0x80000048  }
0xb4: {  	_ =	swait.ge [sflag:s29], $0x1  }
0xb5: {  	[sflag:s29] =	ssyncadd.s32 $0xFFFFFFFF  }
0xb6: {  	_ =	strace $0x90000048  }
0xb7: {  	_ =	sfence  }
0xb8: {  	s30 =	sld [smem:$0x0];
	_ =	sdelay $0x2  }
0xb9: {  	s31 =	sshll.u32 s1, $0xD;
	s1 =	sshrl.u32 s1, $0x2  }
0xba: {  	s3 =	sand.u32 $0x4000, s31;
	s1 =	sadd.s32 s1, s30  }
0xbb: {  	s0 =	sor.u32 s3, s0;
	s1 =	sshll.u32 s1, $0x11  }
0xbc: {  	s0 =	sor.u32 s1, s0  }
0xbd: {  	s0 =	sadd.s32 $0x8F2B, s0  }
0xbe: {  	[sflag:s0] =	ssyncadd.remote.s32 $0x1  }
0xbf: {  	_ =	sfence.sel $0xFFFF  }
0xc0: {  	[dreg:$0x0] =	wrdreg $0xFFFFFFFF;
	(pc) =	sbr.abs _section_cstart, $3  }
0xc1: {  	[dreg:$0x1] =	wrdreg $0xFFFFFFFF  }
0xc2: {  	_ =	task.clear_ibuf [dreg:s8], $0x2FFFF;
	_ =	strace $0x9FFFFFFF  }
0xc3: {  	(tm) =	ssettm $0x7FFFFFFF  }
tec
execute0_lowered:
.L_overlay_start_1:
0x0: {  	(tag) =	ssettag $0x1  }
0x1: {  	s3 =	rddreg [dreg:$0x0];
	s0 =	srdreg.scid  }
0x2: {  	s4 =	rddreg [dreg:$0x1];
	s2 =	simm.s32 $0x0;
	s1 =	stileid.u32  }
0x3: {  	s9 =	simm.s32 $0x1;
	s5 =	sand.u32 $0x1, s0;
	s0 =	rddreg [dreg:$0x2]  }
0x4: {  	s10 =	simm.s32 $0xC00;
	s11 =	simm.s32 $0x0;
	[smem:$0x7FF] =	sst s2  }
.Ltmp0:
0x5: {  	s31 =	sshll.u32 s1, $0xA;
	s6 =	ssub.s32 $0x2, s5;
	(pc) =	sbr.rel .LBB2_1-.Ltmp0, $4  }
0x6: {  	v0 =	vlaneseq.u32;
	_ =	strace $0x80000047;
	s5 =	sshll.u32 s5, $0x9;
	s7 =	sshrl.u32 s6, $0x1  }
0x7: {  	v1 =	vimm.f32 $0.0e+00;
	v2 =	vimm.f32 $1.000000000e+00;
	v3 =	vor.u32 $0x10, v0;
	s8 =	sadd.s32 s31, s3;
	s6 =	ssub.s32 s6, s7;
	s7 =	sadd.s32 s31, s4  }
0x8: {  	v4 =	vor.u32 $0x20, v0;
	v5 =	vor.u32 $0x30, v0;
	v6 =	vor.u32 $0x40, v0;
	s4 =	sadd.s32 s5, s8;
	s8 =	simm.s32 $0x800;
	s3 =	smax.u32 s6, $0x1  }
0x9: {  	v7 =	vor.u32 $0x50, v0;
	v8 =	vor.u32 $0x60, v0;
	v9 =	vor.u32 $0x70, v0;
	s5 =	sadd.s32 s5, s7;
	s6 =	simm.s32 $0x400;
	s7 =	simm.s32 $0x20000  }
.LBB2_6:
0xa: {  	s11 =	sadd.s32 $0x1, s11  }
0xb: {  	p0 =	sne.s32 s11, s3  }
.Ltmp1:
0xc: {  	_ = 	snop;
	(pc) =	sbr.rel @!p0 .LBB2_7-.Ltmp1, $1  }
0xd: {  	_ =	sdelay $0x3  }
.LBB2_1:
0xe: {  	s12 =	simm.s32 $0x0;
	s13 =	simm.s32 $0x200  }
.LBB2_2:
0xf: {  	p0 =	sne.s32 s13, $0x7CE00;
	[tilespmem:s12+$0xC70] =	vst v1  }
0x10: {  	[tilespmem:s12+$0xC00] =	vst v1  }
0x11: {  	[tilespmem:s12+$0xC10] =	vst v1  }
.Ltmp2:
0x12: {  	[tilespmem:s12+$0xC20] =	vst v1;
	(pc) =	sbr.rel @p0 .LBB2_2-.Ltmp2, $4  }
0x13: {  	[tilespmem:s12+$0xC30] =	vst v1  }
0x14: {  	[tilespmem:s12+$0xC40] =	vst v1  }
0x15: {  	[tilespmem:s12+$0xC50] =	vst v1  }
0x16: {  	[tilespmem:s12+$0xC60] =	vst v1;
	s12 =	sshra.s32 s13, $0x2;
	s13 =	sadd.s32 $0x200, s13  }
0x17: {  	[tilespmem:s12+$0xC70] =	vst v1  }
0x18: {  	[tilespmem:s12+$0xC00] =	vst v1  }
0x19: {  	[tilespmem:s12+$0xC10] =	vst v1  }
0x1a: {  	[tilespmem:s12+$0xC20] =	vst v1  }
0x1b: {  	[tilespmem:s12+$0xC30] =	vst v1  }
0x1c: {  	[tilespmem:s12+$0xC40] =	vst v1  }
0x1d: {  	[tilespmem:s12+$0xC50] =	vst v1  }
0x1e: {  	[tilespmem:s12+$0xC60] =	vst v1;
	s12 =	simm.s32 $0x0  }
.LBB2_4:
0x1f: {  	s13 =	sadd.s32 s12, s4  }
0x20: {  	[tilespmem:s2], [sflag:$0x1] =	stream.strided.gather [hbm4b:s13+s6], $0x800, s7, s6, $0x38;
	v63 =	vld [tilespmem:$0x0]  }
0x21: {  	s13 =	sadd.s32 $0x8000, s13  }
0x22: {  	[tilespmem:s8], [sflag:$0x1] =	stream.linear.gather [hbm4b:s13+s2], $0x200, $0x38;
	v63 =	vld [tilespmem:$0x0]  }
0x23: {  	_ =	swait.ge [sflag:s9], $0xA00  }
0x24: {  	[sflag:s9] =	ssyncset.done $0x0  }
0x25: {  	[sflag:s9] =	ssyncadd.s32 $0xFFFFF600  }
0x26: {  	v10 =	vld [tilespmem:$0x0];
	_ =	sdelay $0x4  }
0x27: {  	v10 =	vshll.u32 v10, $0x7  }
0x28: {  	v10 =	vor.u32 v0, v10;
	_ =	sdelay $0x4  }
0x29: {  	[tilespmem:v10+s10+$0x0] =	vst.idx.msk $0xffff, v2  }
0x2a: {  	v10 =	vld [tilespmem:$0x10];
	_ =	sdelay $0x4  }
0x2b: {  	v10 =	vshll.u32 v10, $0x7  }
0x2c: {  	v10 =	vor.u32 v3, v10;
	_ =	sdelay $0x4  }
0x2d: {  	[tilespmem:v10+s10+$0x0] =	vst.idx.msk $0xffff, v2  }
0x2e: {  	v10 =	vld [tilespmem:$0x20];
	_ =	sdelay $0x4  }
0x2f: {  	v10 =	vshll.u32 v10, $0x7  }
0x30: {  	v10 =	vor.u32 v4, v10;
	_ =	sdelay $0x4  }
0x31: {  	[tilespmem:v10+s10+$0x0] =	vst.idx.msk $0xffff, v2  }
0x32: {  	v10 =	vld [tilespmem:$0x30];
	_ =	sdelay $0x4  }
0x33: {  	v10 =	vshll.u32 v10, $0x7  }
0x34: {  	v10 =	vor.u32 v5, v10;
	_ =	sdelay $0x4  }
0x35: {  	[tilespmem:v10+s10+$0x0] =	vst.idx.msk $0xffff, v2  }
0x36: {  	v10 =	vld [tilespmem:$0x40];
	_ =	sdelay $0x4  }
0x37: {  	v10 =	vshll.u32 v10, $0x7  }
0x38: {  	v10 =	vor.u32 v6, v10;
	_ =	sdelay $0x4  }
0x39: {  	[tilespmem:v10+s10+$0x0] =	vst.idx.msk $0xffff, v2  }
0x3a: {  	v10 =	vld [tilespmem:$0x50];
	_ =	sdelay $0x4  }
0x3b: {  	v10 =	vshll.u32 v10, $0x7  }
0x3c: {  	v10 =	vor.u32 v7, v10;
	_ =	sdelay $0x4  }
0x3d: {  	[tilespmem:v10+s10+$0x0] =	vst.idx.msk $0xffff, v2  }
0x3e: {  	v10 =	vld [tilespmem:$0x60];
	_ =	sdelay $0x4  }
0x3f: {  	v10 =	vshll.u32 v10, $0x7  }
0x40: {  	v10 =	vor.u32 v8, v10;
	_ =	sdelay $0x4  }
0x41: {  	[tilespmem:v10+s10+$0x0] =	vst.idx.msk $0xffff, v2  }
0x42: {  	v10 =	vld [tilespmem:$0x70];
	_ =	sdelay $0x4  }
0x43: {  	v10 =	vshll.u32 v10, $0x7  }
0x44: {  	v10 =	vor.u32 v9, v10;
	_ =	sdelay $0x4  }
0x45: {  	[tilespmem:v10+s10+$0x0] =	vst.idx.msk $0xffff, v2  }
0x46: {  	v10 =	vld [tilespmem:$0x80];
	_ =	sdelay $0x4  }
0x47: {  	v10 =	vshll.u32 v10, $0x7  }
0x48: {  	v10 =	vor.u32 v0, v10;
	_ =	sdelay $0x4  }
0x49: {  	[tilespmem:v10+s10+$0x0] =	vst.idx.msk $0xffff, v2  }
0x4a: {  	v10 =	vld [tilespmem:$0x90];
	_ =	sdelay $0x4  }
0x4b: {  	v10 =	vshll.u32 v10, $0x7  }
0x4c: {  	v10 =	vor.u32 v3, v10;
	_ =	sdelay $0x4  }
0x4d: {  	[tilespmem:v10+s10+$0x0] =	vst.idx.msk $0xffff, v2  }
0x4e: {  	v10 =	vld [tilespmem:$0xA0];
	_ =	sdelay $0x4  }
0x4f: {  	v10 =	vshll.u32 v10, $0x7  }
0x50: {  	v10 =	vor.u32 v4, v10;
	_ =	sdelay $0x4  }
0x51: {  	[tilespmem:v10+s10+$0x0] =	vst.idx.msk $0xffff, v2  }
0x52: {  	v10 =	vld [tilespmem:$0xB0];
	_ =	sdelay $0x4  }
0x53: {  	v10 =	vshll.u32 v10, $0x7  }
0x54: {  	v10 =	vor.u32 v5, v10;
	_ =	sdelay $0x4  }
0x55: {  	[tilespmem:v10+s10+$0x0] =	vst.idx.msk $0xffff, v2  }
0x56: {  	v10 =	vld [tilespmem:$0xC0];
	_ =	sdelay $0x4  }
0x57: {  	v10 =	vshll.u32 v10, $0x7  }
0x58: {  	v10 =	vor.u32 v6, v10;
	_ =	sdelay $0x4  }
0x59: {  	[tilespmem:v10+s10+$0x0] =	vst.idx.msk $0xffff, v2  }
0x5a: {  	v10 =	vld [tilespmem:$0xD0];
	_ =	sdelay $0x4  }
0x5b: {  	v10 =	vshll.u32 v10, $0x7  }
0x5c: {  	v10 =	vor.u32 v7, v10;
	_ =	sdelay $0x4  }
0x5d: {  	[tilespmem:v10+s10+$0x0] =	vst.idx.msk $0xffff, v2  }
0x5e: {  	v10 =	vld [tilespmem:$0xE0];
	_ =	sdelay $0x4  }
0x5f: {  	v10 =	vshll.u32 v10, $0x7  }
0x60: {  	v10 =	vor.u32 v8, v10;
	_ =	sdelay $0x4  }
0x61: {  	[tilespmem:v10+s10+$0x0] =	vst.idx.msk $0xffff, v2  }
0x62: {  	v10 =	vld [tilespmem:$0xF0];
	_ =	sdelay $0x4  }
0x63: {  	v10 =	vshll.u32 v10, $0x7  }
0x64: {  	v10 =	vor.u32 v9, v10;
	_ =	sdelay $0x4  }
0x65: {  	[tilespmem:v10+s10+$0x0] =	vst.idx.msk $0xffff, v2  }
0x66: {  	v10 =	vld [tilespmem:$0x100];
	_ =	sdelay $0x4  }
0x67: {  	v10 =	vshll.u32 v10, $0x7  }
0x68: {  	v10 =	vor.u32 v0, v10;
	_ =	sdelay $0x4  }
0x69: {  	[tilespmem:v10+s10+$0x0] =	vst.idx.msk $0xffff, v2  }
0x6a: {  	v10 =	vld [tilespmem:$0x110];
	_ =	sdelay $0x4  }
0x6b: {  	v10 =	vshll.u32 v10, $0x7  }
0x6c: {  	v10 =	vor.u32 v3, v10;
	_ =	sdelay $0x4  }
0x6d: {  	[tilespmem:v10+s10+$0x0] =	vst.idx.msk $0xffff, v2  }
0x6e: {  	v10 =	vld [tilespmem:$0x120];
	_ =	sdelay $0x4  }
0x6f: {  	v10 =	vshll.u32 v10, $0x7  }
0x70: {  	v10 =	vor.u32 v4, v10;
	_ =	sdelay $0x4  }
0x71: {  	[tilespmem:v10+s10+$0x0] =	vst.idx.msk $0xffff, v2  }
0x72: {  	v10 =	vld [tilespmem:$0x130];
	_ =	sdelay $0x4  }
0x73: {  	v10 =	vshll.u32 v10, $0x7  }
0x74: {  	v10 =	vor.u32 v5, v10;
	_ =	sdelay $0x4  }
0x75: {  	[tilespmem:v10+s10+$0x0] =	vst.idx.msk $0xffff, v2  }
0x76: {  	v10 =	vld [tilespmem:$0x140];
	_ =	sdelay $0x4  }
0x77: {  	v10 =	vshll.u32 v10, $0x7  }
0x78: {  	v10 =	vor.u32 v6, v10;
	_ =	sdelay $0x4  }
0x79: {  	[tilespmem:v10+s10+$0x0] =	vst.idx.msk $0xffff, v2  }
0x7a: {  	v10 =	vld [tilespmem:$0x150];
	_ =	sdelay $0x4  }
0x7b: {  	v10 =	vshll.u32 v10, $0x7  }
0x7c: {  	v10 =	vor.u32 v7, v10;
	_ =	sdelay $0x4  }
0x7d: {  	[tilespmem:v10+s10+$0x0] =	vst.idx.msk $0xffff, v2  }
0x7e: {  	v10 =	vld [tilespmem:$0x160];
	_ =	sdelay $0x4  }
0x7f: {  	v10 =	vshll.u32 v10, $0x7  }
0x80: {  	v10 =	vor.u32 v8, v10;
	_ =	sdelay $0x4  }
0x81: {  	[tilespmem:v10+s10+$0x0] =	vst.idx.msk $0xffff, v2  }
0x82: {  	v10 =	vld [tilespmem:$0x170];
	_ =	sdelay $0x4  }
0x83: {  	v10 =	vshll.u32 v10, $0x7  }
0x84: {  	v10 =	vor.u32 v9, v10;
	_ =	sdelay $0x4  }
0x85: {  	[tilespmem:v10+s10+$0x0] =	vst.idx.msk $0xffff, v2  }
0x86: {  	v10 =	vld [tilespmem:$0x180];
	_ =	sdelay $0x4  }
0x87: {  	v10 =	vshll.u32 v10, $0x7  }
0x88: {  	v10 =	vor.u32 v0, v10;
	_ =	sdelay $0x4  }
0x89: {  	[tilespmem:v10+s10+$0x0] =	vst.idx.msk $0xffff, v2  }
0x8a: {  	v10 =	vld [tilespmem:$0x190];
	_ =	sdelay $0x4  }
0x8b: {  	v10 =	vshll.u32 v10, $0x7  }
0x8c: {  	v10 =	vor.u32 v3, v10;
	_ =	sdelay $0x4  }
0x8d: {  	[tilespmem:v10+s10+$0x0] =	vst.idx.msk $0xffff, v2  }
0x8e: {  	v10 =	vld [tilespmem:$0x1A0];
	_ =	sdelay $0x4  }
0x8f: {  	v10 =	vshll.u32 v10, $0x7  }
0x90: {  	v10 =	vor.u32 v4, v10;
	_ =	sdelay $0x4  }
0x91: {  	[tilespmem:v10+s10+$0x0] =	vst.idx.msk $0xffff, v2  }
0x92: {  	v10 =	vld [tilespmem:$0x1B0];
	_ =	sdelay $0x4  }
0x93: {  	v10 =	vshll.u32 v10, $0x7  }
0x94: {  	v10 =	vor.u32 v5, v10;
	_ =	sdelay $0x4  }
0x95: {  	[tilespmem:v10+s10+$0x0] =	vst.idx.msk $0xffff, v2  }
0x96: {  	v10 =	vld [tilespmem:$0x1C0];
	_ =	sdelay $0x4  }
0x97: {  	v10 =	vshll.u32 v10, $0x7  }
0x98: {  	v10 =	vor.u32 v6, v10;
	_ =	sdelay $0x4  }
0x99: {  	[tilespmem:v10+s10+$0x0] =	vst.idx.msk $0xffff, v2  }
0x9a: {  	v10 =	vld [tilespmem:$0x1D0];
	_ =	sdelay $0x4  }
0x9b: {  	v10 =	vshll.u32 v10, $0x7  }
0x9c: {  	v10 =	vor.u32 v7, v10;
	_ =	sdelay $0x4  }
0x9d: {  	[tilespmem:v10+s10+$0x0] =	vst.idx.msk $0xffff, v2  }
0x9e: {  	v10 =	vld [tilespmem:$0x1E0];
	_ =	sdelay $0x4  }
0x9f: {  	v10 =	vshll.u32 v10, $0x7  }
0xa0: {  	v10 =	vor.u32 v8, v10;
	_ =	sdelay $0x4  }
0xa1: {  	[tilespmem:v10+s10+$0x0] =	vst.idx.msk $0xffff, v2  }
0xa2: {  	v10 =	vld [tilespmem:$0x1F0];
	_ =	sdelay $0x4  }
0xa3: {  	v10 =	vshll.u32 v10, $0x7  }
0xa4: {  	v10 =	vor.u32 v9, v10;
	_ =	sdelay $0x4  }
0xa5: {  	[tilespmem:v10+s10+$0x0] =	vst.idx.msk $0xffff, v2  }
0xa6: {  	v10 =	vld [tilespmem:$0x200];
	_ =	sdelay $0x4  }
0xa7: {  	v10 =	vshll.u32 v10, $0x7  }
0xa8: {  	v10 =	vor.u32 v0, v10;
	_ =	sdelay $0x4  }
0xa9: {  	[tilespmem:v10+s10+$0x0] =	vst.idx.msk $0xffff, v2  }
0xaa: {  	v10 =	vld [tilespmem:$0x210];
	_ =	sdelay $0x4  }
0xab: {  	v10 =	vshll.u32 v10, $0x7  }
0xac: {  	v10 =	vor.u32 v3, v10;
	_ =	sdelay $0x4  }
0xad: {  	[tilespmem:v10+s10+$0x0] =	vst.idx.msk $0xffff, v2  }
0xae: {  	v10 =	vld [tilespmem:$0x220];
	_ =	sdelay $0x4  }
0xaf: {  	v10 =	vshll.u32 v10, $0x7  }
0xb0: {  	v10 =	vor.u32 v4, v10;
	_ =	sdelay $0x4  }
0xb1: {  	[tilespmem:v10+s10+$0x0] =	vst.idx.msk $0xffff, v2  }
0xb2: {  	v10 =	vld [tilespmem:$0x230];
	_ =	sdelay $0x4  }
0xb3: {  	v10 =	vshll.u32 v10, $0x7  }
0xb4: {  	v10 =	vor.u32 v5, v10;
	_ =	sdelay $0x4  }
0xb5: {  	[tilespmem:v10+s10+$0x0] =	vst.idx.msk $0xffff, v2  }
0xb6: {  	v10 =	vld [tilespmem:$0x240];
	_ =	sdelay $0x4  }
0xb7: {  	v10 =	vshll.u32 v10, $0x7  }
0xb8: {  	v10 =	vor.u32 v6, v10;
	_ =	sdelay $0x4  }
0xb9: {  	[tilespmem:v10+s10+$0x0] =	vst.idx.msk $0xffff, v2  }
0xba: {  	v10 =	vld [tilespmem:$0x250];
	_ =	sdelay $0x4  }
0xbb: {  	v10 =	vshll.u32 v10, $0x7  }
0xbc: {  	v10 =	vor.u32 v7, v10;
	_ =	sdelay $0x4  }
0xbd: {  	[tilespmem:v10+s10+$0x0] =	vst.idx.msk $0xffff, v2  }
0xbe: {  	v10 =	vld [tilespmem:$0x260];
	_ =	sdelay $0x4  }
0xbf: {  	v10 =	vshll.u32 v10, $0x7  }
0xc0: {  	v10 =	vor.u32 v8, v10;
	_ =	sdelay $0x4  }
0xc1: {  	[tilespmem:v10+s10+$0x0] =	vst.idx.msk $0xffff, v2  }
0xc2: {  	v10 =	vld [tilespmem:$0x270];
	_ =	sdelay $0x4  }
0xc3: {  	v10 =	vshll.u32 v10, $0x7  }
0xc4: {  	v10 =	vor.u32 v9, v10;
	_ =	sdelay $0x4  }
0xc5: {  	[tilespmem:v10+s10+$0x0] =	vst.idx.msk $0xffff, v2  }
0xc6: {  	v10 =	vld [tilespmem:$0x280];
	_ =	sdelay $0x4  }
0xc7: {  	v10 =	vshll.u32 v10, $0x7  }
0xc8: {  	v10 =	vor.u32 v0, v10;
	_ =	sdelay $0x4  }
0xc9: {  	[tilespmem:v10+s10+$0x0] =	vst.idx.msk $0xffff, v2  }
0xca: {  	v10 =	vld [tilespmem:$0x290];
	_ =	sdelay $0x4  }
0xcb: {  	v10 =	vshll.u32 v10, $0x7  }
0xcc: {  	v10 =	vor.u32 v3, v10;
	_ =	sdelay $0x4  }
0xcd: {  	[tilespmem:v10+s10+$0x0] =	vst.idx.msk $0xffff, v2  }
0xce: {  	v10 =	vld [tilespmem:$0x2A0];
	_ =	sdelay $0x4  }
0xcf: {  	v10 =	vshll.u32 v10, $0x7  }
0xd0: {  	v10 =	vor.u32 v4, v10;
	_ =	sdelay $0x4  }
0xd1: {  	[tilespmem:v10+s10+$0x0] =	vst.idx.msk $0xffff, v2  }
0xd2: {  	v10 =	vld [tilespmem:$0x2B0];
	_ =	sdelay $0x4  }
0xd3: {  	v10 =	vshll.u32 v10, $0x7  }
0xd4: {  	v10 =	vor.u32 v5, v10;
	_ =	sdelay $0x4  }
0xd5: {  	[tilespmem:v10+s10+$0x0] =	vst.idx.msk $0xffff, v2  }
0xd6: {  	v10 =	vld [tilespmem:$0x2C0];
	_ =	sdelay $0x4  }
0xd7: {  	v10 =	vshll.u32 v10, $0x7  }
0xd8: {  	v10 =	vor.u32 v6, v10;
	_ =	sdelay $0x4  }
0xd9: {  	[tilespmem:v10+s10+$0x0] =	vst.idx.msk $0xffff, v2  }
0xda: {  	v10 =	vld [tilespmem:$0x2D0];
	_ =	sdelay $0x4  }
0xdb: {  	v10 =	vshll.u32 v10, $0x7  }
0xdc: {  	v10 =	vor.u32 v7, v10;
	_ =	sdelay $0x4  }
0xdd: {  	[tilespmem:v10+s10+$0x0] =	vst.idx.msk $0xffff, v2  }
0xde: {  	v10 =	vld [tilespmem:$0x2E0];
	_ =	sdelay $0x4  }
0xdf: {  	v10 =	vshll.u32 v10, $0x7  }
0xe0: {  	v10 =	vor.u32 v8, v10;
	_ =	sdelay $0x4  }
0xe1: {  	[tilespmem:v10+s10+$0x0] =	vst.idx.msk $0xffff, v2  }
0xe2: {  	v10 =	vld [tilespmem:$0x2F0];
	_ =	sdelay $0x4  }
0xe3: {  	v10 =	vshll.u32 v10, $0x7  }
0xe4: {  	v10 =	vor.u32 v9, v10;
	_ =	sdelay $0x4  }
0xe5: {  	[tilespmem:v10+s10+$0x0] =	vst.idx.msk $0xffff, v2  }
0xe6: {  	v10 =	vld [tilespmem:$0x300];
	_ =	sdelay $0x4  }
0xe7: {  	v10 =	vshll.u32 v10, $0x7  }
0xe8: {  	v10 =	vor.u32 v0, v10;
	_ =	sdelay $0x4  }
0xe9: {  	[tilespmem:v10+s10+$0x0] =	vst.idx.msk $0xffff, v2  }
0xea: {  	v10 =	vld [tilespmem:$0x310];
	_ =	sdelay $0x4  }
0xeb: {  	v10 =	vshll.u32 v10, $0x7  }
0xec: {  	v10 =	vor.u32 v3, v10;
	_ =	sdelay $0x4  }
0xed: {  	[tilespmem:v10+s10+$0x0] =	vst.idx.msk $0xffff, v2  }
0xee: {  	v10 =	vld [tilespmem:$0x320];
	_ =	sdelay $0x4  }
0xef: {  	v10 =	vshll.u32 v10, $0x7  }
0xf0: {  	v10 =	vor.u32 v4, v10;
	_ =	sdelay $0x4  }
0xf1: {  	[tilespmem:v10+s10+$0x0] =	vst.idx.msk $0xffff, v2  }
0xf2: {  	v10 =	vld [tilespmem:$0x330];
	_ =	sdelay $0x4  }
0xf3: {  	v10 =	vshll.u32 v10, $0x7  }
0xf4: {  	v10 =	vor.u32 v5, v10;
	_ =	sdelay $0x4  }
0xf5: {  	[tilespmem:v10+s10+$0x0] =	vst.idx.msk $0xffff, v2  }
0xf6: {  	v10 =	vld [tilespmem:$0x340];
	_ =	sdelay $0x4  }
0xf7: {  	v10 =	vshll.u32 v10, $0x7  }
0xf8: {  	v10 =	vor.u32 v6, v10;
	_ =	sdelay $0x4  }
0xf9: {  	[tilespmem:v10+s10+$0x0] =	vst.idx.msk $0xffff, v2  }
0xfa: {  	v10 =	vld [tilespmem:$0x350];
	_ =	sdelay $0x4  }
0xfb: {  	v10 =	vshll.u32 v10, $0x7  }
0xfc: {  	v10 =	vor.u32 v7, v10;
	_ =	sdelay $0x4  }
0xfd: {  	[tilespmem:v10+s10+$0x0] =	vst.idx.msk $0xffff, v2  }
0xfe: {  	v10 =	vld [tilespmem:$0x360];
	_ =	sdelay $0x4  }
0xff: {  	v10 =	vshll.u32 v10, $0x7  }
0x100: {  	v10 =	vor.u32 v8, v10;
	_ =	sdelay $0x4  }
0x101: {  	[tilespmem:v10+s10+$0x0] =	vst.idx.msk $0xffff, v2  }
0x102: {  	v10 =	vld [tilespmem:$0x370];
	_ =	sdelay $0x4  }
0x103: {  	v10 =	vshll.u32 v10, $0x7  }
0x104: {  	v10 =	vor.u32 v9, v10;
	_ =	sdelay $0x4  }
0x105: {  	[tilespmem:v10+s10+$0x0] =	vst.idx.msk $0xffff, v2  }
0x106: {  	v10 =	vld [tilespmem:$0x380];
	_ =	sdelay $0x4  }
0x107: {  	v10 =	vshll.u32 v10, $0x7  }
0x108: {  	v10 =	vor.u32 v0, v10;
	_ =	sdelay $0x4  }
0x109: {  	[tilespmem:v10+s10+$0x0] =	vst.idx.msk $0xffff, v2  }
0x10a: {  	v10 =	vld [tilespmem:$0x390];
	_ =	sdelay $0x4  }
0x10b: {  	v10 =	vshll.u32 v10, $0x7  }
0x10c: {  	v10 =	vor.u32 v3, v10;
	_ =	sdelay $0x4  }
0x10d: {  	[tilespmem:v10+s10+$0x0] =	vst.idx.msk $0xffff, v2  }
0x10e: {  	v10 =	vld [tilespmem:$0x3A0];
	_ =	sdelay $0x4  }
0x10f: {  	v10 =	vshll.u32 v10, $0x7  }
0x110: {  	v10 =	vor.u32 v4, v10;
	_ =	sdelay $0x4  }
0x111: {  	[tilespmem:v10+s10+$0x0] =	vst.idx.msk $0xffff, v2  }
0x112: {  	v10 =	vld [tilespmem:$0x3B0];
	_ =	sdelay $0x4  }
0x113: {  	v10 =	vshll.u32 v10, $0x7  }
0x114: {  	v10 =	vor.u32 v5, v10;
	_ =	sdelay $0x4  }
0x115: {  	[tilespmem:v10+s10+$0x0] =	vst.idx.msk $0xffff, v2  }
0x116: {  	v10 =	vld [tilespmem:$0x3C0];
	_ =	sdelay $0x4  }
0x117: {  	v10 =	vshll.u32 v10, $0x7  }
0x118: {  	v10 =	vor.u32 v6, v10;
	_ =	sdelay $0x4  }
0x119: {  	[tilespmem:v10+s10+$0x0] =	vst.idx.msk $0xffff, v2  }
0x11a: {  	v10 =	vld [tilespmem:$0x3D0];
	_ =	sdelay $0x4  }
0x11b: {  	v10 =	vshll.u32 v10, $0x7  }
0x11c: {  	v10 =	vor.u32 v7, v10;
	_ =	sdelay $0x4  }
0x11d: {  	[tilespmem:v10+s10+$0x0] =	vst.idx.msk $0xffff, v2  }
0x11e: {  	v10 =	vld [tilespmem:$0x3E0];
	_ =	sdelay $0x4  }
0x11f: {  	v10 =	vshll.u32 v10, $0x7  }
0x120: {  	v10 =	vor.u32 v8, v10;
	_ =	sdelay $0x4  }
0x121: {  	[tilespmem:v10+s10+$0x0] =	vst.idx.msk $0xffff, v2  }
0x122: {  	v10 =	vld [tilespmem:$0x3F0];
	_ =	sdelay $0x4  }
0x123: {  	v10 =	vshll.u32 v10, $0x7  }
0x124: {  	v10 =	vor.u32 v9, v10;
	_ =	sdelay $0x4  }
0x125: {  	[tilespmem:v10+s10+$0x0] =	vst.idx.msk $0xffff, v2  }
0x126: {  	v10 =	vld [tilespmem:$0x400];
	_ =	sdelay $0x4  }
0x127: {  	v10 =	vshll.u32 v10, $0x7  }
0x128: {  	v10 =	vor.u32 v0, v10;
	_ =	sdelay $0x4  }
0x129: {  	[tilespmem:v10+s10+$0x0] =	vst.idx.msk $0xffff, v2  }
0x12a: {  	v10 =	vld [tilespmem:$0x410];
	_ =	sdelay $0x4  }
0x12b: {  	v10 =	vshll.u32 v10, $0x7  }
0x12c: {  	v10 =	vor.u32 v3, v10;
	_ =	sdelay $0x4  }
0x12d: {  	[tilespmem:v10+s10+$0x0] =	vst.idx.msk $0xffff, v2  }
0x12e: {  	v10 =	vld [tilespmem:$0x420];
	_ =	sdelay $0x4  }
0x12f: {  	v10 =	vshll.u32 v10, $0x7  }
0x130: {  	v10 =	vor.u32 v4, v10;
	_ =	sdelay $0x4  }
0x131: {  	[tilespmem:v10+s10+$0x0] =	vst.idx.msk $0xffff, v2  }
0x132: {  	v10 =	vld [tilespmem:$0x430];
	_ =	sdelay $0x4  }
0x133: {  	v10 =	vshll.u32 v10, $0x7  }
0x134: {  	v10 =	vor.u32 v5, v10;
	_ =	sdelay $0x4  }
0x135: {  	[tilespmem:v10+s10+$0x0] =	vst.idx.msk $0xffff, v2  }
0x136: {  	v10 =	vld [tilespmem:$0x440];
	_ =	sdelay $0x4  }
0x137: {  	v10 =	vshll.u32 v10, $0x7  }
0x138: {  	v10 =	vor.u32 v6, v10;
	_ =	sdelay $0x4  }
0x139: {  	[tilespmem:v10+s10+$0x0] =	vst.idx.msk $0xffff, v2  }
0x13a: {  	v10 =	vld [tilespmem:$0x450];
	_ =	sdelay $0x4  }
0x13b: {  	v10 =	vshll.u32 v10, $0x7  }
0x13c: {  	v10 =	vor.u32 v7, v10;
	_ =	sdelay $0x4  }
0x13d: {  	[tilespmem:v10+s10+$0x0] =	vst.idx.msk $0xffff, v2  }
0x13e: {  	v10 =	vld [tilespmem:$0x460];
	_ =	sdelay $0x4  }
0x13f: {  	v10 =	vshll.u32 v10, $0x7  }
0x140: {  	v10 =	vor.u32 v8, v10;
	_ =	sdelay $0x4  }
0x141: {  	[tilespmem:v10+s10+$0x0] =	vst.idx.msk $0xffff, v2  }
0x142: {  	v10 =	vld [tilespmem:$0x470];
	_ =	sdelay $0x4  }
0x143: {  	v10 =	vshll.u32 v10, $0x7  }
0x144: {  	v10 =	vor.u32 v9, v10;
	_ =	sdelay $0x4  }
0x145: {  	[tilespmem:v10+s10+$0x0] =	vst.idx.msk $0xffff, v2  }
0x146: {  	v10 =	vld [tilespmem:$0x480];
	_ =	sdelay $0x4  }
0x147: {  	v10 =	vshll.u32 v10, $0x7  }
0x148: {  	v10 =	vor.u32 v0, v10;
	_ =	sdelay $0x4  }
0x149: {  	[tilespmem:v10+s10+$0x0] =	vst.idx.msk $0xffff, v2  }
0x14a: {  	v10 =	vld [tilespmem:$0x490];
	_ =	sdelay $0x4  }
0x14b: {  	v10 =	vshll.u32 v10, $0x7  }
0x14c: {  	v10 =	vor.u32 v3, v10;
	_ =	sdelay $0x4  }
0x14d: {  	[tilespmem:v10+s10+$0x0] =	vst.idx.msk $0xffff, v2  }
0x14e: {  	v10 =	vld [tilespmem:$0x4A0];
	_ =	sdelay $0x4  }
0x14f: {  	v10 =	vshll.u32 v10, $0x7  }
0x150: {  	v10 =	vor.u32 v4, v10;
	_ =	sdelay $0x4  }
0x151: {  	[tilespmem:v10+s10+$0x0] =	vst.idx.msk $0xffff, v2  }
0x152: {  	v10 =	vld [tilespmem:$0x4B0];
	_ =	sdelay $0x4  }
0x153: {  	v10 =	vshll.u32 v10, $0x7  }
0x154: {  	v10 =	vor.u32 v5, v10;
	_ =	sdelay $0x4  }
0x155: {  	[tilespmem:v10+s10+$0x0] =	vst.idx.msk $0xffff, v2  }
0x156: {  	v10 =	vld [tilespmem:$0x4C0];
	_ =	sdelay $0x4  }
0x157: {  	v10 =	vshll.u32 v10, $0x7  }
0x158: {  	v10 =	vor.u32 v6, v10;
	_ =	sdelay $0x4  }
0x159: {  	[tilespmem:v10+s10+$0x0] =	vst.idx.msk $0xffff, v2  }
0x15a: {  	v10 =	vld [tilespmem:$0x4D0];
	_ =	sdelay $0x4  }
0x15b: {  	v10 =	vshll.u32 v10, $0x7  }
0x15c: {  	v10 =	vor.u32 v7, v10;
	_ =	sdelay $0x4  }
0x15d: {  	[tilespmem:v10+s10+$0x0] =	vst.idx.msk $0xffff, v2  }
0x15e: {  	v10 =	vld [tilespmem:$0x4E0];
	_ =	sdelay $0x4  }
0x15f: {  	v10 =	vshll.u32 v10, $0x7  }
0x160: {  	v10 =	vor.u32 v8, v10;
	_ =	sdelay $0x4  }
0x161: {  	[tilespmem:v10+s10+$0x0] =	vst.idx.msk $0xffff, v2  }
0x162: {  	v10 =	vld [tilespmem:$0x4F0];
	_ =	sdelay $0x4  }
0x163: {  	v10 =	vshll.u32 v10, $0x7  }
0x164: {  	v10 =	vor.u32 v9, v10;
	_ =	sdelay $0x4  }
0x165: {  	[tilespmem:v10+s10+$0x0] =	vst.idx.msk $0xffff, v2  }
0x166: {  	v10 =	vld [tilespmem:$0x500];
	_ =	sdelay $0x4  }
0x167: {  	v10 =	vshll.u32 v10, $0x7  }
0x168: {  	v10 =	vor.u32 v0, v10;
	_ =	sdelay $0x4  }
0x169: {  	[tilespmem:v10+s10+$0x0] =	vst.idx.msk $0xffff, v2  }
0x16a: {  	v10 =	vld [tilespmem:$0x510];
	_ =	sdelay $0x4  }
0x16b: {  	v10 =	vshll.u32 v10, $0x7  }
0x16c: {  	v10 =	vor.u32 v3, v10;
	_ =	sdelay $0x4  }
0x16d: {  	[tilespmem:v10+s10+$0x0] =	vst.idx.msk $0xffff, v2  }
0x16e: {  	v10 =	vld [tilespmem:$0x520];
	_ =	sdelay $0x4  }
0x16f: {  	v10 =	vshll.u32 v10, $0x7  }
0x170: {  	v10 =	vor.u32 v4, v10;
	_ =	sdelay $0x4  }
0x171: {  	[tilespmem:v10+s10+$0x0] =	vst.idx.msk $0xffff, v2  }
0x172: {  	v10 =	vld [tilespmem:$0x530];
	_ =	sdelay $0x4  }
0x173: {  	v10 =	vshll.u32 v10, $0x7  }
0x174: {  	v10 =	vor.u32 v5, v10;
	_ =	sdelay $0x4  }
0x175: {  	[tilespmem:v10+s10+$0x0] =	vst.idx.msk $0xffff, v2  }
0x176: {  	v10 =	vld [tilespmem:$0x540];
	_ =	sdelay $0x4  }
0x177: {  	v10 =	vshll.u32 v10, $0x7  }
0x178: {  	v10 =	vor.u32 v6, v10;
	_ =	sdelay $0x4  }
0x179: {  	[tilespmem:v10+s10+$0x0] =	vst.idx.msk $0xffff, v2  }
0x17a: {  	v10 =	vld [tilespmem:$0x550];
	_ =	sdelay $0x4  }
0x17b: {  	v10 =	vshll.u32 v10, $0x7  }
0x17c: {  	v10 =	vor.u32 v7, v10;
	_ =	sdelay $0x4  }
0x17d: {  	[tilespmem:v10+s10+$0x0] =	vst.idx.msk $0xffff, v2  }
0x17e: {  	v10 =	vld [tilespmem:$0x560];
	_ =	sdelay $0x4  }
0x17f: {  	v10 =	vshll.u32 v10, $0x7  }
0x180: {  	v10 =	vor.u32 v8, v10;
	_ =	sdelay $0x4  }
0x181: {  	[tilespmem:v10+s10+$0x0] =	vst.idx.msk $0xffff, v2  }
0x182: {  	v10 =	vld [tilespmem:$0x570];
	_ =	sdelay $0x4  }
0x183: {  	v10 =	vshll.u32 v10, $0x7  }
0x184: {  	v10 =	vor.u32 v9, v10;
	_ =	sdelay $0x4  }
0x185: {  	[tilespmem:v10+s10+$0x0] =	vst.idx.msk $0xffff, v2  }
0x186: {  	v10 =	vld [tilespmem:$0x580];
	_ =	sdelay $0x4  }
0x187: {  	v10 =	vshll.u32 v10, $0x7  }
0x188: {  	v10 =	vor.u32 v0, v10;
	_ =	sdelay $0x4  }
0x189: {  	[tilespmem:v10+s10+$0x0] =	vst.idx.msk $0xffff, v2  }
0x18a: {  	v10 =	vld [tilespmem:$0x590];
	_ =	sdelay $0x4  }
0x18b: {  	v10 =	vshll.u32 v10, $0x7  }
0x18c: {  	v10 =	vor.u32 v3, v10;
	_ =	sdelay $0x4  }
0x18d: {  	[tilespmem:v10+s10+$0x0] =	vst.idx.msk $0xffff, v2  }
0x18e: {  	v10 =	vld [tilespmem:$0x5A0];
	_ =	sdelay $0x4  }
0x18f: {  	v10 =	vshll.u32 v10, $0x7  }
0x190: {  	v10 =	vor.u32 v4, v10;
	_ =	sdelay $0x4  }
0x191: {  	[tilespmem:v10+s10+$0x0] =	vst.idx.msk $0xffff, v2  }
0x192: {  	v10 =	vld [tilespmem:$0x5B0];
	_ =	sdelay $0x4  }
0x193: {  	v10 =	vshll.u32 v10, $0x7  }
0x194: {  	v10 =	vor.u32 v5, v10;
	_ =	sdelay $0x4  }
0x195: {  	[tilespmem:v10+s10+$0x0] =	vst.idx.msk $0xffff, v2  }
0x196: {  	v10 =	vld [tilespmem:$0x5C0];
	_ =	sdelay $0x4  }
0x197: {  	v10 =	vshll.u32 v10, $0x7  }
0x198: {  	v10 =	vor.u32 v6, v10;
	_ =	sdelay $0x4  }
0x199: {  	[tilespmem:v10+s10+$0x0] =	vst.idx.msk $0xffff, v2  }
0x19a: {  	v10 =	vld [tilespmem:$0x5D0];
	_ =	sdelay $0x4  }
0x19b: {  	v10 =	vshll.u32 v10, $0x7  }
0x19c: {  	v10 =	vor.u32 v7, v10;
	_ =	sdelay $0x4  }
0x19d: {  	[tilespmem:v10+s10+$0x0] =	vst.idx.msk $0xffff, v2  }
0x19e: {  	v10 =	vld [tilespmem:$0x5E0];
	_ =	sdelay $0x4  }
0x19f: {  	v10 =	vshll.u32 v10, $0x7  }
0x1a0: {  	v10 =	vor.u32 v8, v10;
	_ =	sdelay $0x4  }
0x1a1: {  	[tilespmem:v10+s10+$0x0] =	vst.idx.msk $0xffff, v2  }
0x1a2: {  	v10 =	vld [tilespmem:$0x5F0];
	_ =	sdelay $0x4  }
0x1a3: {  	v10 =	vshll.u32 v10, $0x7  }
0x1a4: {  	v10 =	vor.u32 v9, v10;
	_ =	sdelay $0x4  }
0x1a5: {  	[tilespmem:v10+s10+$0x0] =	vst.idx.msk $0xffff, v2  }
0x1a6: {  	v10 =	vld [tilespmem:$0x600];
	_ =	sdelay $0x4  }
0x1a7: {  	v10 =	vshll.u32 v10, $0x7  }
0x1a8: {  	v10 =	vor.u32 v0, v10;
	_ =	sdelay $0x4  }
0x1a9: {  	[tilespmem:v10+s10+$0x0] =	vst.idx.msk $0xffff, v2  }
0x1aa: {  	v10 =	vld [tilespmem:$0x610];
	_ =	sdelay $0x4  }
0x1ab: {  	v10 =	vshll.u32 v10, $0x7  }
0x1ac: {  	v10 =	vor.u32 v3, v10;
	_ =	sdelay $0x4  }
0x1ad: {  	[tilespmem:v10+s10+$0x0] =	vst.idx.msk $0xffff, v2  }
0x1ae: {  	v10 =	vld [tilespmem:$0x620];
	_ =	sdelay $0x4  }
0x1af: {  	v10 =	vshll.u32 v10, $0x7  }
0x1b0: {  	v10 =	vor.u32 v4, v10;
	_ =	sdelay $0x4  }
0x1b1: {  	[tilespmem:v10+s10+$0x0] =	vst.idx.msk $0xffff, v2  }
0x1b2: {  	v10 =	vld [tilespmem:$0x630];
	_ =	sdelay $0x4  }
0x1b3: {  	v10 =	vshll.u32 v10, $0x7  }
0x1b4: {  	v10 =	vor.u32 v5, v10;
	_ =	sdelay $0x4  }
0x1b5: {  	[tilespmem:v10+s10+$0x0] =	vst.idx.msk $0xffff, v2  }
0x1b6: {  	v10 =	vld [tilespmem:$0x640];
	_ =	sdelay $0x4  }
0x1b7: {  	v10 =	vshll.u32 v10, $0x7  }
0x1b8: {  	v10 =	vor.u32 v6, v10;
	_ =	sdelay $0x4  }
0x1b9: {  	[tilespmem:v10+s10+$0x0] =	vst.idx.msk $0xffff, v2  }
0x1ba: {  	v10 =	vld [tilespmem:$0x650];
	_ =	sdelay $0x4  }
0x1bb: {  	v10 =	vshll.u32 v10, $0x7  }
0x1bc: {  	v10 =	vor.u32 v7, v10;
	_ =	sdelay $0x4  }
0x1bd: {  	[tilespmem:v10+s10+$0x0] =	vst.idx.msk $0xffff, v2  }
0x1be: {  	v10 =	vld [tilespmem:$0x660];
	_ =	sdelay $0x4  }
0x1bf: {  	v10 =	vshll.u32 v10, $0x7  }
0x1c0: {  	v10 =	vor.u32 v8, v10;
	_ =	sdelay $0x4  }
0x1c1: {  	[tilespmem:v10+s10+$0x0] =	vst.idx.msk $0xffff, v2  }
0x1c2: {  	v10 =	vld [tilespmem:$0x670];
	_ =	sdelay $0x4  }
0x1c3: {  	v10 =	vshll.u32 v10, $0x7  }
0x1c4: {  	v10 =	vor.u32 v9, v10;
	_ =	sdelay $0x4  }
0x1c5: {  	[tilespmem:v10+s10+$0x0] =	vst.idx.msk $0xffff, v2  }
0x1c6: {  	v10 =	vld [tilespmem:$0x680];
	_ =	sdelay $0x4  }
0x1c7: {  	v10 =	vshll.u32 v10, $0x7  }
0x1c8: {  	v10 =	vor.u32 v0, v10;
	_ =	sdelay $0x4  }
0x1c9: {  	[tilespmem:v10+s10+$0x0] =	vst.idx.msk $0xffff, v2  }
0x1ca: {  	v10 =	vld [tilespmem:$0x690];
	_ =	sdelay $0x4  }
0x1cb: {  	v10 =	vshll.u32 v10, $0x7  }
0x1cc: {  	v10 =	vor.u32 v3, v10;
	_ =	sdelay $0x4  }
0x1cd: {  	[tilespmem:v10+s10+$0x0] =	vst.idx.msk $0xffff, v2  }
0x1ce: {  	v10 =	vld [tilespmem:$0x6A0];
	_ =	sdelay $0x4  }
0x1cf: {  	v10 =	vshll.u32 v10, $0x7  }
0x1d0: {  	v10 =	vor.u32 v4, v10;
	_ =	sdelay $0x4  }
0x1d1: {  	[tilespmem:v10+s10+$0x0] =	vst.idx.msk $0xffff, v2  }
0x1d2: {  	v10 =	vld [tilespmem:$0x6B0];
	_ =	sdelay $0x4  }
0x1d3: {  	v10 =	vshll.u32 v10, $0x7  }
0x1d4: {  	v10 =	vor.u32 v5, v10;
	_ =	sdelay $0x4  }
0x1d5: {  	[tilespmem:v10+s10+$0x0] =	vst.idx.msk $0xffff, v2  }
0x1d6: {  	v10 =	vld [tilespmem:$0x6C0];
	_ =	sdelay $0x4  }
0x1d7: {  	v10 =	vshll.u32 v10, $0x7  }
0x1d8: {  	v10 =	vor.u32 v6, v10;
	_ =	sdelay $0x4  }
0x1d9: {  	[tilespmem:v10+s10+$0x0] =	vst.idx.msk $0xffff, v2  }
0x1da: {  	v10 =	vld [tilespmem:$0x6D0];
	_ =	sdelay $0x4  }
0x1db: {  	v10 =	vshll.u32 v10, $0x7  }
0x1dc: {  	v10 =	vor.u32 v7, v10;
	_ =	sdelay $0x4  }
0x1dd: {  	[tilespmem:v10+s10+$0x0] =	vst.idx.msk $0xffff, v2  }
0x1de: {  	v10 =	vld [tilespmem:$0x6E0];
	_ =	sdelay $0x4  }
0x1df: {  	v10 =	vshll.u32 v10, $0x7  }
0x1e0: {  	v10 =	vor.u32 v8, v10;
	_ =	sdelay $0x4  }
0x1e1: {  	[tilespmem:v10+s10+$0x0] =	vst.idx.msk $0xffff, v2  }
0x1e2: {  	v10 =	vld [tilespmem:$0x6F0];
	_ =	sdelay $0x4  }
0x1e3: {  	v10 =	vshll.u32 v10, $0x7  }
0x1e4: {  	v10 =	vor.u32 v9, v10;
	_ =	sdelay $0x4  }
0x1e5: {  	[tilespmem:v10+s10+$0x0] =	vst.idx.msk $0xffff, v2  }
0x1e6: {  	v10 =	vld [tilespmem:$0x700];
	_ =	sdelay $0x4  }
0x1e7: {  	v10 =	vshll.u32 v10, $0x7  }
0x1e8: {  	v10 =	vor.u32 v0, v10;
	_ =	sdelay $0x4  }
0x1e9: {  	[tilespmem:v10+s10+$0x0] =	vst.idx.msk $0xffff, v2  }
0x1ea: {  	v10 =	vld [tilespmem:$0x710];
	_ =	sdelay $0x4  }
0x1eb: {  	v10 =	vshll.u32 v10, $0x7  }
0x1ec: {  	v10 =	vor.u32 v3, v10;
	_ =	sdelay $0x4  }
0x1ed: {  	[tilespmem:v10+s10+$0x0] =	vst.idx.msk $0xffff, v2  }
0x1ee: {  	v10 =	vld [tilespmem:$0x720];
	_ =	sdelay $0x4  }
0x1ef: {  	v10 =	vshll.u32 v10, $0x7  }
0x1f0: {  	v10 =	vor.u32 v4, v10;
	_ =	sdelay $0x4  }
0x1f1: {  	[tilespmem:v10+s10+$0x0] =	vst.idx.msk $0xffff, v2  }
0x1f2: {  	v10 =	vld [tilespmem:$0x730];
	_ =	sdelay $0x4  }
0x1f3: {  	v10 =	vshll.u32 v10, $0x7  }
0x1f4: {  	v10 =	vor.u32 v5, v10;
	_ =	sdelay $0x4  }
0x1f5: {  	[tilespmem:v10+s10+$0x0] =	vst.idx.msk $0xffff, v2  }
0x1f6: {  	v10 =	vld [tilespmem:$0x740];
	_ =	sdelay $0x4  }
0x1f7: {  	v10 =	vshll.u32 v10, $0x7  }
0x1f8: {  	v10 =	vor.u32 v6, v10;
	_ =	sdelay $0x4  }
0x1f9: {  	[tilespmem:v10+s10+$0x0] =	vst.idx.msk $0xffff, v2  }
0x1fa: {  	v10 =	vld [tilespmem:$0x750];
	_ =	sdelay $0x4  }
0x1fb: {  	v10 =	vshll.u32 v10, $0x7  }
0x1fc: {  	v10 =	vor.u32 v7, v10;
	_ =	sdelay $0x4  }
0x1fd: {  	[tilespmem:v10+s10+$0x0] =	vst.idx.msk $0xffff, v2  }
0x1fe: {  	v10 =	vld [tilespmem:$0x760];
	_ =	sdelay $0x4  }
0x1ff: {  	v10 =	vshll.u32 v10, $0x7  }
0x200: {  	v10 =	vor.u32 v8, v10;
	_ =	sdelay $0x4  }
0x201: {  	[tilespmem:v10+s10+$0x0] =	vst.idx.msk $0xffff, v2  }
0x202: {  	v10 =	vld [tilespmem:$0x770];
	_ =	sdelay $0x4  }
0x203: {  	v10 =	vshll.u32 v10, $0x7  }
0x204: {  	v10 =	vor.u32 v9, v10;
	_ =	sdelay $0x4  }
0x205: {  	[tilespmem:v10+s10+$0x0] =	vst.idx.msk $0xffff, v2  }
0x206: {  	v10 =	vld [tilespmem:$0x780];
	_ =	sdelay $0x4  }
0x207: {  	v10 =	vshll.u32 v10, $0x7  }
0x208: {  	v10 =	vor.u32 v0, v10;
	_ =	sdelay $0x4  }
0x209: {  	[tilespmem:v10+s10+$0x0] =	vst.idx.msk $0xffff, v2  }
0x20a: {  	v10 =	vld [tilespmem:$0x790];
	_ =	sdelay $0x4  }
0x20b: {  	v10 =	vshll.u32 v10, $0x7  }
0x20c: {  	v10 =	vor.u32 v3, v10;
	_ =	sdelay $0x4  }
0x20d: {  	[tilespmem:v10+s10+$0x0] =	vst.idx.msk $0xffff, v2  }
0x20e: {  	v10 =	vld [tilespmem:$0x7A0];
	_ =	sdelay $0x4  }
0x20f: {  	v10 =	vshll.u32 v10, $0x7  }
0x210: {  	v10 =	vor.u32 v4, v10;
	_ =	sdelay $0x4  }
0x211: {  	[tilespmem:v10+s10+$0x0] =	vst.idx.msk $0xffff, v2  }
0x212: {  	v10 =	vld [tilespmem:$0x7B0];
	_ =	sdelay $0x4  }
0x213: {  	v10 =	vshll.u32 v10, $0x7  }
0x214: {  	v10 =	vor.u32 v5, v10;
	_ =	sdelay $0x4  }
0x215: {  	[tilespmem:v10+s10+$0x0] =	vst.idx.msk $0xffff, v2  }
0x216: {  	v10 =	vld [tilespmem:$0x7C0];
	_ =	sdelay $0x4  }
0x217: {  	v10 =	vshll.u32 v10, $0x7  }
0x218: {  	v10 =	vor.u32 v6, v10;
	_ =	sdelay $0x4  }
0x219: {  	[tilespmem:v10+s10+$0x0] =	vst.idx.msk $0xffff, v2  }
0x21a: {  	v10 =	vld [tilespmem:$0x7D0];
	_ =	sdelay $0x4  }
0x21b: {  	v10 =	vshll.u32 v10, $0x7  }
0x21c: {  	v10 =	vor.u32 v7, v10;
	_ =	sdelay $0x4  }
0x21d: {  	[tilespmem:v10+s10+$0x0] =	vst.idx.msk $0xffff, v2  }
0x21e: {  	v10 =	vld [tilespmem:$0x7E0];
	_ =	sdelay $0x4  }
0x21f: {  	v10 =	vshll.u32 v10, $0x7  }
0x220: {  	v10 =	vor.u32 v8, v10;
	_ =	sdelay $0x4  }
0x221: {  	[tilespmem:v10+s10+$0x0] =	vst.idx.msk $0xffff, v2  }
0x222: {  	v10 =	vld [tilespmem:$0x7F0];
	_ =	sdelay $0x4  }
0x223: {  	v10 =	vshll.u32 v10, $0x7  }
0x224: {  	v10 =	vor.u32 v9, v10;
	_ =	sdelay $0x4  }
0x225: {  	[tilespmem:v10+s10+$0x0] =	vst.idx.msk $0xffff, v2  }
0x226: {  	v10 =	vld [tilespmem:$0x800];
	_ =	sdelay $0x4  }
0x227: {  	v10 =	vshll.u32 v10, $0x7  }
0x228: {  	v10 =	vor.u32 v0, v10;
	_ =	sdelay $0x4  }
0x229: {  	[tilespmem:v10+s10+$0x0] =	vst.idx.msk $0xffff, v2  }
0x22a: {  	v10 =	vld [tilespmem:$0x810];
	_ =	sdelay $0x4  }
0x22b: {  	v10 =	vshll.u32 v10, $0x7  }
0x22c: {  	v10 =	vor.u32 v3, v10;
	_ =	sdelay $0x4  }
0x22d: {  	[tilespmem:v10+s10+$0x0] =	vst.idx.msk $0xffff, v2  }
0x22e: {  	v10 =	vld [tilespmem:$0x820];
	_ =	sdelay $0x4  }
0x22f: {  	v10 =	vshll.u32 v10, $0x7  }
0x230: {  	v10 =	vor.u32 v4, v10;
	_ =	sdelay $0x4  }
0x231: {  	[tilespmem:v10+s10+$0x0] =	vst.idx.msk $0xffff, v2  }
0x232: {  	v10 =	vld [tilespmem:$0x830];
	_ =	sdelay $0x4  }
0x233: {  	v10 =	vshll.u32 v10, $0x7  }
0x234: {  	v10 =	vor.u32 v5, v10;
	_ =	sdelay $0x4  }
0x235: {  	[tilespmem:v10+s10+$0x0] =	vst.idx.msk $0xffff, v2  }
0x236: {  	v10 =	vld [tilespmem:$0x840];
	_ =	sdelay $0x4  }
0x237: {  	v10 =	vshll.u32 v10, $0x7  }
0x238: {  	v10 =	vor.u32 v6, v10;
	_ =	sdelay $0x4  }
0x239: {  	[tilespmem:v10+s10+$0x0] =	vst.idx.msk $0xffff, v2  }
0x23a: {  	v10 =	vld [tilespmem:$0x850];
	_ =	sdelay $0x4  }
0x23b: {  	v10 =	vshll.u32 v10, $0x7  }
0x23c: {  	v10 =	vor.u32 v7, v10;
	_ =	sdelay $0x4  }
0x23d: {  	[tilespmem:v10+s10+$0x0] =	vst.idx.msk $0xffff, v2  }
0x23e: {  	v10 =	vld [tilespmem:$0x860];
	_ =	sdelay $0x4  }
0x23f: {  	v10 =	vshll.u32 v10, $0x7  }
0x240: {  	v10 =	vor.u32 v8, v10;
	_ =	sdelay $0x4  }
0x241: {  	[tilespmem:v10+s10+$0x0] =	vst.idx.msk $0xffff, v2  }
0x242: {  	v10 =	vld [tilespmem:$0x870];
	_ =	sdelay $0x4  }
0x243: {  	v10 =	vshll.u32 v10, $0x7  }
0x244: {  	v10 =	vor.u32 v9, v10;
	_ =	sdelay $0x4  }
0x245: {  	[tilespmem:v10+s10+$0x0] =	vst.idx.msk $0xffff, v2  }
0x246: {  	v10 =	vld [tilespmem:$0x880];
	_ =	sdelay $0x4  }
0x247: {  	v10 =	vshll.u32 v10, $0x7  }
0x248: {  	v10 =	vor.u32 v0, v10;
	_ =	sdelay $0x4  }
0x249: {  	[tilespmem:v10+s10+$0x0] =	vst.idx.msk $0xffff, v2  }
0x24a: {  	v10 =	vld [tilespmem:$0x890];
	_ =	sdelay $0x4  }
0x24b: {  	v10 =	vshll.u32 v10, $0x7  }
0x24c: {  	v10 =	vor.u32 v3, v10;
	_ =	sdelay $0x4  }
0x24d: {  	[tilespmem:v10+s10+$0x0] =	vst.idx.msk $0xffff, v2  }
0x24e: {  	v10 =	vld [tilespmem:$0x8A0];
	_ =	sdelay $0x4  }
0x24f: {  	v10 =	vshll.u32 v10, $0x7  }
0x250: {  	v10 =	vor.u32 v4, v10;
	_ =	sdelay $0x4  }
0x251: {  	[tilespmem:v10+s10+$0x0] =	vst.idx.msk $0xffff, v2  }
0x252: {  	v10 =	vld [tilespmem:$0x8B0];
	_ =	sdelay $0x4  }
0x253: {  	v10 =	vshll.u32 v10, $0x7  }
0x254: {  	v10 =	vor.u32 v5, v10;
	_ =	sdelay $0x4  }
0x255: {  	[tilespmem:v10+s10+$0x0] =	vst.idx.msk $0xffff, v2  }
0x256: {  	v10 =	vld [tilespmem:$0x8C0];
	_ =	sdelay $0x4  }
0x257: {  	v10 =	vshll.u32 v10, $0x7  }
0x258: {  	v10 =	vor.u32 v6, v10;
	_ =	sdelay $0x4  }
0x259: {  	[tilespmem:v10+s10+$0x0] =	vst.idx.msk $0xffff, v2  }
0x25a: {  	v10 =	vld [tilespmem:$0x8D0];
	_ =	sdelay $0x4  }
0x25b: {  	v10 =	vshll.u32 v10, $0x7  }
0x25c: {  	v10 =	vor.u32 v7, v10;
	_ =	sdelay $0x4  }
0x25d: {  	[tilespmem:v10+s10+$0x0] =	vst.idx.msk $0xffff, v2  }
0x25e: {  	v10 =	vld [tilespmem:$0x8E0];
	_ =	sdelay $0x4  }
0x25f: {  	v10 =	vshll.u32 v10, $0x7  }
0x260: {  	v10 =	vor.u32 v8, v10;
	_ =	sdelay $0x4  }
0x261: {  	[tilespmem:v10+s10+$0x0] =	vst.idx.msk $0xffff, v2  }
0x262: {  	v10 =	vld [tilespmem:$0x8F0];
	_ =	sdelay $0x4  }
0x263: {  	v10 =	vshll.u32 v10, $0x7  }
0x264: {  	v10 =	vor.u32 v9, v10;
	_ =	sdelay $0x4  }
0x265: {  	[tilespmem:v10+s10+$0x0] =	vst.idx.msk $0xffff, v2  }
0x266: {  	v10 =	vld [tilespmem:$0x900];
	_ =	sdelay $0x4  }
0x267: {  	v10 =	vshll.u32 v10, $0x7  }
0x268: {  	v10 =	vor.u32 v0, v10;
	_ =	sdelay $0x4  }
0x269: {  	[tilespmem:v10+s10+$0x0] =	vst.idx.msk $0xffff, v2  }
0x26a: {  	v10 =	vld [tilespmem:$0x910];
	_ =	sdelay $0x4  }
0x26b: {  	v10 =	vshll.u32 v10, $0x7  }
0x26c: {  	v10 =	vor.u32 v3, v10;
	_ =	sdelay $0x4  }
0x26d: {  	[tilespmem:v10+s10+$0x0] =	vst.idx.msk $0xffff, v2  }
0x26e: {  	v10 =	vld [tilespmem:$0x920];
	_ =	sdelay $0x4  }
0x26f: {  	v10 =	vshll.u32 v10, $0x7  }
0x270: {  	v10 =	vor.u32 v4, v10;
	_ =	sdelay $0x4  }
0x271: {  	[tilespmem:v10+s10+$0x0] =	vst.idx.msk $0xffff, v2  }
0x272: {  	v10 =	vld [tilespmem:$0x930];
	_ =	sdelay $0x4  }
0x273: {  	v10 =	vshll.u32 v10, $0x7  }
0x274: {  	v10 =	vor.u32 v5, v10;
	_ =	sdelay $0x4  }
0x275: {  	[tilespmem:v10+s10+$0x0] =	vst.idx.msk $0xffff, v2  }
0x276: {  	v10 =	vld [tilespmem:$0x940];
	_ =	sdelay $0x4  }
0x277: {  	v10 =	vshll.u32 v10, $0x7  }
0x278: {  	v10 =	vor.u32 v6, v10;
	_ =	sdelay $0x4  }
0x279: {  	[tilespmem:v10+s10+$0x0] =	vst.idx.msk $0xffff, v2  }
0x27a: {  	v10 =	vld [tilespmem:$0x950];
	_ =	sdelay $0x4  }
0x27b: {  	v10 =	vshll.u32 v10, $0x7  }
0x27c: {  	v10 =	vor.u32 v7, v10;
	_ =	sdelay $0x4  }
0x27d: {  	[tilespmem:v10+s10+$0x0] =	vst.idx.msk $0xffff, v2  }
0x27e: {  	v10 =	vld [tilespmem:$0x960];
	_ =	sdelay $0x4  }
0x27f: {  	v10 =	vshll.u32 v10, $0x7  }
0x280: {  	v10 =	vor.u32 v8, v10;
	_ =	sdelay $0x4  }
0x281: {  	[tilespmem:v10+s10+$0x0] =	vst.idx.msk $0xffff, v2  }
0x282: {  	v10 =	vld [tilespmem:$0x970];
	_ =	sdelay $0x4  }
0x283: {  	v10 =	vshll.u32 v10, $0x7  }
0x284: {  	v10 =	vor.u32 v9, v10;
	_ =	sdelay $0x4  }
0x285: {  	[tilespmem:v10+s10+$0x0] =	vst.idx.msk $0xffff, v2  }
0x286: {  	v10 =	vld [tilespmem:$0x980];
	_ =	sdelay $0x4  }
0x287: {  	v10 =	vshll.u32 v10, $0x7  }
0x288: {  	v10 =	vor.u32 v0, v10;
	_ =	sdelay $0x4  }
0x289: {  	[tilespmem:v10+s10+$0x0] =	vst.idx.msk $0xffff, v2  }
0x28a: {  	v10 =	vld [tilespmem:$0x990];
	_ =	sdelay $0x4  }
0x28b: {  	v10 =	vshll.u32 v10, $0x7  }
0x28c: {  	v10 =	vor.u32 v3, v10;
	_ =	sdelay $0x4  }
0x28d: {  	[tilespmem:v10+s10+$0x0] =	vst.idx.msk $0xffff, v2  }
0x28e: {  	v10 =	vld [tilespmem:$0x9A0];
	_ =	sdelay $0x4  }
0x28f: {  	v10 =	vshll.u32 v10, $0x7  }
0x290: {  	v10 =	vor.u32 v4, v10;
	_ =	sdelay $0x4  }
0x291: {  	[tilespmem:v10+s10+$0x0] =	vst.idx.msk $0xffff, v2  }
0x292: {  	v10 =	vld [tilespmem:$0x9B0];
	_ =	sdelay $0x4  }
0x293: {  	v10 =	vshll.u32 v10, $0x7  }
0x294: {  	v10 =	vor.u32 v5, v10;
	_ =	sdelay $0x4  }
0x295: {  	[tilespmem:v10+s10+$0x0] =	vst.idx.msk $0xffff, v2  }
0x296: {  	v10 =	vld [tilespmem:$0x9C0];
	_ =	sdelay $0x4  }
0x297: {  	v10 =	vshll.u32 v10, $0x7  }
0x298: {  	v10 =	vor.u32 v6, v10;
	_ =	sdelay $0x4  }
0x299: {  	[tilespmem:v10+s10+$0x0] =	vst.idx.msk $0xffff, v2  }
0x29a: {  	v10 =	vld [tilespmem:$0x9D0];
	_ =	sdelay $0x4  }
0x29b: {  	v10 =	vshll.u32 v10, $0x7  }
0x29c: {  	v10 =	vor.u32 v7, v10;
	_ =	sdelay $0x4  }
0x29d: {  	[tilespmem:v10+s10+$0x0] =	vst.idx.msk $0xffff, v2  }
0x29e: {  	v10 =	vld [tilespmem:$0x9E0];
	_ =	sdelay $0x4  }
0x29f: {  	v10 =	vshll.u32 v10, $0x7  }
0x2a0: {  	v10 =	vor.u32 v8, v10;
	_ =	sdelay $0x4  }
0x2a1: {  	[tilespmem:v10+s10+$0x0] =	vst.idx.msk $0xffff, v2  }
0x2a2: {  	v10 =	vld [tilespmem:$0x9F0];
	_ =	sdelay $0x4  }
0x2a3: {  	v10 =	vshll.u32 v10, $0x7  }
0x2a4: {  	v10 =	vor.u32 v9, v10;
	_ =	sdelay $0x3  }
0x2a5: {  	p0 =	seq.s32 s12, $0x180  }
.Ltmp3:
0x2a6: {  	s31 =	sadd.s32 s12, s5;
	[tilespmem:v10+s10+$0x0] =	vst.idx.msk $0xffff, v2;
	(pc) =	sbr.rel @p0 .LBB2_6-.Ltmp3, $4  }
0x2a7: {  	[hbm4b:s31+s6] =	stream.strided.scatter [tilespmem:s10], [sflag:$0x1], $0x1F400, s7, s6, $0x38;
	v63 =	vld [tilespmem:$0x0]  }
0x2a8: {  	_ =	swait.ge [sflag:s9], $0x1F400  }
0x2a9: {  	[sflag:s9] =	ssyncset.done $0x0  }
0x2aa: {  	[sflag:s9] =	ssyncadd.s32 $0xFFFE0C00  }
0x2ab: {  	v10 =	vld [tilespmem:$0x0];
	_ =	sdelay $0x4  }
0x2ac: {  	v10 =	vshll.u32 v10, $0x7  }
0x2ad: {  	v10 =	vor.u32 v0, v10;
	_ =	sdelay $0x4  }
0x2ae: {  	[tilespmem:v10+s10+$0x0] =	vst.idx.msk $0xffff, v1  }
0x2af: {  	v10 =	vld [tilespmem:$0x10];
	_ =	sdelay $0x4  }
0x2b0: {  	v10 =	vshll.u32 v10, $0x7  }
0x2b1: {  	v10 =	vor.u32 v3, v10;
	_ =	sdelay $0x4  }
0x2b2: {  	[tilespmem:v10+s10+$0x0] =	vst.idx.msk $0xffff, v1  }
0x2b3: {  	v10 =	vld [tilespmem:$0x20];
	_ =	sdelay $0x4  }
0x2b4: {  	v10 =	vshll.u32 v10, $0x7  }
0x2b5: {  	v10 =	vor.u32 v4, v10;
	_ =	sdelay $0x4  }
0x2b6: {  	[tilespmem:v10+s10+$0x0] =	vst.idx.msk $0xffff, v1  }
0x2b7: {  	v10 =	vld [tilespmem:$0x30];
	_ =	sdelay $0x4  }
0x2b8: {  	v10 =	vshll.u32 v10, $0x7  }
0x2b9: {  	v10 =	vor.u32 v5, v10;
	_ =	sdelay $0x4  }
0x2ba: {  	[tilespmem:v10+s10+$0x0] =	vst.idx.msk $0xffff, v1  }
0x2bb: {  	v10 =	vld [tilespmem:$0x40];
	_ =	sdelay $0x4  }
0x2bc: {  	v10 =	vshll.u32 v10, $0x7  }
0x2bd: {  	v10 =	vor.u32 v6, v10;
	_ =	sdelay $0x4  }
0x2be: {  	[tilespmem:v10+s10+$0x0] =	vst.idx.msk $0xffff, v1  }
0x2bf: {  	v10 =	vld [tilespmem:$0x50];
	_ =	sdelay $0x4  }
0x2c0: {  	v10 =	vshll.u32 v10, $0x7  }
0x2c1: {  	v10 =	vor.u32 v7, v10;
	_ =	sdelay $0x4  }
0x2c2: {  	[tilespmem:v10+s10+$0x0] =	vst.idx.msk $0xffff, v1  }
0x2c3: {  	v10 =	vld [tilespmem:$0x60];
	_ =	sdelay $0x4  }
0x2c4: {  	v10 =	vshll.u32 v10, $0x7  }
0x2c5: {  	v10 =	vor.u32 v8, v10;
	_ =	sdelay $0x4  }
0x2c6: {  	[tilespmem:v10+s10+$0x0] =	vst.idx.msk $0xffff, v1  }
0x2c7: {  	v10 =	vld [tilespmem:$0x70];
	_ =	sdelay $0x4  }
0x2c8: {  	v10 =	vshll.u32 v10, $0x7  }
0x2c9: {  	v10 =	vor.u32 v9, v10;
	_ =	sdelay $0x4  }
0x2ca: {  	[tilespmem:v10+s10+$0x0] =	vst.idx.msk $0xffff, v1  }
0x2cb: {  	v10 =	vld [tilespmem:$0x80];
	_ =	sdelay $0x4  }
0x2cc: {  	v10 =	vshll.u32 v10, $0x7  }
0x2cd: {  	v10 =	vor.u32 v0, v10;
	_ =	sdelay $0x4  }
0x2ce: {  	[tilespmem:v10+s10+$0x0] =	vst.idx.msk $0xffff, v1  }
0x2cf: {  	v10 =	vld [tilespmem:$0x90];
	_ =	sdelay $0x4  }
0x2d0: {  	v10 =	vshll.u32 v10, $0x7  }
0x2d1: {  	v10 =	vor.u32 v3, v10;
	_ =	sdelay $0x4  }
0x2d2: {  	[tilespmem:v10+s10+$0x0] =	vst.idx.msk $0xffff, v1  }
0x2d3: {  	v10 =	vld [tilespmem:$0xA0];
	_ =	sdelay $0x4  }
0x2d4: {  	v10 =	vshll.u32 v10, $0x7  }
0x2d5: {  	v10 =	vor.u32 v4, v10;
	_ =	sdelay $0x4  }
0x2d6: {  	[tilespmem:v10+s10+$0x0] =	vst.idx.msk $0xffff, v1  }
0x2d7: {  	v10 =	vld [tilespmem:$0xB0];
	_ =	sdelay $0x4  }
0x2d8: {  	v10 =	vshll.u32 v10, $0x7  }
0x2d9: {  	v10 =	vor.u32 v5, v10;
	_ =	sdelay $0x4  }
0x2da: {  	[tilespmem:v10+s10+$0x0] =	vst.idx.msk $0xffff, v1  }
0x2db: {  	v10 =	vld [tilespmem:$0xC0];
	_ =	sdelay $0x4  }
0x2dc: {  	v10 =	vshll.u32 v10, $0x7  }
0x2dd: {  	v10 =	vor.u32 v6, v10;
	_ =	sdelay $0x4  }
0x2de: {  	[tilespmem:v10+s10+$0x0] =	vst.idx.msk $0xffff, v1  }
0x2df: {  	v10 =	vld [tilespmem:$0xD0];
	_ =	sdelay $0x4  }
0x2e0: {  	v10 =	vshll.u32 v10, $0x7  }
0x2e1: {  	v10 =	vor.u32 v7, v10;
	_ =	sdelay $0x4  }
0x2e2: {  	[tilespmem:v10+s10+$0x0] =	vst.idx.msk $0xffff, v1  }
0x2e3: {  	v10 =	vld [tilespmem:$0xE0];
	_ =	sdelay $0x4  }
0x2e4: {  	v10 =	vshll.u32 v10, $0x7  }
0x2e5: {  	v10 =	vor.u32 v8, v10;
	_ =	sdelay $0x4  }
0x2e6: {  	[tilespmem:v10+s10+$0x0] =	vst.idx.msk $0xffff, v1  }
0x2e7: {  	v10 =	vld [tilespmem:$0xF0];
	_ =	sdelay $0x4  }
0x2e8: {  	v10 =	vshll.u32 v10, $0x7  }
0x2e9: {  	v10 =	vor.u32 v9, v10;
	_ =	sdelay $0x4  }
0x2ea: {  	[tilespmem:v10+s10+$0x0] =	vst.idx.msk $0xffff, v1  }
0x2eb: {  	v10 =	vld [tilespmem:$0x100];
	_ =	sdelay $0x4  }
0x2ec: {  	v10 =	vshll.u32 v10, $0x7  }
0x2ed: {  	v10 =	vor.u32 v0, v10;
	_ =	sdelay $0x4  }
0x2ee: {  	[tilespmem:v10+s10+$0x0] =	vst.idx.msk $0xffff, v1  }
0x2ef: {  	v10 =	vld [tilespmem:$0x110];
	_ =	sdelay $0x4  }
0x2f0: {  	v10 =	vshll.u32 v10, $0x7  }
0x2f1: {  	v10 =	vor.u32 v3, v10;
	_ =	sdelay $0x4  }
0x2f2: {  	[tilespmem:v10+s10+$0x0] =	vst.idx.msk $0xffff, v1  }
0x2f3: {  	v10 =	vld [tilespmem:$0x120];
	_ =	sdelay $0x4  }
0x2f4: {  	v10 =	vshll.u32 v10, $0x7  }
0x2f5: {  	v10 =	vor.u32 v4, v10;
	_ =	sdelay $0x4  }
0x2f6: {  	[tilespmem:v10+s10+$0x0] =	vst.idx.msk $0xffff, v1  }
0x2f7: {  	v10 =	vld [tilespmem:$0x130];
	_ =	sdelay $0x4  }
0x2f8: {  	v10 =	vshll.u32 v10, $0x7  }
0x2f9: {  	v10 =	vor.u32 v5, v10;
	_ =	sdelay $0x4  }
0x2fa: {  	[tilespmem:v10+s10+$0x0] =	vst.idx.msk $0xffff, v1  }
0x2fb: {  	v10 =	vld [tilespmem:$0x140];
	_ =	sdelay $0x4  }
0x2fc: {  	v10 =	vshll.u32 v10, $0x7  }
0x2fd: {  	v10 =	vor.u32 v6, v10;
	_ =	sdelay $0x4  }
0x2fe: {  	[tilespmem:v10+s10+$0x0] =	vst.idx.msk $0xffff, v1  }
0x2ff: {  	v10 =	vld [tilespmem:$0x150];
	_ =	sdelay $0x4  }
0x300: {  	v10 =	vshll.u32 v10, $0x7  }
0x301: {  	v10 =	vor.u32 v7, v10;
	_ =	sdelay $0x4  }
0x302: {  	[tilespmem:v10+s10+$0x0] =	vst.idx.msk $0xffff, v1  }
0x303: {  	v10 =	vld [tilespmem:$0x160];
	_ =	sdelay $0x4  }
0x304: {  	v10 =	vshll.u32 v10, $0x7  }
0x305: {  	v10 =	vor.u32 v8, v10;
	_ =	sdelay $0x4  }
0x306: {  	[tilespmem:v10+s10+$0x0] =	vst.idx.msk $0xffff, v1  }
0x307: {  	v10 =	vld [tilespmem:$0x170];
	_ =	sdelay $0x4  }
0x308: {  	v10 =	vshll.u32 v10, $0x7  }
0x309: {  	v10 =	vor.u32 v9, v10;
	_ =	sdelay $0x4  }
0x30a: {  	[tilespmem:v10+s10+$0x0] =	vst.idx.msk $0xffff, v1  }
0x30b: {  	v10 =	vld [tilespmem:$0x180];
	_ =	sdelay $0x4  }
0x30c: {  	v10 =	vshll.u32 v10, $0x7  }
0x30d: {  	v10 =	vor.u32 v0, v10;
	_ =	sdelay $0x4  }
0x30e: {  	[tilespmem:v10+s10+$0x0] =	vst.idx.msk $0xffff, v1  }
0x30f: {  	v10 =	vld [tilespmem:$0x190];
	_ =	sdelay $0x4  }
0x310: {  	v10 =	vshll.u32 v10, $0x7  }
0x311: {  	v10 =	vor.u32 v3, v10;
	_ =	sdelay $0x4  }
0x312: {  	[tilespmem:v10+s10+$0x0] =	vst.idx.msk $0xffff, v1  }
0x313: {  	v10 =	vld [tilespmem:$0x1A0];
	_ =	sdelay $0x4  }
0x314: {  	v10 =	vshll.u32 v10, $0x7  }
0x315: {  	v10 =	vor.u32 v4, v10;
	_ =	sdelay $0x4  }
0x316: {  	[tilespmem:v10+s10+$0x0] =	vst.idx.msk $0xffff, v1  }
0x317: {  	v10 =	vld [tilespmem:$0x1B0];
	_ =	sdelay $0x4  }
0x318: {  	v10 =	vshll.u32 v10, $0x7  }
0x319: {  	v10 =	vor.u32 v5, v10;
	_ =	sdelay $0x4  }
0x31a: {  	[tilespmem:v10+s10+$0x0] =	vst.idx.msk $0xffff, v1  }
0x31b: {  	v10 =	vld [tilespmem:$0x1C0];
	_ =	sdelay $0x4  }
0x31c: {  	v10 =	vshll.u32 v10, $0x7  }
0x31d: {  	v10 =	vor.u32 v6, v10;
	_ =	sdelay $0x4  }
0x31e: {  	[tilespmem:v10+s10+$0x0] =	vst.idx.msk $0xffff, v1  }
0x31f: {  	v10 =	vld [tilespmem:$0x1D0];
	_ =	sdelay $0x4  }
0x320: {  	v10 =	vshll.u32 v10, $0x7  }
0x321: {  	v10 =	vor.u32 v7, v10;
	_ =	sdelay $0x4  }
0x322: {  	[tilespmem:v10+s10+$0x0] =	vst.idx.msk $0xffff, v1  }
0x323: {  	v10 =	vld [tilespmem:$0x1E0];
	_ =	sdelay $0x4  }
0x324: {  	v10 =	vshll.u32 v10, $0x7  }
0x325: {  	v10 =	vor.u32 v8, v10;
	_ =	sdelay $0x4  }
0x326: {  	[tilespmem:v10+s10+$0x0] =	vst.idx.msk $0xffff, v1  }
0x327: {  	v10 =	vld [tilespmem:$0x1F0];
	_ =	sdelay $0x4  }
0x328: {  	v10 =	vshll.u32 v10, $0x7  }
0x329: {  	v10 =	vor.u32 v9, v10;
	_ =	sdelay $0x4  }
0x32a: {  	[tilespmem:v10+s10+$0x0] =	vst.idx.msk $0xffff, v1  }
0x32b: {  	v10 =	vld [tilespmem:$0x200];
	_ =	sdelay $0x4  }
0x32c: {  	v10 =	vshll.u32 v10, $0x7  }
0x32d: {  	v10 =	vor.u32 v0, v10;
	_ =	sdelay $0x4  }
0x32e: {  	[tilespmem:v10+s10+$0x0] =	vst.idx.msk $0xffff, v1  }
0x32f: {  	v10 =	vld [tilespmem:$0x210];
	_ =	sdelay $0x4  }
0x330: {  	v10 =	vshll.u32 v10, $0x7  }
0x331: {  	v10 =	vor.u32 v3, v10;
	_ =	sdelay $0x4  }
0x332: {  	[tilespmem:v10+s10+$0x0] =	vst.idx.msk $0xffff, v1  }
0x333: {  	v10 =	vld [tilespmem:$0x220];
	_ =	sdelay $0x4  }
0x334: {  	v10 =	vshll.u32 v10, $0x7  }
0x335: {  	v10 =	vor.u32 v4, v10;
	_ =	sdelay $0x4  }
0x336: {  	[tilespmem:v10+s10+$0x0] =	vst.idx.msk $0xffff, v1  }
0x337: {  	v10 =	vld [tilespmem:$0x230];
	_ =	sdelay $0x4  }
0x338: {  	v10 =	vshll.u32 v10, $0x7  }
0x339: {  	v10 =	vor.u32 v5, v10;
	_ =	sdelay $0x4  }
0x33a: {  	[tilespmem:v10+s10+$0x0] =	vst.idx.msk $0xffff, v1  }
0x33b: {  	v10 =	vld [tilespmem:$0x240];
	_ =	sdelay $0x4  }
0x33c: {  	v10 =	vshll.u32 v10, $0x7  }
0x33d: {  	v10 =	vor.u32 v6, v10;
	_ =	sdelay $0x4  }
0x33e: {  	[tilespmem:v10+s10+$0x0] =	vst.idx.msk $0xffff, v1  }
0x33f: {  	v10 =	vld [tilespmem:$0x250];
	_ =	sdelay $0x4  }
0x340: {  	v10 =	vshll.u32 v10, $0x7  }
0x341: {  	v10 =	vor.u32 v7, v10;
	_ =	sdelay $0x4  }
0x342: {  	[tilespmem:v10+s10+$0x0] =	vst.idx.msk $0xffff, v1  }
0x343: {  	v10 =	vld [tilespmem:$0x260];
	_ =	sdelay $0x4  }
0x344: {  	v10 =	vshll.u32 v10, $0x7  }
0x345: {  	v10 =	vor.u32 v8, v10;
	_ =	sdelay $0x4  }
0x346: {  	[tilespmem:v10+s10+$0x0] =	vst.idx.msk $0xffff, v1  }
0x347: {  	v10 =	vld [tilespmem:$0x270];
	_ =	sdelay $0x4  }
0x348: {  	v10 =	vshll.u32 v10, $0x7  }
0x349: {  	v10 =	vor.u32 v9, v10;
	_ =	sdelay $0x4  }
0x34a: {  	[tilespmem:v10+s10+$0x0] =	vst.idx.msk $0xffff, v1  }
0x34b: {  	v10 =	vld [tilespmem:$0x280];
	_ =	sdelay $0x4  }
0x34c: {  	v10 =	vshll.u32 v10, $0x7  }
0x34d: {  	v10 =	vor.u32 v0, v10;
	_ =	sdelay $0x4  }
0x34e: {  	[tilespmem:v10+s10+$0x0] =	vst.idx.msk $0xffff, v1  }
0x34f: {  	v10 =	vld [tilespmem:$0x290];
	_ =	sdelay $0x4  }
0x350: {  	v10 =	vshll.u32 v10, $0x7  }
0x351: {  	v10 =	vor.u32 v3, v10;
	_ =	sdelay $0x4  }
0x352: {  	[tilespmem:v10+s10+$0x0] =	vst.idx.msk $0xffff, v1  }
0x353: {  	v10 =	vld [tilespmem:$0x2A0];
	_ =	sdelay $0x4  }
0x354: {  	v10 =	vshll.u32 v10, $0x7  }
0x355: {  	v10 =	vor.u32 v4, v10;
	_ =	sdelay $0x4  }
0x356: {  	[tilespmem:v10+s10+$0x0] =	vst.idx.msk $0xffff, v1  }
0x357: {  	v10 =	vld [tilespmem:$0x2B0];
	_ =	sdelay $0x4  }
0x358: {  	v10 =	vshll.u32 v10, $0x7  }
0x359: {  	v10 =	vor.u32 v5, v10;
	_ =	sdelay $0x4  }
0x35a: {  	[tilespmem:v10+s10+$0x0] =	vst.idx.msk $0xffff, v1  }
0x35b: {  	v10 =	vld [tilespmem:$0x2C0];
	_ =	sdelay $0x4  }
0x35c: {  	v10 =	vshll.u32 v10, $0x7  }
0x35d: {  	v10 =	vor.u32 v6, v10;
	_ =	sdelay $0x4  }
0x35e: {  	[tilespmem:v10+s10+$0x0] =	vst.idx.msk $0xffff, v1  }
0x35f: {  	v10 =	vld [tilespmem:$0x2D0];
	_ =	sdelay $0x4  }
0x360: {  	v10 =	vshll.u32 v10, $0x7  }
0x361: {  	v10 =	vor.u32 v7, v10;
	_ =	sdelay $0x4  }
0x362: {  	[tilespmem:v10+s10+$0x0] =	vst.idx.msk $0xffff, v1  }
0x363: {  	v10 =	vld [tilespmem:$0x2E0];
	_ =	sdelay $0x4  }
0x364: {  	v10 =	vshll.u32 v10, $0x7  }
0x365: {  	v10 =	vor.u32 v8, v10;
	_ =	sdelay $0x4  }
0x366: {  	[tilespmem:v10+s10+$0x0] =	vst.idx.msk $0xffff, v1  }
0x367: {  	v10 =	vld [tilespmem:$0x2F0];
	_ =	sdelay $0x4  }
0x368: {  	v10 =	vshll.u32 v10, $0x7  }
0x369: {  	v10 =	vor.u32 v9, v10;
	_ =	sdelay $0x4  }
0x36a: {  	[tilespmem:v10+s10+$0x0] =	vst.idx.msk $0xffff, v1  }
0x36b: {  	v10 =	vld [tilespmem:$0x300];
	_ =	sdelay $0x4  }
0x36c: {  	v10 =	vshll.u32 v10, $0x7  }
0x36d: {  	v10 =	vor.u32 v0, v10;
	_ =	sdelay $0x4  }
0x36e: {  	[tilespmem:v10+s10+$0x0] =	vst.idx.msk $0xffff, v1  }
0x36f: {  	v10 =	vld [tilespmem:$0x310];
	_ =	sdelay $0x4  }
0x370: {  	v10 =	vshll.u32 v10, $0x7  }
0x371: {  	v10 =	vor.u32 v3, v10;
	_ =	sdelay $0x4  }
0x372: {  	[tilespmem:v10+s10+$0x0] =	vst.idx.msk $0xffff, v1  }
0x373: {  	v10 =	vld [tilespmem:$0x320];
	_ =	sdelay $0x4  }
0x374: {  	v10 =	vshll.u32 v10, $0x7  }
0x375: {  	v10 =	vor.u32 v4, v10;
	_ =	sdelay $0x4  }
0x376: {  	[tilespmem:v10+s10+$0x0] =	vst.idx.msk $0xffff, v1  }
0x377: {  	v10 =	vld [tilespmem:$0x330];
	_ =	sdelay $0x4  }
0x378: {  	v10 =	vshll.u32 v10, $0x7  }
0x379: {  	v10 =	vor.u32 v5, v10;
	_ =	sdelay $0x4  }
0x37a: {  	[tilespmem:v10+s10+$0x0] =	vst.idx.msk $0xffff, v1  }
0x37b: {  	v10 =	vld [tilespmem:$0x340];
	_ =	sdelay $0x4  }
0x37c: {  	v10 =	vshll.u32 v10, $0x7  }
0x37d: {  	v10 =	vor.u32 v6, v10;
	_ =	sdelay $0x4  }
0x37e: {  	[tilespmem:v10+s10+$0x0] =	vst.idx.msk $0xffff, v1  }
0x37f: {  	v10 =	vld [tilespmem:$0x350];
	_ =	sdelay $0x4  }
0x380: {  	v10 =	vshll.u32 v10, $0x7  }
0x381: {  	v10 =	vor.u32 v7, v10;
	_ =	sdelay $0x4  }
0x382: {  	[tilespmem:v10+s10+$0x0] =	vst.idx.msk $0xffff, v1  }
0x383: {  	v10 =	vld [tilespmem:$0x360];
	_ =	sdelay $0x4  }
0x384: {  	v10 =	vshll.u32 v10, $0x7  }
0x385: {  	v10 =	vor.u32 v8, v10;
	_ =	sdelay $0x4  }
0x386: {  	[tilespmem:v10+s10+$0x0] =	vst.idx.msk $0xffff, v1  }
0x387: {  	v10 =	vld [tilespmem:$0x370];
	_ =	sdelay $0x4  }
0x388: {  	v10 =	vshll.u32 v10, $0x7  }
0x389: {  	v10 =	vor.u32 v9, v10;
	_ =	sdelay $0x4  }
0x38a: {  	[tilespmem:v10+s10+$0x0] =	vst.idx.msk $0xffff, v1  }
0x38b: {  	v10 =	vld [tilespmem:$0x380];
	_ =	sdelay $0x4  }
0x38c: {  	v10 =	vshll.u32 v10, $0x7  }
0x38d: {  	v10 =	vor.u32 v0, v10;
	_ =	sdelay $0x4  }
0x38e: {  	[tilespmem:v10+s10+$0x0] =	vst.idx.msk $0xffff, v1  }
0x38f: {  	v10 =	vld [tilespmem:$0x390];
	_ =	sdelay $0x4  }
0x390: {  	v10 =	vshll.u32 v10, $0x7  }
0x391: {  	v10 =	vor.u32 v3, v10;
	_ =	sdelay $0x4  }
0x392: {  	[tilespmem:v10+s10+$0x0] =	vst.idx.msk $0xffff, v1  }
0x393: {  	v10 =	vld [tilespmem:$0x3A0];
	_ =	sdelay $0x4  }
0x394: {  	v10 =	vshll.u32 v10, $0x7  }
0x395: {  	v10 =	vor.u32 v4, v10;
	_ =	sdelay $0x4  }
0x396: {  	[tilespmem:v10+s10+$0x0] =	vst.idx.msk $0xffff, v1  }
0x397: {  	v10 =	vld [tilespmem:$0x3B0];
	_ =	sdelay $0x4  }
0x398: {  	v10 =	vshll.u32 v10, $0x7  }
0x399: {  	v10 =	vor.u32 v5, v10;
	_ =	sdelay $0x4  }
0x39a: {  	[tilespmem:v10+s10+$0x0] =	vst.idx.msk $0xffff, v1  }
0x39b: {  	v10 =	vld [tilespmem:$0x3C0];
	_ =	sdelay $0x4  }
0x39c: {  	v10 =	vshll.u32 v10, $0x7  }
0x39d: {  	v10 =	vor.u32 v6, v10;
	_ =	sdelay $0x4  }
0x39e: {  	[tilespmem:v10+s10+$0x0] =	vst.idx.msk $0xffff, v1  }
0x39f: {  	v10 =	vld [tilespmem:$0x3D0];
	_ =	sdelay $0x4  }
0x3a0: {  	v10 =	vshll.u32 v10, $0x7  }
0x3a1: {  	v10 =	vor.u32 v7, v10;
	_ =	sdelay $0x4  }
0x3a2: {  	[tilespmem:v10+s10+$0x0] =	vst.idx.msk $0xffff, v1  }
0x3a3: {  	v10 =	vld [tilespmem:$0x3E0];
	_ =	sdelay $0x4  }
0x3a4: {  	v10 =	vshll.u32 v10, $0x7  }
0x3a5: {  	v10 =	vor.u32 v8, v10;
	_ =	sdelay $0x4  }
0x3a6: {  	[tilespmem:v10+s10+$0x0] =	vst.idx.msk $0xffff, v1  }
0x3a7: {  	v10 =	vld [tilespmem:$0x3F0];
	_ =	sdelay $0x4  }
0x3a8: {  	v10 =	vshll.u32 v10, $0x7  }
0x3a9: {  	v10 =	vor.u32 v9, v10;
	_ =	sdelay $0x4  }
0x3aa: {  	[tilespmem:v10+s10+$0x0] =	vst.idx.msk $0xffff, v1  }
0x3ab: {  	v10 =	vld [tilespmem:$0x400];
	_ =	sdelay $0x4  }
0x3ac: {  	v10 =	vshll.u32 v10, $0x7  }
0x3ad: {  	v10 =	vor.u32 v0, v10;
	_ =	sdelay $0x4  }
0x3ae: {  	[tilespmem:v10+s10+$0x0] =	vst.idx.msk $0xffff, v1  }
0x3af: {  	v10 =	vld [tilespmem:$0x410];
	_ =	sdelay $0x4  }
0x3b0: {  	v10 =	vshll.u32 v10, $0x7  }
0x3b1: {  	v10 =	vor.u32 v3, v10;
	_ =	sdelay $0x4  }
0x3b2: {  	[tilespmem:v10+s10+$0x0] =	vst.idx.msk $0xffff, v1  }
0x3b3: {  	v10 =	vld [tilespmem:$0x420];
	_ =	sdelay $0x4  }
0x3b4: {  	v10 =	vshll.u32 v10, $0x7  }
0x3b5: {  	v10 =	vor.u32 v4, v10;
	_ =	sdelay $0x4  }
0x3b6: {  	[tilespmem:v10+s10+$0x0] =	vst.idx.msk $0xffff, v1  }
0x3b7: {  	v10 =	vld [tilespmem:$0x430];
	_ =	sdelay $0x4  }
0x3b8: {  	v10 =	vshll.u32 v10, $0x7  }
0x3b9: {  	v10 =	vor.u32 v5, v10;
	_ =	sdelay $0x4  }
0x3ba: {  	[tilespmem:v10+s10+$0x0] =	vst.idx.msk $0xffff, v1  }
0x3bb: {  	v10 =	vld [tilespmem:$0x440];
	_ =	sdelay $0x4  }
0x3bc: {  	v10 =	vshll.u32 v10, $0x7  }
0x3bd: {  	v10 =	vor.u32 v6, v10;
	_ =	sdelay $0x4  }
0x3be: {  	[tilespmem:v10+s10+$0x0] =	vst.idx.msk $0xffff, v1  }
0x3bf: {  	v10 =	vld [tilespmem:$0x450];
	_ =	sdelay $0x4  }
0x3c0: {  	v10 =	vshll.u32 v10, $0x7  }
0x3c1: {  	v10 =	vor.u32 v7, v10;
	_ =	sdelay $0x4  }
0x3c2: {  	[tilespmem:v10+s10+$0x0] =	vst.idx.msk $0xffff, v1  }
0x3c3: {  	v10 =	vld [tilespmem:$0x460];
	_ =	sdelay $0x4  }
0x3c4: {  	v10 =	vshll.u32 v10, $0x7  }
0x3c5: {  	v10 =	vor.u32 v8, v10;
	_ =	sdelay $0x4  }
0x3c6: {  	[tilespmem:v10+s10+$0x0] =	vst.idx.msk $0xffff, v1  }
0x3c7: {  	v10 =	vld [tilespmem:$0x470];
	_ =	sdelay $0x4  }
0x3c8: {  	v10 =	vshll.u32 v10, $0x7  }
0x3c9: {  	v10 =	vor.u32 v9, v10;
	_ =	sdelay $0x4  }
0x3ca: {  	[tilespmem:v10+s10+$0x0] =	vst.idx.msk $0xffff, v1  }
0x3cb: {  	v10 =	vld [tilespmem:$0x480];
	_ =	sdelay $0x4  }
0x3cc: {  	v10 =	vshll.u32 v10, $0x7  }
0x3cd: {  	v10 =	vor.u32 v0, v10;
	_ =	sdelay $0x4  }
0x3ce: {  	[tilespmem:v10+s10+$0x0] =	vst.idx.msk $0xffff, v1  }
0x3cf: {  	v10 =	vld [tilespmem:$0x490];
	_ =	sdelay $0x4  }
0x3d0: {  	v10 =	vshll.u32 v10, $0x7  }
0x3d1: {  	v10 =	vor.u32 v3, v10;
	_ =	sdelay $0x4  }
0x3d2: {  	[tilespmem:v10+s10+$0x0] =	vst.idx.msk $0xffff, v1  }
0x3d3: {  	v10 =	vld [tilespmem:$0x4A0];
	_ =	sdelay $0x4  }
0x3d4: {  	v10 =	vshll.u32 v10, $0x7  }
0x3d5: {  	v10 =	vor.u32 v4, v10;
	_ =	sdelay $0x4  }
0x3d6: {  	[tilespmem:v10+s10+$0x0] =	vst.idx.msk $0xffff, v1  }
0x3d7: {  	v10 =	vld [tilespmem:$0x4B0];
	_ =	sdelay $0x4  }
0x3d8: {  	v10 =	vshll.u32 v10, $0x7  }
0x3d9: {  	v10 =	vor.u32 v5, v10;
	_ =	sdelay $0x4  }
0x3da: {  	[tilespmem:v10+s10+$0x0] =	vst.idx.msk $0xffff, v1  }
0x3db: {  	v10 =	vld [tilespmem:$0x4C0];
	_ =	sdelay $0x4  }
0x3dc: {  	v10 =	vshll.u32 v10, $0x7  }
0x3dd: {  	v10 =	vor.u32 v6, v10;
	_ =	sdelay $0x4  }
0x3de: {  	[tilespmem:v10+s10+$0x0] =	vst.idx.msk $0xffff, v1  }
0x3df: {  	v10 =	vld [tilespmem:$0x4D0];
	_ =	sdelay $0x4  }
0x3e0: {  	v10 =	vshll.u32 v10, $0x7  }
0x3e1: {  	v10 =	vor.u32 v7, v10;
	_ =	sdelay $0x4  }
0x3e2: {  	[tilespmem:v10+s10+$0x0] =	vst.idx.msk $0xffff, v1  }
0x3e3: {  	v10 =	vld [tilespmem:$0x4E0];
	_ =	sdelay $0x4  }
0x3e4: {  	v10 =	vshll.u32 v10, $0x7  }
0x3e5: {  	v10 =	vor.u32 v8, v10;
	_ =	sdelay $0x4  }
0x3e6: {  	[tilespmem:v10+s10+$0x0] =	vst.idx.msk $0xffff, v1  }
0x3e7: {  	v10 =	vld [tilespmem:$0x4F0];
	_ =	sdelay $0x4  }
0x3e8: {  	v10 =	vshll.u32 v10, $0x7  }
0x3e9: {  	v10 =	vor.u32 v9, v10;
	_ =	sdelay $0x4  }
0x3ea: {  	[tilespmem:v10+s10+$0x0] =	vst.idx.msk $0xffff, v1  }
0x3eb: {  	v10 =	vld [tilespmem:$0x500];
	_ =	sdelay $0x4  }
0x3ec: {  	v10 =	vshll.u32 v10, $0x7  }
0x3ed: {  	v10 =	vor.u32 v0, v10;
	_ =	sdelay $0x4  }
0x3ee: {  	[tilespmem:v10+s10+$0x0] =	vst.idx.msk $0xffff, v1  }
0x3ef: {  	v10 =	vld [tilespmem:$0x510];
	_ =	sdelay $0x4  }
0x3f0: {  	v10 =	vshll.u32 v10, $0x7  }
0x3f1: {  	v10 =	vor.u32 v3, v10;
	_ =	sdelay $0x4  }
0x3f2: {  	[tilespmem:v10+s10+$0x0] =	vst.idx.msk $0xffff, v1  }
0x3f3: {  	v10 =	vld [tilespmem:$0x520];
	_ =	sdelay $0x4  }
0x3f4: {  	v10 =	vshll.u32 v10, $0x7  }
0x3f5: {  	v10 =	vor.u32 v4, v10;
	_ =	sdelay $0x4  }
0x3f6: {  	[tilespmem:v10+s10+$0x0] =	vst.idx.msk $0xffff, v1  }
0x3f7: {  	v10 =	vld [tilespmem:$0x530];
	_ =	sdelay $0x4  }
0x3f8: {  	v10 =	vshll.u32 v10, $0x7  }
0x3f9: {  	v10 =	vor.u32 v5, v10;
	_ =	sdelay $0x4  }
0x3fa: {  	[tilespmem:v10+s10+$0x0] =	vst.idx.msk $0xffff, v1  }
0x3fb: {  	v10 =	vld [tilespmem:$0x540];
	_ =	sdelay $0x4  }
0x3fc: {  	v10 =	vshll.u32 v10, $0x7  }
0x3fd: {  	v10 =	vor.u32 v6, v10;
	_ =	sdelay $0x4  }
0x3fe: {  	[tilespmem:v10+s10+$0x0] =	vst.idx.msk $0xffff, v1  }
0x3ff: {  	v10 =	vld [tilespmem:$0x550];
	_ =	sdelay $0x4  }
0x400: {  	v10 =	vshll.u32 v10, $0x7  }
0x401: {  	v10 =	vor.u32 v7, v10;
	_ =	sdelay $0x4  }
0x402: {  	[tilespmem:v10+s10+$0x0] =	vst.idx.msk $0xffff, v1  }
0x403: {  	v10 =	vld [tilespmem:$0x560];
	_ =	sdelay $0x4  }
0x404: {  	v10 =	vshll.u32 v10, $0x7  }
0x405: {  	v10 =	vor.u32 v8, v10;
	_ =	sdelay $0x4  }
0x406: {  	[tilespmem:v10+s10+$0x0] =	vst.idx.msk $0xffff, v1  }
0x407: {  	v10 =	vld [tilespmem:$0x570];
	_ =	sdelay $0x4  }
0x408: {  	v10 =	vshll.u32 v10, $0x7  }
0x409: {  	v10 =	vor.u32 v9, v10;
	_ =	sdelay $0x4  }
0x40a: {  	[tilespmem:v10+s10+$0x0] =	vst.idx.msk $0xffff, v1  }
0x40b: {  	v10 =	vld [tilespmem:$0x580];
	_ =	sdelay $0x4  }
0x40c: {  	v10 =	vshll.u32 v10, $0x7  }
0x40d: {  	v10 =	vor.u32 v0, v10;
	_ =	sdelay $0x4  }
0x40e: {  	[tilespmem:v10+s10+$0x0] =	vst.idx.msk $0xffff, v1  }
0x40f: {  	v10 =	vld [tilespmem:$0x590];
	_ =	sdelay $0x4  }
0x410: {  	v10 =	vshll.u32 v10, $0x7  }
0x411: {  	v10 =	vor.u32 v3, v10;
	_ =	sdelay $0x4  }
0x412: {  	[tilespmem:v10+s10+$0x0] =	vst.idx.msk $0xffff, v1  }
0x413: {  	v10 =	vld [tilespmem:$0x5A0];
	_ =	sdelay $0x4  }
0x414: {  	v10 =	vshll.u32 v10, $0x7  }
0x415: {  	v10 =	vor.u32 v4, v10;
	_ =	sdelay $0x4  }
0x416: {  	[tilespmem:v10+s10+$0x0] =	vst.idx.msk $0xffff, v1  }
0x417: {  	v10 =	vld [tilespmem:$0x5B0];
	_ =	sdelay $0x4  }
0x418: {  	v10 =	vshll.u32 v10, $0x7  }
0x419: {  	v10 =	vor.u32 v5, v10;
	_ =	sdelay $0x4  }
0x41a: {  	[tilespmem:v10+s10+$0x0] =	vst.idx.msk $0xffff, v1  }
0x41b: {  	v10 =	vld [tilespmem:$0x5C0];
	_ =	sdelay $0x4  }
0x41c: {  	v10 =	vshll.u32 v10, $0x7  }
0x41d: {  	v10 =	vor.u32 v6, v10;
	_ =	sdelay $0x4  }
0x41e: {  	[tilespmem:v10+s10+$0x0] =	vst.idx.msk $0xffff, v1  }
0x41f: {  	v10 =	vld [tilespmem:$0x5D0];
	_ =	sdelay $0x4  }
0x420: {  	v10 =	vshll.u32 v10, $0x7  }
0x421: {  	v10 =	vor.u32 v7, v10;
	_ =	sdelay $0x4  }
0x422: {  	[tilespmem:v10+s10+$0x0] =	vst.idx.msk $0xffff, v1  }
0x423: {  	v10 =	vld [tilespmem:$0x5E0];
	_ =	sdelay $0x4  }
0x424: {  	v10 =	vshll.u32 v10, $0x7  }
0x425: {  	v10 =	vor.u32 v8, v10;
	_ =	sdelay $0x4  }
0x426: {  	[tilespmem:v10+s10+$0x0] =	vst.idx.msk $0xffff, v1  }
0x427: {  	v10 =	vld [tilespmem:$0x5F0];
	_ =	sdelay $0x4  }
0x428: {  	v10 =	vshll.u32 v10, $0x7  }
0x429: {  	v10 =	vor.u32 v9, v10;
	_ =	sdelay $0x4  }
0x42a: {  	[tilespmem:v10+s10+$0x0] =	vst.idx.msk $0xffff, v1  }
0x42b: {  	v10 =	vld [tilespmem:$0x600];
	_ =	sdelay $0x4  }
0x42c: {  	v10 =	vshll.u32 v10, $0x7  }
0x42d: {  	v10 =	vor.u32 v0, v10;
	_ =	sdelay $0x4  }
0x42e: {  	[tilespmem:v10+s10+$0x0] =	vst.idx.msk $0xffff, v1  }
0x42f: {  	v10 =	vld [tilespmem:$0x610];
	_ =	sdelay $0x4  }
0x430: {  	v10 =	vshll.u32 v10, $0x7  }
0x431: {  	v10 =	vor.u32 v3, v10;
	_ =	sdelay $0x4  }
0x432: {  	[tilespmem:v10+s10+$0x0] =	vst.idx.msk $0xffff, v1  }
0x433: {  	v10 =	vld [tilespmem:$0x620];
	_ =	sdelay $0x4  }
0x434: {  	v10 =	vshll.u32 v10, $0x7  }
0x435: {  	v10 =	vor.u32 v4, v10;
	_ =	sdelay $0x4  }
0x436: {  	[tilespmem:v10+s10+$0x0] =	vst.idx.msk $0xffff, v1  }
0x437: {  	v10 =	vld [tilespmem:$0x630];
	_ =	sdelay $0x4  }
0x438: {  	v10 =	vshll.u32 v10, $0x7  }
0x439: {  	v10 =	vor.u32 v5, v10;
	_ =	sdelay $0x4  }
0x43a: {  	[tilespmem:v10+s10+$0x0] =	vst.idx.msk $0xffff, v1  }
0x43b: {  	v10 =	vld [tilespmem:$0x640];
	_ =	sdelay $0x4  }
0x43c: {  	v10 =	vshll.u32 v10, $0x7  }
0x43d: {  	v10 =	vor.u32 v6, v10;
	_ =	sdelay $0x4  }
0x43e: {  	[tilespmem:v10+s10+$0x0] =	vst.idx.msk $0xffff, v1  }
0x43f: {  	v10 =	vld [tilespmem:$0x650];
	_ =	sdelay $0x4  }
0x440: {  	v10 =	vshll.u32 v10, $0x7  }
0x441: {  	v10 =	vor.u32 v7, v10;
	_ =	sdelay $0x4  }
0x442: {  	[tilespmem:v10+s10+$0x0] =	vst.idx.msk $0xffff, v1  }
0x443: {  	v10 =	vld [tilespmem:$0x660];
	_ =	sdelay $0x4  }
0x444: {  	v10 =	vshll.u32 v10, $0x7  }
0x445: {  	v10 =	vor.u32 v8, v10;
	_ =	sdelay $0x4  }
0x446: {  	[tilespmem:v10+s10+$0x0] =	vst.idx.msk $0xffff, v1  }
0x447: {  	v10 =	vld [tilespmem:$0x670];
	_ =	sdelay $0x4  }
0x448: {  	v10 =	vshll.u32 v10, $0x7  }
0x449: {  	v10 =	vor.u32 v9, v10;
	_ =	sdelay $0x4  }
0x44a: {  	[tilespmem:v10+s10+$0x0] =	vst.idx.msk $0xffff, v1  }
0x44b: {  	v10 =	vld [tilespmem:$0x680];
	_ =	sdelay $0x4  }
0x44c: {  	v10 =	vshll.u32 v10, $0x7  }
0x44d: {  	v10 =	vor.u32 v0, v10;
	_ =	sdelay $0x4  }
0x44e: {  	[tilespmem:v10+s10+$0x0] =	vst.idx.msk $0xffff, v1  }
0x44f: {  	v10 =	vld [tilespmem:$0x690];
	_ =	sdelay $0x4  }
0x450: {  	v10 =	vshll.u32 v10, $0x7  }
0x451: {  	v10 =	vor.u32 v3, v10;
	_ =	sdelay $0x4  }
0x452: {  	[tilespmem:v10+s10+$0x0] =	vst.idx.msk $0xffff, v1  }
0x453: {  	v10 =	vld [tilespmem:$0x6A0];
	_ =	sdelay $0x4  }
0x454: {  	v10 =	vshll.u32 v10, $0x7  }
0x455: {  	v10 =	vor.u32 v4, v10;
	_ =	sdelay $0x4  }
0x456: {  	[tilespmem:v10+s10+$0x0] =	vst.idx.msk $0xffff, v1  }
0x457: {  	v10 =	vld [tilespmem:$0x6B0];
	_ =	sdelay $0x4  }
0x458: {  	v10 =	vshll.u32 v10, $0x7  }
0x459: {  	v10 =	vor.u32 v5, v10;
	_ =	sdelay $0x4  }
0x45a: {  	[tilespmem:v10+s10+$0x0] =	vst.idx.msk $0xffff, v1  }
0x45b: {  	v10 =	vld [tilespmem:$0x6C0];
	_ =	sdelay $0x4  }
0x45c: {  	v10 =	vshll.u32 v10, $0x7  }
0x45d: {  	v10 =	vor.u32 v6, v10;
	_ =	sdelay $0x4  }
0x45e: {  	[tilespmem:v10+s10+$0x0] =	vst.idx.msk $0xffff, v1  }
0x45f: {  	v10 =	vld [tilespmem:$0x6D0];
	_ =	sdelay $0x4  }
0x460: {  	v10 =	vshll.u32 v10, $0x7  }
0x461: {  	v10 =	vor.u32 v7, v10;
	_ =	sdelay $0x4  }
0x462: {  	[tilespmem:v10+s10+$0x0] =	vst.idx.msk $0xffff, v1  }
0x463: {  	v10 =	vld [tilespmem:$0x6E0];
	_ =	sdelay $0x4  }
0x464: {  	v10 =	vshll.u32 v10, $0x7  }
0x465: {  	v10 =	vor.u32 v8, v10;
	_ =	sdelay $0x4  }
0x466: {  	[tilespmem:v10+s10+$0x0] =	vst.idx.msk $0xffff, v1  }
0x467: {  	v10 =	vld [tilespmem:$0x6F0];
	_ =	sdelay $0x4  }
0x468: {  	v10 =	vshll.u32 v10, $0x7  }
0x469: {  	v10 =	vor.u32 v9, v10;
	_ =	sdelay $0x4  }
0x46a: {  	[tilespmem:v10+s10+$0x0] =	vst.idx.msk $0xffff, v1  }
0x46b: {  	v10 =	vld [tilespmem:$0x700];
	_ =	sdelay $0x4  }
0x46c: {  	v10 =	vshll.u32 v10, $0x7  }
0x46d: {  	v10 =	vor.u32 v0, v10;
	_ =	sdelay $0x4  }
0x46e: {  	[tilespmem:v10+s10+$0x0] =	vst.idx.msk $0xffff, v1  }
0x46f: {  	v10 =	vld [tilespmem:$0x710];
	_ =	sdelay $0x4  }
0x470: {  	v10 =	vshll.u32 v10, $0x7  }
0x471: {  	v10 =	vor.u32 v3, v10;
	_ =	sdelay $0x4  }
0x472: {  	[tilespmem:v10+s10+$0x0] =	vst.idx.msk $0xffff, v1  }
0x473: {  	v10 =	vld [tilespmem:$0x720];
	_ =	sdelay $0x4  }
0x474: {  	v10 =	vshll.u32 v10, $0x7  }
0x475: {  	v10 =	vor.u32 v4, v10;
	_ =	sdelay $0x4  }
0x476: {  	[tilespmem:v10+s10+$0x0] =	vst.idx.msk $0xffff, v1  }
0x477: {  	v10 =	vld [tilespmem:$0x730];
	_ =	sdelay $0x4  }
0x478: {  	v10 =	vshll.u32 v10, $0x7  }
0x479: {  	v10 =	vor.u32 v5, v10;
	_ =	sdelay $0x4  }
0x47a: {  	[tilespmem:v10+s10+$0x0] =	vst.idx.msk $0xffff, v1  }
0x47b: {  	v10 =	vld [tilespmem:$0x740];
	_ =	sdelay $0x4  }
0x47c: {  	v10 =	vshll.u32 v10, $0x7  }
0x47d: {  	v10 =	vor.u32 v6, v10;
	_ =	sdelay $0x4  }
0x47e: {  	[tilespmem:v10+s10+$0x0] =	vst.idx.msk $0xffff, v1  }
0x47f: {  	v10 =	vld [tilespmem:$0x750];
	_ =	sdelay $0x4  }
0x480: {  	v10 =	vshll.u32 v10, $0x7  }
0x481: {  	v10 =	vor.u32 v7, v10;
	_ =	sdelay $0x4  }
0x482: {  	[tilespmem:v10+s10+$0x0] =	vst.idx.msk $0xffff, v1  }
0x483: {  	v10 =	vld [tilespmem:$0x760];
	_ =	sdelay $0x4  }
0x484: {  	v10 =	vshll.u32 v10, $0x7  }
0x485: {  	v10 =	vor.u32 v8, v10;
	_ =	sdelay $0x4  }
0x486: {  	[tilespmem:v10+s10+$0x0] =	vst.idx.msk $0xffff, v1  }
0x487: {  	v10 =	vld [tilespmem:$0x770];
	_ =	sdelay $0x4  }
0x488: {  	v10 =	vshll.u32 v10, $0x7  }
0x489: {  	v10 =	vor.u32 v9, v10;
	_ =	sdelay $0x4  }
0x48a: {  	[tilespmem:v10+s10+$0x0] =	vst.idx.msk $0xffff, v1  }
0x48b: {  	v10 =	vld [tilespmem:$0x780];
	_ =	sdelay $0x4  }
0x48c: {  	v10 =	vshll.u32 v10, $0x7  }
0x48d: {  	v10 =	vor.u32 v0, v10;
	_ =	sdelay $0x4  }
0x48e: {  	[tilespmem:v10+s10+$0x0] =	vst.idx.msk $0xffff, v1  }
0x48f: {  	v10 =	vld [tilespmem:$0x790];
	_ =	sdelay $0x4  }
0x490: {  	v10 =	vshll.u32 v10, $0x7  }
0x491: {  	v10 =	vor.u32 v3, v10;
	_ =	sdelay $0x4  }
0x492: {  	[tilespmem:v10+s10+$0x0] =	vst.idx.msk $0xffff, v1  }
0x493: {  	v10 =	vld [tilespmem:$0x7A0];
	_ =	sdelay $0x4  }
0x494: {  	v10 =	vshll.u32 v10, $0x7  }
0x495: {  	v10 =	vor.u32 v4, v10;
	_ =	sdelay $0x4  }
0x496: {  	[tilespmem:v10+s10+$0x0] =	vst.idx.msk $0xffff, v1  }
0x497: {  	v10 =	vld [tilespmem:$0x7B0];
	_ =	sdelay $0x4  }
0x498: {  	v10 =	vshll.u32 v10, $0x7  }
0x499: {  	v10 =	vor.u32 v5, v10;
	_ =	sdelay $0x4  }
0x49a: {  	[tilespmem:v10+s10+$0x0] =	vst.idx.msk $0xffff, v1  }
0x49b: {  	v10 =	vld [tilespmem:$0x7C0];
	_ =	sdelay $0x4  }
0x49c: {  	v10 =	vshll.u32 v10, $0x7  }
0x49d: {  	v10 =	vor.u32 v6, v10;
	_ =	sdelay $0x4  }
0x49e: {  	[tilespmem:v10+s10+$0x0] =	vst.idx.msk $0xffff, v1  }
0x49f: {  	v10 =	vld [tilespmem:$0x7D0];
	_ =	sdelay $0x4  }
0x4a0: {  	v10 =	vshll.u32 v10, $0x7  }
0x4a1: {  	v10 =	vor.u32 v7, v10;
	_ =	sdelay $0x4  }
0x4a2: {  	[tilespmem:v10+s10+$0x0] =	vst.idx.msk $0xffff, v1  }
0x4a3: {  	v10 =	vld [tilespmem:$0x7E0];
	_ =	sdelay $0x4  }
0x4a4: {  	v10 =	vshll.u32 v10, $0x7  }
0x4a5: {  	v10 =	vor.u32 v8, v10;
	_ =	sdelay $0x4  }
0x4a6: {  	[tilespmem:v10+s10+$0x0] =	vst.idx.msk $0xffff, v1  }
0x4a7: {  	v10 =	vld [tilespmem:$0x7F0];
	_ =	sdelay $0x4  }
0x4a8: {  	v10 =	vshll.u32 v10, $0x7  }
0x4a9: {  	v10 =	vor.u32 v9, v10;
	_ =	sdelay $0x4  }
0x4aa: {  	[tilespmem:v10+s10+$0x0] =	vst.idx.msk $0xffff, v1  }
0x4ab: {  	v10 =	vld [tilespmem:$0x800];
	_ =	sdelay $0x4  }
0x4ac: {  	v10 =	vshll.u32 v10, $0x7  }
0x4ad: {  	v10 =	vor.u32 v0, v10;
	_ =	sdelay $0x4  }
0x4ae: {  	[tilespmem:v10+s10+$0x0] =	vst.idx.msk $0xffff, v1  }
0x4af: {  	v10 =	vld [tilespmem:$0x810];
	_ =	sdelay $0x4  }
0x4b0: {  	v10 =	vshll.u32 v10, $0x7  }
0x4b1: {  	v10 =	vor.u32 v3, v10;
	_ =	sdelay $0x4  }
0x4b2: {  	[tilespmem:v10+s10+$0x0] =	vst.idx.msk $0xffff, v1  }
0x4b3: {  	v10 =	vld [tilespmem:$0x820];
	_ =	sdelay $0x4  }
0x4b4: {  	v10 =	vshll.u32 v10, $0x7  }
0x4b5: {  	v10 =	vor.u32 v4, v10;
	_ =	sdelay $0x4  }
0x4b6: {  	[tilespmem:v10+s10+$0x0] =	vst.idx.msk $0xffff, v1  }
0x4b7: {  	v10 =	vld [tilespmem:$0x830];
	_ =	sdelay $0x4  }
0x4b8: {  	v10 =	vshll.u32 v10, $0x7  }
0x4b9: {  	v10 =	vor.u32 v5, v10;
	_ =	sdelay $0x4  }
0x4ba: {  	[tilespmem:v10+s10+$0x0] =	vst.idx.msk $0xffff, v1  }
0x4bb: {  	v10 =	vld [tilespmem:$0x840];
	_ =	sdelay $0x4  }
0x4bc: {  	v10 =	vshll.u32 v10, $0x7  }
0x4bd: {  	v10 =	vor.u32 v6, v10;
	_ =	sdelay $0x4  }
0x4be: {  	[tilespmem:v10+s10+$0x0] =	vst.idx.msk $0xffff, v1  }
0x4bf: {  	v10 =	vld [tilespmem:$0x850];
	_ =	sdelay $0x4  }
0x4c0: {  	v10 =	vshll.u32 v10, $0x7  }
0x4c1: {  	v10 =	vor.u32 v7, v10;
	_ =	sdelay $0x4  }
0x4c2: {  	[tilespmem:v10+s10+$0x0] =	vst.idx.msk $0xffff, v1  }
0x4c3: {  	v10 =	vld [tilespmem:$0x860];
	_ =	sdelay $0x4  }
0x4c4: {  	v10 =	vshll.u32 v10, $0x7  }
0x4c5: {  	v10 =	vor.u32 v8, v10;
	_ =	sdelay $0x4  }
0x4c6: {  	[tilespmem:v10+s10+$0x0] =	vst.idx.msk $0xffff, v1  }
0x4c7: {  	v10 =	vld [tilespmem:$0x870];
	_ =	sdelay $0x4  }
0x4c8: {  	v10 =	vshll.u32 v10, $0x7  }
0x4c9: {  	v10 =	vor.u32 v9, v10;
	_ =	sdelay $0x4  }
0x4ca: {  	[tilespmem:v10+s10+$0x0] =	vst.idx.msk $0xffff, v1  }
0x4cb: {  	v10 =	vld [tilespmem:$0x880];
	_ =	sdelay $0x4  }
0x4cc: {  	v10 =	vshll.u32 v10, $0x7  }
0x4cd: {  	v10 =	vor.u32 v0, v10;
	_ =	sdelay $0x4  }
0x4ce: {  	[tilespmem:v10+s10+$0x0] =	vst.idx.msk $0xffff, v1  }
0x4cf: {  	v10 =	vld [tilespmem:$0x890];
	_ =	sdelay $0x4  }
0x4d0: {  	v10 =	vshll.u32 v10, $0x7  }
0x4d1: {  	v10 =	vor.u32 v3, v10;
	_ =	sdelay $0x4  }
0x4d2: {  	[tilespmem:v10+s10+$0x0] =	vst.idx.msk $0xffff, v1  }
0x4d3: {  	v10 =	vld [tilespmem:$0x8A0];
	_ =	sdelay $0x4  }
0x4d4: {  	v10 =	vshll.u32 v10, $0x7  }
0x4d5: {  	v10 =	vor.u32 v4, v10;
	_ =	sdelay $0x4  }
0x4d6: {  	[tilespmem:v10+s10+$0x0] =	vst.idx.msk $0xffff, v1  }
0x4d7: {  	v10 =	vld [tilespmem:$0x8B0];
	_ =	sdelay $0x4  }
0x4d8: {  	v10 =	vshll.u32 v10, $0x7  }
0x4d9: {  	v10 =	vor.u32 v5, v10;
	_ =	sdelay $0x4  }
0x4da: {  	[tilespmem:v10+s10+$0x0] =	vst.idx.msk $0xffff, v1  }
0x4db: {  	v10 =	vld [tilespmem:$0x8C0];
	_ =	sdelay $0x4  }
0x4dc: {  	v10 =	vshll.u32 v10, $0x7  }
0x4dd: {  	v10 =	vor.u32 v6, v10;
	_ =	sdelay $0x4  }
0x4de: {  	[tilespmem:v10+s10+$0x0] =	vst.idx.msk $0xffff, v1  }
0x4df: {  	v10 =	vld [tilespmem:$0x8D0];
	_ =	sdelay $0x4  }
0x4e0: {  	v10 =	vshll.u32 v10, $0x7  }
0x4e1: {  	v10 =	vor.u32 v7, v10;
	_ =	sdelay $0x4  }
0x4e2: {  	[tilespmem:v10+s10+$0x0] =	vst.idx.msk $0xffff, v1  }
0x4e3: {  	v10 =	vld [tilespmem:$0x8E0];
	_ =	sdelay $0x4  }
0x4e4: {  	v10 =	vshll.u32 v10, $0x7  }
0x4e5: {  	v10 =	vor.u32 v8, v10;
	_ =	sdelay $0x4  }
0x4e6: {  	[tilespmem:v10+s10+$0x0] =	vst.idx.msk $0xffff, v1  }
0x4e7: {  	v10 =	vld [tilespmem:$0x8F0];
	_ =	sdelay $0x4  }
0x4e8: {  	v10 =	vshll.u32 v10, $0x7  }
0x4e9: {  	v10 =	vor.u32 v9, v10;
	_ =	sdelay $0x4  }
0x4ea: {  	[tilespmem:v10+s10+$0x0] =	vst.idx.msk $0xffff, v1  }
0x4eb: {  	v10 =	vld [tilespmem:$0x900];
	_ =	sdelay $0x4  }
0x4ec: {  	v10 =	vshll.u32 v10, $0x7  }
0x4ed: {  	v10 =	vor.u32 v0, v10;
	_ =	sdelay $0x4  }
0x4ee: {  	[tilespmem:v10+s10+$0x0] =	vst.idx.msk $0xffff, v1  }
0x4ef: {  	v10 =	vld [tilespmem:$0x910];
	_ =	sdelay $0x4  }
0x4f0: {  	v10 =	vshll.u32 v10, $0x7  }
0x4f1: {  	v10 =	vor.u32 v3, v10;
	_ =	sdelay $0x4  }
0x4f2: {  	[tilespmem:v10+s10+$0x0] =	vst.idx.msk $0xffff, v1  }
0x4f3: {  	v10 =	vld [tilespmem:$0x920];
	_ =	sdelay $0x4  }
0x4f4: {  	v10 =	vshll.u32 v10, $0x7  }
0x4f5: {  	v10 =	vor.u32 v4, v10;
	_ =	sdelay $0x4  }
0x4f6: {  	[tilespmem:v10+s10+$0x0] =	vst.idx.msk $0xffff, v1  }
0x4f7: {  	v10 =	vld [tilespmem:$0x930];
	_ =	sdelay $0x4  }
0x4f8: {  	v10 =	vshll.u32 v10, $0x7  }
0x4f9: {  	v10 =	vor.u32 v5, v10;
	_ =	sdelay $0x4  }
0x4fa: {  	[tilespmem:v10+s10+$0x0] =	vst.idx.msk $0xffff, v1  }
0x4fb: {  	v10 =	vld [tilespmem:$0x940];
	_ =	sdelay $0x4  }
0x4fc: {  	v10 =	vshll.u32 v10, $0x7  }
0x4fd: {  	v10 =	vor.u32 v6, v10;
	_ =	sdelay $0x4  }
0x4fe: {  	[tilespmem:v10+s10+$0x0] =	vst.idx.msk $0xffff, v1  }
0x4ff: {  	v10 =	vld [tilespmem:$0x950];
	_ =	sdelay $0x4  }
0x500: {  	v10 =	vshll.u32 v10, $0x7  }
0x501: {  	v10 =	vor.u32 v7, v10;
	_ =	sdelay $0x4  }
0x502: {  	[tilespmem:v10+s10+$0x0] =	vst.idx.msk $0xffff, v1  }
0x503: {  	v10 =	vld [tilespmem:$0x960];
	_ =	sdelay $0x4  }
0x504: {  	v10 =	vshll.u32 v10, $0x7  }
0x505: {  	v10 =	vor.u32 v8, v10;
	_ =	sdelay $0x4  }
0x506: {  	[tilespmem:v10+s10+$0x0] =	vst.idx.msk $0xffff, v1  }
0x507: {  	v10 =	vld [tilespmem:$0x970];
	_ =	sdelay $0x4  }
0x508: {  	v10 =	vshll.u32 v10, $0x7  }
0x509: {  	v10 =	vor.u32 v9, v10;
	_ =	sdelay $0x4  }
0x50a: {  	[tilespmem:v10+s10+$0x0] =	vst.idx.msk $0xffff, v1  }
0x50b: {  	v10 =	vld [tilespmem:$0x980];
	_ =	sdelay $0x4  }
0x50c: {  	v10 =	vshll.u32 v10, $0x7  }
0x50d: {  	v10 =	vor.u32 v0, v10;
	_ =	sdelay $0x4  }
0x50e: {  	[tilespmem:v10+s10+$0x0] =	vst.idx.msk $0xffff, v1  }
0x50f: {  	v10 =	vld [tilespmem:$0x990];
	_ =	sdelay $0x4  }
0x510: {  	v10 =	vshll.u32 v10, $0x7  }
0x511: {  	v10 =	vor.u32 v3, v10;
	_ =	sdelay $0x4  }
0x512: {  	[tilespmem:v10+s10+$0x0] =	vst.idx.msk $0xffff, v1  }
0x513: {  	v10 =	vld [tilespmem:$0x9A0];
	_ =	sdelay $0x4  }
0x514: {  	v10 =	vshll.u32 v10, $0x7  }
0x515: {  	v10 =	vor.u32 v4, v10;
	_ =	sdelay $0x4  }
0x516: {  	[tilespmem:v10+s10+$0x0] =	vst.idx.msk $0xffff, v1  }
0x517: {  	v10 =	vld [tilespmem:$0x9B0];
	_ =	sdelay $0x4  }
0x518: {  	v10 =	vshll.u32 v10, $0x7  }
0x519: {  	v10 =	vor.u32 v5, v10;
	_ =	sdelay $0x4  }
0x51a: {  	[tilespmem:v10+s10+$0x0] =	vst.idx.msk $0xffff, v1  }
0x51b: {  	v10 =	vld [tilespmem:$0x9C0];
	_ =	sdelay $0x4  }
0x51c: {  	v10 =	vshll.u32 v10, $0x7  }
0x51d: {  	v10 =	vor.u32 v6, v10;
	_ =	sdelay $0x4  }
0x51e: {  	[tilespmem:v10+s10+$0x0] =	vst.idx.msk $0xffff, v1  }
0x51f: {  	v10 =	vld [tilespmem:$0x9D0];
	_ =	sdelay $0x4  }
0x520: {  	v10 =	vshll.u32 v10, $0x7  }
0x521: {  	v10 =	vor.u32 v7, v10;
	_ =	sdelay $0x4  }
0x522: {  	[tilespmem:v10+s10+$0x0] =	vst.idx.msk $0xffff, v1  }
0x523: {  	v10 =	vld [tilespmem:$0x9E0];
	_ =	sdelay $0x4  }
0x524: {  	v10 =	vshll.u32 v10, $0x7  }
0x525: {  	v10 =	vor.u32 v8, v10;
	_ =	sdelay $0x4  }
0x526: {  	[tilespmem:v10+s10+$0x0] =	vst.idx.msk $0xffff, v1  }
0x527: {  	v10 =	vld [tilespmem:$0x9F0];
	_ =	sdelay $0x4  }
0x528: {  	v10 =	vshll.u32 v10, $0x7  }
0x529: {  	v10 =	vor.u32 v9, v10  }
.Ltmp4:
0x52a: {  	_ = 	snop;
	(pc) =	sbr.rel .LBB2_4-.Ltmp4, $2  }
0x52b: {  	_ =	sdelay $0x2  }
0x52c: {  	s12 =	sadd.s32 $0x80, s12;
	[tilespmem:v10+s10+$0x0] =	vst.idx.msk $0xffff, v1  }
.LBB2_7:
0x52d: {  	_ =	sfence.sel $0x180000  }
0x52e: {  	[bflag:$0x0] =	sbarrier.arrive $0xFFFF  }
0x52f: {  	p0 =	sne.s32 s1, $0x0;
	_ =	strace $0x90000047  }
0x530: {  	s0 =	sadd.s32 @!p0 $0x100000, s0;
	[bflag:$0x2] =	sbarrier.arrive $0xFFFF  }
0x531: {  	[sflag:s0] =	ssyncadd.tile.s32 @!p0 $0x1;
	_ =	shalt  }
.Lfunc_end2:
_tile_overlayer_lowered:
.L_overlay_start_2:
0x532: {  	(tag) =	ssettag $0x2  }
0x533: {  	s0 =	rddreg [dreg:$0x0];
	s2 =	stileid.u32  }
0x534: {  	s1 =	rddreg [dreg:$0x1];
	p0 =	sne.s32 s2, $0x0  }
0x535: {  	s3 =	rddreg [dreg:$0x2];
	[bflag:$0x3] =	sbarrier.arrive $0xFFFF;
	s2 =	simm.s32 @!p0 $0x1C01  }
0x536: {  	[timem:s3], [sflag:s2] =	dma.local @!p0 [hbm:s0], s1  }
0x537: {  	s0 =	simm.s32 @!p0 $0x1  }
0x538: {  	_ =	swait.ge @!p0 [sflag:s0], s1  }
0x539: {  	s1 =	ssub.s32 @!p0 $0x0, s1;
	[sflag:s0] =	ssyncset.done @!p0 $0x0  }
0x53a: {  	[sflag:s0] =	ssyncadd.s32 @!p0 s1  }
0x53b: {  	[bflag:$0x3] =	sbarrier.arrive $0xFFFF  }
0x53c: {  	_ =	shalt  }

</sc_bundles>
